<compile_context>
chip_gen: v7x
topology: tpu7x:2x2x1
jax: 0.10.2.dev20260603
libtpu: 0.0.44.dev20260713+nightly
codegen_flags: <defaults>
</compile_context>

<pallas_src>
import functools

import jax
import jax.numpy as jnp
from jax import lax
from jax.experimental import pallas as pl
from jax.experimental.pallas import tpu as pltpu
from jax.experimental.pallas import tpu_sc as plsc

NUM_FEATURES = 26
VOCAB = 100000
EMBED_DIM = 32
BATCH = 16384

NUM_CORES = 2
NUM_SUBCORES = 16
NW = NUM_CORES * NUM_SUBCORES
TOTAL_ROWS = BATCH * NUM_FEATURES
ROWS_PER_W = TOTAL_ROWS // NW
CHUNK = 512
NCHUNK = ROWS_PER_W // CHUNK
NBUF = 6
PIPE = 4
LANES = 16

_mesh = plsc.VectorSubcoreMesh(core_axis_name="c", subcore_axis_name="s")


@functools.partial(
    pl.kernel,
    mesh=_mesh,
    compiler_params=pltpu.CompilerParams(use_tc_tiling_on_sc=False),
    out_type=jax.ShapeDtypeStruct((TOTAL_ROWS, EMBED_DIM), jnp.float32),
    scratch_types=[
        pltpu.VMEM((ROWS_PER_W,), jnp.int32),
        pltpu.VMEM((ROWS_PER_W,), jnp.int32),
        pltpu.VMEM((NBUF, CHUNK, EMBED_DIM), jnp.float32),
    ]
    + [pltpu.SemaphoreType.DMA] * (2 * NBUF),
)
def _embed(feat_h, offs_h, table_h, out_h, idx_v, offs_v, buf_v, *sems):
    gsems = sems[:NBUF]
    wsems = sems[NBUF:]
    wid = lax.axis_index("s") * NUM_CORES + lax.axis_index("c")
    base = pl.multiple_of(wid * ROWS_PER_W, ROWS_PER_W)

    pltpu.sync_copy(feat_h.at[pl.ds(base, ROWS_PER_W)], idx_v)
    pltpu.sync_copy(offs_h, offs_v)

    def add_body(i, carry):
        s = pl.ds(i * LANES, LANES)
        idx_v[s] = idx_v[s] + offs_v[s]
        return carry

    lax.fori_loop(0, ROWS_PER_W // LANES, add_body, 0)

    gather_h = [None] * NCHUNK
    write_h = [None] * NCHUNK

    def start_gather(g):
        s = g % NBUF
        gather_h[g] = pltpu.async_copy(
            table_h.at[idx_v.at[pl.ds(g * CHUNK, CHUNK)]], buf_v.at[s], gsems[s]
        )

    def start_write(g):
        s = g % NBUF
        write_h[g] = pltpu.async_copy(
            buf_v.at[s], out_h.at[pl.ds(base + g * CHUNK, CHUNK)], wsems[s]
        )

    for g in range(NCHUNK):
        if g >= NBUF:
            write_h[g - NBUF].wait()
        start_gather(g)
        if g >= PIPE:
            gather_h[g - PIPE].wait()
            start_write(g - PIPE)
    for g in range(NCHUNK - PIPE, NCHUNK):
        gather_h[g].wait()
        start_write(g)
    for g in range(NCHUNK - NBUF, NCHUNK):
        write_h[g].wait()


def kernel(features, tables):
    feat_flat = features.astype(jnp.int32).reshape(TOTAL_ROWS)
    table_flat = tables.reshape(NUM_FEATURES * VOCAB, EMBED_DIM)
    offs = jnp.tile(
        jnp.arange(NUM_FEATURES, dtype=jnp.int32) * VOCAB, ROWS_PER_W // NUM_FEATURES
    )
    out = _embed(feat_flat, offs, table_flat)
    return out.reshape(BATCH, NUM_FEATURES * EMBED_DIM)

# --- scband reference (transcript-rebuilt; emitter-appended) ---
"""Pipeline reference for scband-autoformer-feature-embedder-55327768707468 (READ-ONLY COPY).

The authoritative reference and input builder live on the scoring server;
editing this copy changes nothing except your own understanding.
"""

import jax, jax.numpy as jnp
import numpy as np

NUM_FEATURES = 26
VOCAB = 100000
EMBED_DIM = 32
BATCH = 16384


def setup_inputs(seed: int = 0) -> dict:
    key = jax.random.key(seed)
    k_feat, k_tab = jax.random.split(key)
    features = jax.random.randint(k_feat, (BATCH, NUM_FEATURES), 0, VOCAB, dtype=jnp.int64 if jax.config.jax_enable_x64 else jnp.int32)
    # All 26 embedding tables have identical shape [VOCAB, EMBED_DIM]; stack them.
    tables = jax.random.normal(k_tab, (NUM_FEATURES, VOCAB, EMBED_DIM), dtype=jnp.float32) * 0.02
    return {"features": features, "tables": tables}


def reference(features, tables):
    # Faithful translation of AutoformerFeatureEmbedder.forward:
    # chunk features along last dim into num_features slices, embed each, concat.
    outs = []
    for i in range(NUM_FEATURES):
        idx = features[:, i]  # squeeze(-1) of the chunk
        outs.append(jnp.take(tables[i], idx, axis=0))
    return jnp.concatenate(outs, axis=-1)

if __name__ == "__main__":
    import jax
    _d = setup_inputs()
    print(jax.jit(kernel)(*tuple(_d.values())))

</pallas_src>

<mosaic_0001>
#map = affine_map<(d0, d1) -> (0)>
#map1 = affine_map<(d0, d1) -> (0, 0)>
module attributes {stable_mosaic.version = 14 : i64} {
  func.func @_embed(%arg0: i32, %arg1: i32, %arg2: memref<425984xi32, #tpu.memory_space<hbm>>, %arg3: memref<13312xi32, #tpu.memory_space<hbm>>, %arg4: memref<2600000x32xf32, #tpu.memory_space<hbm>>, %arg5: memref<425984x32xf32, #tpu.memory_space<hbm>>, %arg6: memref<13312xi32, #tpu.memory_space<vmem>>, %arg7: memref<13312xi32, #tpu.memory_space<vmem>>, %arg8: memref<6x512x32xf32, #tpu.memory_space<vmem>>, %arg9: memref<!tpu.dma_semaphore, #tpu.memory_space<semaphore_mem>>, %arg10: memref<!tpu.dma_semaphore, #tpu.memory_space<semaphore_mem>>, %arg11: memref<!tpu.dma_semaphore, #tpu.memory_space<semaphore_mem>>, %arg12: memref<!tpu.dma_semaphore, #tpu.memory_space<semaphore_mem>>, %arg13: memref<!tpu.dma_semaphore, #tpu.memory_space<semaphore_mem>>, %arg14: memref<!tpu.dma_semaphore, #tpu.memory_space<semaphore_mem>>, %arg15: memref<!tpu.dma_semaphore, #tpu.memory_space<semaphore_mem>>, %arg16: memref<!tpu.dma_semaphore, #tpu.memory_space<semaphore_mem>>, %arg17: memref<!tpu.dma_semaphore, #tpu.memory_space<semaphore_mem>>, %arg18: memref<!tpu.dma_semaphore, #tpu.memory_space<semaphore_mem>>, %arg19: memref<!tpu.dma_semaphore, #tpu.memory_space<semaphore_mem>>, %arg20: memref<!tpu.dma_semaphore, #tpu.memory_space<semaphore_mem>>) attributes {dimension_semantics = [#tpu.dimension_semantics<core_parallel>, #tpu.dimension_semantics<subcore_parallel>], iteration_bounds = array<i64: 2, 16>, scalar_prefetch = 0 : i64, scratch_operands = 15 : i64, tpu.core_type = #tpu.core_type<sc_vector_subcore>, window_params = [{transform_indices = #map}, {transform_indices = #map}, {transform_indices = #map1}, {transform_indices = #map1}]} {
    %mul3A = arith.constant 2 : i32
    %mul3A_0 = arith.muli %arg1, %mul3A : i32
    %add3A = arith.addi %mul3A_0, %arg0 : i32
    %mul3A_1 = arith.constant 13312 : i32
    %mul3A_2 = arith.muli %add3A, %mul3A_1 : i32
    %multiple_of3A = tpu.assume_multiple %mul3A_2, 13312 : i32
    "tpu.region"() ({
      %run_scoped3A = tpu.sem_alloc : memref<!tpu.dma_semaphore, #tpu.memory_space<semaphore_mem>>
      %dma_start3A_1254 = tpu.memref_slice %arg2[%multiple_of3A] : memref<425984xi32, #tpu.memory_space<hbm>> -> memref<13312xi32, #tpu.memory_space<hbm>>
      %dma_start3A_1255 = tpu.memref_slice %arg2[%multiple_of3A] : memref<425984xi32, #tpu.memory_space<hbm>> -> memref<13312xi32, #tpu.memory_space<hbm>>
      tpu.enqueue_dma source(%dma_start3A_1255 : memref<13312xi32, #tpu.memory_space<hbm>>) target(%arg6 : memref<13312xi32, #tpu.memory_space<vmem>>) target_semaphore(%run_scoped3A : memref<!tpu.dma_semaphore, #tpu.memory_space<semaphore_mem>>)
      %dma_wait3A_1256 = tpu.memref_slice %arg2[%multiple_of3A] : memref<425984xi32, #tpu.memory_space<hbm>> -> memref<13312xi32, #tpu.memory_space<hbm>>
      %dma_wait3A_1257 = tpu.memref_slice %arg2[%multiple_of3A] : memref<425984xi32, #tpu.memory_space<hbm>> -> memref<13312xi32, #tpu.memory_space<hbm>>
      tpu.wait_dma2 semaphore(%run_scoped3A : memref<!tpu.dma_semaphore, #tpu.memory_space<semaphore_mem>>) src(%dma_wait3A_1257 : memref<13312xi32, #tpu.memory_space<hbm>>) dst(%arg6 : memref<13312xi32, #tpu.memory_space<vmem>>)
      tpu.yield
    }) : () -> ()
    "tpu.region"() ({
      %run_scoped3A = tpu.sem_alloc : memref<!tpu.dma_semaphore, #tpu.memory_space<semaphore_mem>>
      tpu.enqueue_dma source(%arg3 : memref<13312xi32, #tpu.memory_space<hbm>>) target(%arg7 : memref<13312xi32, #tpu.memory_space<vmem>>) target_semaphore(%run_scoped3A : memref<!tpu.dma_semaphore, #tpu.memory_space<semaphore_mem>>)
      tpu.wait_dma2 semaphore(%run_scoped3A : memref<!tpu.dma_semaphore, #tpu.memory_space<semaphore_mem>>) src(%arg3 : memref<13312xi32, #tpu.memory_space<hbm>>) dst(%arg7 : memref<13312xi32, #tpu.memory_space<vmem>>)
      tpu.yield
    }) : () -> ()
    %scan3A = arith.constant 0 : i32
    %scan3A_3 = arith.constant 0 : i32
    %scan3A_4 = arith.constant 832 : i32
    %scan3A_5 = arith.addi %scan3A_3, %scan3A_4 : i32
    %scan3A_6 = arith.constant 1 : i32
    scf.for %scan3A_1254 = %scan3A_3 to %scan3A_5 step %scan3A_6  : i32 {
      %mul3A_1255 = arith.constant 16 : i32
      %mul3A_1256 = arith.muli %scan3A_1254, %mul3A_1255 : i32
      %get3A = arith.index_cast %mul3A_1256 : i32 to index
      %get3A_1257 = tpu.vector_load %arg6[%get3A] {strides = array<i32>} : memref<13312xi32, #tpu.memory_space<vmem>>, vector<16xi32>,
      %get3A_1258 = vector.shape_cast %get3A_1257 : vector<16xi32> to vector<16xi32>
      %get3A_1259 = arith.index_cast %mul3A_1256 : i32 to index
      %get3A_1260 = tpu.vector_load %arg7[%get3A_1259] {strides = array<i32>} : memref<13312xi32, #tpu.memory_space<vmem>>, vector<16xi32>,
      %get3A_1261 = vector.shape_cast %get3A_1260 : vector<16xi32> to vector<16xi32>
      %add3A_1262 = arith.addi %get3A_1258, %get3A_1261 : vector<16xi32>
      %swap3A = arith.index_cast %mul3A_1256 : i32 to index
      %swap3A_1263 = tpu.vector_load %arg6[%swap3A] {strides = array<i32>} : memref<13312xi32, #tpu.memory_space<vmem>>, vector<16xi32>,
      %swap3A_1264 = vector.shape_cast %swap3A_1263 : vector<16xi32> to vector<16xi32>
      %swap3A_1265 = vector.shape_cast %add3A_1262 : vector<16xi32> to vector<16xi32>
      tpu.vector_store %arg6[%swap3A], %swap3A_1265 {strides = array<i32>} : memref<13312xi32, #tpu.memory_space<vmem>>, vector<16xi32>,
    }
    %scan3A_7 = arith.constant 832 : i32
    %dma_start3A = arith.constant 0 : i32
    %dma_start3A_8 = arith.constant 0 : i32
    %dma_start3A_9 = arith.constant 0 : i32
    %dma_start3A_10 = tpu.memref_slice %arg8[%dma_start3A, %dma_start3A_8, %dma_start3A_9] : memref<6x512x32xf32, #tpu.memory_space<vmem>> -> memref<1x512x32xf32, #tpu.memory_space<vmem>>
    %dma_start3A_11 = tpu.memref_squeeze %dma_start3A_10 : memref<1x512x32xf32, #tpu.memory_space<vmem>> -> memref<512x32xf32, #tpu.memory_space<vmem>>
    %dma_start3A_12 = arith.constant 0 : i32
    %dma_start3A_13 = tpu.memref_slice %arg6[%dma_start3A_12] : memref<13312xi32, #tpu.memory_space<vmem>> -> memref<512xi32, #tpu.memory_space<vmem>>
    %dma_start3A_14 = arith.constant 0 : i32
    %dma_start3A_15 = arith.constant 0 : i32
    %dma_start3A_16 = tpu.memref_slice %arg4[%dma_start3A_14, %dma_start3A_15] : memref<2600000x32xf32, #tpu.memory_space<hbm>> -> memref<2600000x32xf32, #tpu.memory_space<hbm>>
    tpu.enqueue_indirect_dma source(%dma_start3A_16 : memref<2600000x32xf32, #tpu.memory_space<hbm>>) target(%dma_start3A_11 : memref<512x32xf32, #tpu.memory_space<vmem>>) offsets(%dma_start3A_13 : memref<512xi32, #tpu.memory_space<vmem>>) semaphore(%arg9 : memref<!tpu.dma_semaphore, #tpu.memory_space<semaphore_mem>>)
    %dma_start3A_17 = arith.constant 1 : i32
    %dma_start3A_18 = arith.constant 0 : i32
    %dma_start3A_19 = arith.constant 0 : i32
    %dma_start3A_20 = tpu.memref_slice %arg8[%dma_start3A_17, %dma_start3A_18, %dma_start3A_19] : memref<6x512x32xf32, #tpu.memory_space<vmem>> -> memref<1x512x32xf32, #tpu.memory_space<vmem>>
    %dma_start3A_21 = tpu.memref_squeeze %dma_start3A_20 : memref<1x512x32xf32, #tpu.memory_space<vmem>> -> memref<512x32xf32, #tpu.memory_space<vmem>>
    %dma_start3A_22 = arith.constant 512 : i32
    %dma_start3A_23 = tpu.memref_slice %arg6[%dma_start3A_22] : memref<13312xi32, #tpu.memory_space<vmem>> -> memref<512xi32, #tpu.memory_space<vmem>>
    %dma_start3A_24 = arith.constant 0 : i32
    %dma_start3A_25 = arith.constant 0 : i32
    %dma_start3A_26 = tpu.memref_slice %arg4[%dma_start3A_24, %dma_start3A_25] : memref<2600000x32xf32, #tpu.memory_space<hbm>> -> memref<2600000x32xf32, #tpu.memory_space<hbm>>
    tpu.enqueue_indirect_dma source(%dma_start3A_26 : memref<2600000x32xf32, #tpu.memory_space<hbm>>) target(%dma_start3A_21 : memref<512x32xf32, #tpu.memory_space<vmem>>) offsets(%dma_start3A_23 : memref<512xi32, #tpu.memory_space<vmem>>) semaphore(%arg10 : memref<!tpu.dma_semaphore, #tpu.memory_space<semaphore_mem>>)
    %dma_start3A_27 = arith.constant 2 : i32
    %dma_start3A_28 = arith.constant 0 : i32
    %dma_start3A_29 = arith.constant 0 : i32
    %dma_start3A_30 = tpu.memref_slice %arg8[%dma_start3A_27, %dma_start3A_28, %dma_start3A_29] : memref<6x512x32xf32, #tpu.memory_space<vmem>> -> memref<1x512x32xf32, #tpu.memory_space<vmem>>
    %dma_start3A_31 = tpu.memref_squeeze %dma_start3A_30 : memref<1x512x32xf32, #tpu.memory_space<vmem>> -> memref<512x32xf32, #tpu.memory_space<vmem>>
    %dma_start3A_32 = arith.constant 1024 : i32
    %dma_start3A_33 = tpu.memref_slice %arg6[%dma_start3A_32] : memref<13312xi32, #tpu.memory_space<vmem>> -> memref<512xi32, #tpu.memory_space<vmem>>
    %dma_start3A_34 = arith.constant 0 : i32
    %dma_start3A_35 = arith.constant 0 : i32
    %dma_start3A_36 = tpu.memref_slice %arg4[%dma_start3A_34, %dma_start3A_35] : memref<2600000x32xf32, #tpu.memory_space<hbm>> -> memref<2600000x32xf32, #tpu.memory_space<hbm>>
    tpu.enqueue_indirect_dma source(%dma_start3A_36 : memref<2600000x32xf32, #tpu.memory_space<hbm>>) target(%dma_start3A_31 : memref<512x32xf32, #tpu.memory_space<vmem>>) offsets(%dma_start3A_33 : memref<512xi32, #tpu.memory_space<vmem>>) semaphore(%arg11 : memref<!tpu.dma_semaphore, #tpu.memory_space<semaphore_mem>>)
    %dma_start3A_37 = arith.constant 3 : i32
    %dma_start3A_38 = arith.constant 0 : i32
    %dma_start3A_39 = arith.constant 0 : i32
    %dma_start3A_40 = tpu.memref_slice %arg8[%dma_start3A_37, %dma_start3A_38, %dma_start3A_39] : memref<6x512x32xf32, #tpu.memory_space<vmem>> -> memref<1x512x32xf32, #tpu.memory_space<vmem>>
    %dma_start3A_41 = tpu.memref_squeeze %dma_start3A_40 : memref<1x512x32xf32, #tpu.memory_space<vmem>> -> memref<512x32xf32, #tpu.memory_space<vmem>>
    %dma_start3A_42 = arith.constant 1536 : i32
    %dma_start3A_43 = tpu.memref_slice %arg6[%dma_start3A_42] : memref<13312xi32, #tpu.memory_space<vmem>> -> memref<512xi32, #tpu.memory_space<vmem>>
    %dma_start3A_44 = arith.constant 0 : i32
    %dma_start3A_45 = arith.constant 0 : i32
    %dma_start3A_46 = tpu.memref_slice %arg4[%dma_start3A_44, %dma_start3A_45] : memref<2600000x32xf32, #tpu.memory_space<hbm>> -> memref<2600000x32xf32, #tpu.memory_space<hbm>>
    tpu.enqueue_indirect_dma source(%dma_start3A_46 : memref<2600000x32xf32, #tpu.memory_space<hbm>>) target(%dma_start3A_41 : memref<512x32xf32, #tpu.memory_space<vmem>>) offsets(%dma_start3A_43 : memref<512xi32, #tpu.memory_space<vmem>>) semaphore(%arg12 : memref<!tpu.dma_semaphore, #tpu.memory_space<semaphore_mem>>)
    %dma_start3A_47 = arith.constant 4 : i32
    %dma_start3A_48 = arith.constant 0 : i32
    %dma_start3A_49 = arith.constant 0 : i32
    %dma_start3A_50 = tpu.memref_slice %arg8[%dma_start3A_47, %dma_start3A_48, %dma_start3A_49] : memref<6x512x32xf32, #tpu.memory_space<vmem>> -> memref<1x512x32xf32, #tpu.memory_space<vmem>>
    %dma_start3A_51 = tpu.memref_squeeze %dma_start3A_50 : memref<1x512x32xf32, #tpu.memory_space<vmem>> -> memref<512x32xf32, #tpu.memory_space<vmem>>
    %dma_start3A_52 = arith.constant 2048 : i32
    %dma_start3A_53 = tpu.memref_slice %arg6[%dma_start3A_52] : memref<13312xi32, #tpu.memory_space<vmem>> -> memref<512xi32, #tpu.memory_space<vmem>>
    %dma_start3A_54 = arith.constant 0 : i32
    %dma_start3A_55 = arith.constant 0 : i32
    %dma_start3A_56 = tpu.memref_slice %arg4[%dma_start3A_54, %dma_start3A_55] : memref<2600000x32xf32, #tpu.memory_space<hbm>> -> memref<2600000x32xf32, #tpu.memory_space<hbm>>
    tpu.enqueue_indirect_dma source(%dma_start3A_56 : memref<2600000x32xf32, #tpu.memory_space<hbm>>) target(%dma_start3A_51 : memref<512x32xf32, #tpu.memory_space<vmem>>) offsets(%dma_start3A_53 : memref<512xi32, #tpu.memory_space<vmem>>) semaphore(%arg13 : memref<!tpu.dma_semaphore, #tpu.memory_space<semaphore_mem>>)
    %dma_wait3A = arith.constant 0 : i32
    %dma_wait3A_57 = arith.constant 0 : i32
    %dma_wait3A_58 = arith.constant 0 : i32
    %dma_wait3A_59 = tpu.memref_slice %arg8[%dma_wait3A, %dma_wait3A_57, %dma_wait3A_58] : memref<6x512x32xf32, #tpu.memory_space<vmem>> -> memref<1x512x32xf32, #tpu.memory_space<vmem>>
    %dma_wait3A_60 = tpu.memref_squeeze %dma_wait3A_59 : memref<1x512x32xf32, #tpu.memory_space<vmem>> -> memref<512x32xf32, #tpu.memory_space<vmem>>
    %dma_wait3A_61 = arith.constant 0 : i32
    %dma_wait3A_62 = tpu.memref_slice %arg6[%dma_wait3A_61] : memref<13312xi32, #tpu.memory_space<vmem>> -> memref<512xi32, #tpu.memory_space<vmem>>
    %dma_wait3A_63 = arith.constant 0 : i32
    %dma_wait3A_64 = arith.constant 0 : i32
    %dma_wait3A_65 = tpu.memref_slice %arg4[%dma_wait3A_63, %dma_wait3A_64] : memref<2600000x32xf32, #tpu.memory_space<hbm>> -> memref<2600000x32xf32, #tpu.memory_space<hbm>>
    tpu.wait_indirect_dma semaphore(%arg9 : memref<!tpu.dma_semaphore, #tpu.memory_space<semaphore_mem>>) src(%dma_wait3A_65 : memref<2600000x32xf32, #tpu.memory_space<hbm>>) dst(%dma_wait3A_60 : memref<512x32xf32, #tpu.memory_space<vmem>>)
    %add3A_66 = arith.constant 0 : i32
    %add3A_67 = arith.addi %multiple_of3A, %add3A_66 : i32
    %dma_start3A_68 = arith.constant 0 : i32
    %dma_start3A_69 = arith.constant 0 : i32
    %dma_start3A_70 = arith.constant 0 : i32
    %dma_start3A_71 = tpu.memref_slice %arg8[%dma_start3A_68, %dma_start3A_69, %dma_start3A_70] : memref<6x512x32xf32, #tpu.memory_space<vmem>> -> memref<1x512x32xf32, #tpu.memory_space<vmem>>
    %dma_start3A_72 = tpu.memref_squeeze %dma_start3A_71 : memref<1x512x32xf32, #tpu.memory_space<vmem>> -> memref<512x32xf32, #tpu.memory_space<vmem>>
    %dma_start3A_73 = arith.constant 0 : i32
    %dma_start3A_74 = tpu.memref_slice %arg5[%add3A_67, %dma_start3A_73] : memref<425984x32xf32, #tpu.memory_space<hbm>> -> memref<512x32xf32, #tpu.memory_space<hbm>>
    %dma_start3A_75 = arith.constant 0 : i32
    %dma_start3A_76 = tpu.memref_slice %arg5[%add3A_67, %dma_start3A_75] : memref<425984x32xf32, #tpu.memory_space<hbm>> -> memref<512x32xf32, #tpu.memory_space<hbm>>
    %dma_start3A_77 = arith.constant 0 : i32
    %dma_start3A_78 = arith.constant 0 : i32
    %dma_start3A_79 = tpu.memref_slice %arg8[%dma_start3A_68, %dma_start3A_77, %dma_start3A_78] : memref<6x512x32xf32, #tpu.memory_space<vmem>> -> memref<1x512x32xf32, #tpu.memory_space<vmem>>
    %dma_start3A_80 = tpu.memref_squeeze %dma_start3A_79 : memref<1x512x32xf32, #tpu.memory_space<vmem>> -> memref<512x32xf32, #tpu.memory_space<vmem>>
    tpu.enqueue_dma source(%dma_start3A_80 : memref<512x32xf32, #tpu.memory_space<vmem>>) target(%dma_start3A_76 : memref<512x32xf32, #tpu.memory_space<hbm>>) target_semaphore(%arg15 : memref<!tpu.dma_semaphore, #tpu.memory_space<semaphore_mem>>)
    %dma_start3A_81 = arith.constant 5 : i32
    %dma_start3A_82 = arith.constant 0 : i32
    %dma_start3A_83 = arith.constant 0 : i32
    %dma_start3A_84 = tpu.memref_slice %arg8[%dma_start3A_81, %dma_start3A_82, %dma_start3A_83] : memref<6x512x32xf32, #tpu.memory_space<vmem>> -> memref<1x512x32xf32, #tpu.memory_space<vmem>>
    %dma_start3A_85 = tpu.memref_squeeze %dma_start3A_84 : memref<1x512x32xf32, #tpu.memory_space<vmem>> -> memref<512x32xf32, #tpu.memory_space<vmem>>
    %dma_start3A_86 = arith.constant 2560 : i32
    %dma_start3A_87 = tpu.memref_slice %arg6[%dma_start3A_86] : memref<13312xi32, #tpu.memory_space<vmem>> -> memref<512xi32, #tpu.memory_space<vmem>>
    %dma_start3A_88 = arith.constant 0 : i32
    %dma_start3A_89 = arith.constant 0 : i32
    %dma_start3A_90 = tpu.memref_slice %arg4[%dma_start3A_88, %dma_start3A_89] : memref<2600000x32xf32, #tpu.memory_space<hbm>> -> memref<2600000x32xf32, #tpu.memory_space<hbm>>
    tpu.enqueue_indirect_dma source(%dma_start3A_90 : memref<2600000x32xf32, #tpu.memory_space<hbm>>) target(%dma_start3A_85 : memref<512x32xf32, #tpu.memory_space<vmem>>) offsets(%dma_start3A_87 : memref<512xi32, #tpu.memory_space<vmem>>) semaphore(%arg14 : memref<!tpu.dma_semaphore, #tpu.memory_space<semaphore_mem>>)
    %dma_wait3A_91 = arith.constant 1 : i32
    %dma_wait3A_92 = arith.constant 0 : i32
    %dma_wait3A_93 = arith.constant 0 : i32
    %dma_wait3A_94 = tpu.memref_slice %arg8[%dma_wait3A_91, %dma_wait3A_92, %dma_wait3A_93] : memref<6x512x32xf32, #tpu.memory_space<vmem>> -> memref<1x512x32xf32, #tpu.memory_space<vmem>>
    %dma_wait3A_95 = tpu.memref_squeeze %dma_wait3A_94 : memref<1x512x32xf32, #tpu.memory_space<vmem>> -> memref<512x32xf32, #tpu.memory_space<vmem>>
    %dma_wait3A_96 = arith.constant 512 : i32
    %dma_wait3A_97 = tpu.memref_slice %arg6[%dma_wait3A_96] : memref<13312xi32, #tpu.memory_space<vmem>> -> memref<512xi32, #tpu.memory_space<vmem>>
    %dma_wait3A_98 = arith.constant 0 : i32
    %dma_wait3A_99 = arith.constant 0 : i32
    %dma_wait3A_100 = tpu.memref_slice %arg4[%dma_wait3A_98, %dma_wait3A_99] : memref<2600000x32xf32, #tpu.memory_space<hbm>> -> memref<2600000x32xf32, #tpu.memory_space<hbm>>
    tpu.wait_indirect_dma semaphore(%arg10 : memref<!tpu.dma_semaphore, #tpu.memory_space<semaphore_mem>>) src(%dma_wait3A_100 : memref<2600000x32xf32, #tpu.memory_space<hbm>>) dst(%dma_wait3A_95 : memref<512x32xf32, #tpu.memory_space<vmem>>)
    %add3A_101 = arith.constant 512 : i32
    %add3A_102 = arith.addi %multiple_of3A, %add3A_101 : i32
    %dma_start3A_103 = arith.constant 1 : i32
    %dma_start3A_104 = arith.constant 0 : i32
    %dma_start3A_105 = arith.constant 0 : i32
    %dma_start3A_106 = tpu.memref_slice %arg8[%dma_start3A_103, %dma_start3A_104, %dma_start3A_105] : memref<6x512x32xf32, #tpu.memory_space<vmem>> -> memref<1x512x32xf32, #tpu.memory_space<vmem>>
    %dma_start3A_107 = tpu.memref_squeeze %dma_start3A_106 : memref<1x512x32xf32, #tpu.memory_space<vmem>> -> memref<512x32xf32, #tpu.memory_space<vmem>>
    %dma_start3A_108 = arith.constant 0 : i32
    %dma_start3A_109 = tpu.memref_slice %arg5[%add3A_102, %dma_start3A_108] : memref<425984x32xf32, #tpu.memory_space<hbm>> -> memref<512x32xf32, #tpu.memory_space<hbm>>
    %dma_start3A_110 = arith.constant 0 : i32
    %dma_start3A_111 = tpu.memref_slice %arg5[%add3A_102, %dma_start3A_110] : memref<425984x32xf32, #tpu.memory_space<hbm>> -> memref<512x32xf32, #tpu.memory_space<hbm>>
    %dma_start3A_112 = arith.constant 0 : i32
    %dma_start3A_113 = arith.constant 0 : i32
    %dma_start3A_114 = tpu.memref_slice %arg8[%dma_start3A_103, %dma_start3A_112, %dma_start3A_113] : memref<6x512x32xf32, #tpu.memory_space<vmem>> -> memref<1x512x32xf32, #tpu.memory_space<vmem>>
    %dma_start3A_115 = tpu.memref_squeeze %dma_start3A_114 : memref<1x512x32xf32, #tpu.memory_space<vmem>> -> memref<512x32xf32, #tpu.memory_space<vmem>>
    tpu.enqueue_dma source(%dma_start3A_115 : memref<512x32xf32, #tpu.memory_space<vmem>>) target(%dma_start3A_111 : memref<512x32xf32, #tpu.memory_space<hbm>>) target_semaphore(%arg16 : memref<!tpu.dma_semaphore, #tpu.memory_space<semaphore_mem>>)
    %dma_wait3A_116 = arith.constant 0 : i32
    %dma_wait3A_117 = arith.constant 0 : i32
    %dma_wait3A_118 = arith.constant 0 : i32
    %dma_wait3A_119 = tpu.memref_slice %arg8[%dma_wait3A_116, %dma_wait3A_117, %dma_wait3A_118] : memref<6x512x32xf32, #tpu.memory_space<vmem>> -> memref<1x512x32xf32, #tpu.memory_space<vmem>>
    %dma_wait3A_120 = tpu.memref_squeeze %dma_wait3A_119 : memref<1x512x32xf32, #tpu.memory_space<vmem>> -> memref<512x32xf32, #tpu.memory_space<vmem>>
    %dma_wait3A_121 = arith.constant 0 : i32
    %dma_wait3A_122 = tpu.memref_slice %arg5[%add3A_67, %dma_wait3A_121] : memref<425984x32xf32, #tpu.memory_space<hbm>> -> memref<512x32xf32, #tpu.memory_space<hbm>>
    %dma_wait3A_123 = arith.constant 0 : i32
    %dma_wait3A_124 = tpu.memref_slice %arg5[%add3A_67, %dma_wait3A_123] : memref<425984x32xf32, #tpu.memory_space<hbm>> -> memref<512x32xf32, #tpu.memory_space<hbm>>
    %dma_wait3A_125 = arith.constant 0 : i32
    %dma_wait3A_126 = arith.constant 0 : i32
    %dma_wait3A_127 = tpu.memref_slice %arg8[%dma_wait3A_116, %dma_wait3A_125, %dma_wait3A_126] : memref<6x512x32xf32, #tpu.memory_space<vmem>> -> memref<1x512x32xf32, #tpu.memory_space<vmem>>
    %dma_wait3A_128 = tpu.memref_squeeze %dma_wait3A_127 : memref<1x512x32xf32, #tpu.memory_space<vmem>> -> memref<512x32xf32, #tpu.memory_space<vmem>>
    tpu.wait_dma2 semaphore(%arg15 : memref<!tpu.dma_semaphore, #tpu.memory_space<semaphore_mem>>) src(%dma_wait3A_128 : memref<512x32xf32, #tpu.memory_space<vmem>>) dst(%dma_wait3A_124 : memref<512x32xf32, #tpu.memory_space<hbm>>)
    %dma_start3A_129 = arith.constant 0 : i32
    %dma_start3A_130 = arith.constant 0 : i32
    %dma_start3A_131 = arith.constant 0 : i32
    %dma_start3A_132 = tpu.memref_slice %arg8[%dma_start3A_129, %dma_start3A_130, %dma_start3A_131] : memref<6x512x32xf32, #tpu.memory_space<vmem>> -> memref<1x512x32xf32, #tpu.memory_space<vmem>>
    %dma_start3A_133 = tpu.memref_squeeze %dma_start3A_132 : memref<1x512x32xf32, #tpu.memory_space<vmem>> -> memref<512x32xf32, #tpu.memory_space<vmem>>
    %dma_start3A_134 = arith.constant 3072 : i32
    %dma_start3A_135 = tpu.memref_slice %arg6[%dma_start3A_134] : memref<13312xi32, #tpu.memory_space<vmem>> -> memref<512xi32, #tpu.memory_space<vmem>>
    %dma_start3A_136 = arith.constant 0 : i32
    %dma_start3A_137 = arith.constant 0 : i32
    %dma_start3A_138 = tpu.memref_slice %arg4[%dma_start3A_136, %dma_start3A_137] : memref<2600000x32xf32, #tpu.memory_space<hbm>> -> memref<2600000x32xf32, #tpu.memory_space<hbm>>
    tpu.enqueue_indirect_dma source(%dma_start3A_138 : memref<2600000x32xf32, #tpu.memory_space<hbm>>) target(%dma_start3A_133 : memref<512x32xf32, #tpu.memory_space<vmem>>) offsets(%dma_start3A_135 : memref<512xi32, #tpu.memory_space<vmem>>) semaphore(%arg9 : memref<!tpu.dma_semaphore, #tpu.memory_space<semaphore_mem>>)
    %dma_wait3A_139 = arith.constant 2 : i32
    %dma_wait3A_140 = arith.constant 0 : i32
    %dma_wait3A_141 = arith.constant 0 : i32
    %dma_wait3A_142 = tpu.memref_slice %arg8[%dma_wait3A_139, %dma_wait3A_140, %dma_wait3A_141] : memref<6x512x32xf32, #tpu.memory_space<vmem>> -> memref<1x512x32xf32, #tpu.memory_space<vmem>>
    %dma_wait3A_143 = tpu.memref_squeeze %dma_wait3A_142 : memref<1x512x32xf32, #tpu.memory_space<vmem>> -> memref<512x32xf32, #tpu.memory_space<vmem>>
    %dma_wait3A_144 = arith.constant 1024 : i32
    %dma_wait3A_145 = tpu.memref_slice %arg6[%dma_wait3A_144] : memref<13312xi32, #tpu.memory_space<vmem>> -> memref<512xi32, #tpu.memory_space<vmem>>
    %dma_wait3A_146 = arith.constant 0 : i32
    %dma_wait3A_147 = arith.constant 0 : i32
    %dma_wait3A_148 = tpu.memref_slice %arg4[%dma_wait3A_146, %dma_wait3A_147] : memref<2600000x32xf32, #tpu.memory_space<hbm>> -> memref<2600000x32xf32, #tpu.memory_space<hbm>>
    tpu.wait_indirect_dma semaphore(%arg11 : memref<!tpu.dma_semaphore, #tpu.memory_space<semaphore_mem>>) src(%dma_wait3A_148 : memref<2600000x32xf32, #tpu.memory_space<hbm>>) dst(%dma_wait3A_143 : memref<512x32xf32, #tpu.memory_space<vmem>>)
    %add3A_149 = arith.constant 1024 : i32
    %add3A_150 = arith.addi %multiple_of3A, %add3A_149 : i32
    %dma_start3A_151 = arith.constant 2 : i32
    %dma_start3A_152 = arith.constant 0 : i32
    %dma_start3A_153 = arith.constant 0 : i32
    %dma_start3A_154 = tpu.memref_slice %arg8[%dma_start3A_151, %dma_start3A_152, %dma_start3A_153] : memref<6x512x32xf32, #tpu.memory_space<vmem>> -> memref<1x512x32xf32, #tpu.memory_space<vmem>>
    %dma_start3A_155 = tpu.memref_squeeze %dma_start3A_154 : memref<1x512x32xf32, #tpu.memory_space<vmem>> -> memref<512x32xf32, #tpu.memory_space<vmem>>
    %dma_start3A_156 = arith.constant 0 : i32
    %dma_start3A_157 = tpu.memref_slice %arg5[%add3A_150, %dma_start3A_156] : memref<425984x32xf32, #tpu.memory_space<hbm>> -> memref<512x32xf32, #tpu.memory_space<hbm>>
    %dma_start3A_158 = arith.constant 0 : i32
    %dma_start3A_159 = tpu.memref_slice %arg5[%add3A_150, %dma_start3A_158] : memref<425984x32xf32, #tpu.memory_space<hbm>> -> memref<512x32xf32, #tpu.memory_space<hbm>>
    %dma_start3A_160 = arith.constant 0 : i32
    %dma_start3A_161 = arith.constant 0 : i32
    %dma_start3A_162 = tpu.memref_slice %arg8[%dma_start3A_151, %dma_start3A_160, %dma_start3A_161] : memref<6x512x32xf32, #tpu.memory_space<vmem>> -> memref<1x512x32xf32, #tpu.memory_space<vmem>>
    %dma_start3A_163 = tpu.memref_squeeze %dma_start3A_162 : memref<1x512x32xf32, #tpu.memory_space<vmem>> -> memref<512x32xf32, #tpu.memory_space<vmem>>
    tpu.enqueue_dma source(%dma_start3A_163 : memref<512x32xf32, #tpu.memory_space<vmem>>) target(%dma_start3A_159 : memref<512x32xf32, #tpu.memory_space<hbm>>) target_semaphore(%arg17 : memref<!tpu.dma_semaphore, #tpu.memory_space<semaphore_mem>>)
    %dma_wait3A_164 = arith.constant 1 : i32
    %dma_wait3A_165 = arith.constant 0 : i32
    %dma_wait3A_166 = arith.constant 0 : i32
    %dma_wait3A_167 = tpu.memref_slice %arg8[%dma_wait3A_164, %dma_wait3A_165, %dma_wait3A_166] : memref<6x512x32xf32, #tpu.memory_space<vmem>> -> memref<1x512x32xf32, #tpu.memory_space<vmem>>
    %dma_wait3A_168 = tpu.memref_squeeze %dma_wait3A_167 : memref<1x512x32xf32, #tpu.memory_space<vmem>> -> memref<512x32xf32, #tpu.memory_space<vmem>>
    %dma_wait3A_169 = arith.constant 0 : i32
    %dma_wait3A_170 = tpu.memref_slice %arg5[%add3A_102, %dma_wait3A_169] : memref<425984x32xf32, #tpu.memory_space<hbm>> -> memref<512x32xf32, #tpu.memory_space<hbm>>
    %dma_wait3A_171 = arith.constant 0 : i32
    %dma_wait3A_172 = tpu.memref_slice %arg5[%add3A_102, %dma_wait3A_171] : memref<425984x32xf32, #tpu.memory_space<hbm>> -> memref<512x32xf32, #tpu.memory_space<hbm>>
    %dma_wait3A_173 = arith.constant 0 : i32
    %dma_wait3A_174 = arith.constant 0 : i32
    %dma_wait3A_175 = tpu.memref_slice %arg8[%dma_wait3A_164, %dma_wait3A_173, %dma_wait3A_174] : memref<6x512x32xf32, #tpu.memory_space<vmem>> -> memref<1x512x32xf32, #tpu.memory_space<vmem>>
    %dma_wait3A_176 = tpu.memref_squeeze %dma_wait3A_175 : memref<1x512x32xf32, #tpu.memory_space<vmem>> -> memref<512x32xf32, #tpu.memory_space<vmem>>
    tpu.wait_dma2 semaphore(%arg16 : memref<!tpu.dma_semaphore, #tpu.memory_space<semaphore_mem>>) src(%dma_wait3A_176 : memref<512x32xf32, #tpu.memory_space<vmem>>) dst(%dma_wait3A_172 : memref<512x32xf32, #tpu.memory_space<hbm>>)
    %dma_start3A_177 = arith.constant 1 : i32
    %dma_start3A_178 = arith.constant 0 : i32
    %dma_start3A_179 = arith.constant 0 : i32
    %dma_start3A_180 = tpu.memref_slice %arg8[%dma_start3A_177, %dma_start3A_178, %dma_start3A_179] : memref<6x512x32xf32, #tpu.memory_space<vmem>> -> memref<1x512x32xf32, #tpu.memory_space<vmem>>
    %dma_start3A_181 = tpu.memref_squeeze %dma_start3A_180 : memref<1x512x32xf32, #tpu.memory_space<vmem>> -> memref<512x32xf32, #tpu.memory_space<vmem>>
    %dma_start3A_182 = arith.constant 3584 : i32
    %dma_start3A_183 = tpu.memref_slice %arg6[%dma_start3A_182] : memref<13312xi32, #tpu.memory_space<vmem>> -> memref<512xi32, #tpu.memory_space<vmem>>
    %dma_start3A_184 = arith.constant 0 : i32
    %dma_start3A_185 = arith.constant 0 : i32
    %dma_start3A_186 = tpu.memref_slice %arg4[%dma_start3A_184, %dma_start3A_185] : memref<2600000x32xf32, #tpu.memory_space<hbm>> -> memref<2600000x32xf32, #tpu.memory_space<hbm>>
    tpu.enqueue_indirect_dma source(%dma_start3A_186 : memref<2600000x32xf32, #tpu.memory_space<hbm>>) target(%dma_start3A_181 : memref<512x32xf32, #tpu.memory_space<vmem>>) offsets(%dma_start3A_183 : memref<512xi32, #tpu.memory_space<vmem>>) semaphore(%arg10 : memref<!tpu.dma_semaphore, #tpu.memory_space<semaphore_mem>>)
    %dma_wait3A_187 = arith.constant 3 : i32
    %dma_wait3A_188 = arith.constant 0 : i32
    %dma_wait3A_189 = arith.constant 0 : i32
    %dma_wait3A_190 = tpu.memref_slice %arg8[%dma_wait3A_187, %dma_wait3A_188, %dma_wait3A_189] : memref<6x512x32xf32, #tpu.memory_space<vmem>> -> memref<1x512x32xf32, #tpu.memory_space<vmem>>
    %dma_wait3A_191 = tpu.memref_squeeze %dma_wait3A_190 : memref<1x512x32xf32, #tpu.memory_space<vmem>> -> memref<512x32xf32, #tpu.memory_space<vmem>>
    %dma_wait3A_192 = arith.constant 1536 : i32
    %dma_wait3A_193 = tpu.memref_slice %arg6[%dma_wait3A_192] : memref<13312xi32, #tpu.memory_space<vmem>> -> memref<512xi32, #tpu.memory_space<vmem>>
    %dma_wait3A_194 = arith.constant 0 : i32
    %dma_wait3A_195 = arith.constant 0 : i32
    %dma_wait3A_196 = tpu.memref_slice %arg4[%dma_wait3A_194, %dma_wait3A_195] : memref<2600000x32xf32, #tpu.memory_space<hbm>> -> memref<2600000x32xf32, #tpu.memory_space<hbm>>
    tpu.wait_indirect_dma semaphore(%arg12 : memref<!tpu.dma_semaphore, #tpu.memory_space<semaphore_mem>>) src(%dma_wait3A_196 : memref<2600000x32xf32, #tpu.memory_space<hbm>>) dst(%dma_wait3A_191 : memref<512x32xf32, #tpu.memory_space<vmem>>)
    %add3A_197 = arith.constant 1536 : i32
    %add3A_198 = arith.addi %multiple_of3A, %add3A_197 : i32
    %dma_start3A_199 = arith.constant 3 : i32
    %dma_start3A_200 = arith.constant 0 : i32
    %dma_start3A_201 = arith.constant 0 : i32
    %dma_start3A_202 = tpu.memref_slice %arg8[%dma_start3A_199, %dma_start3A_200, %dma_start3A_201] : memref<6x512x32xf32, #tpu.memory_space<vmem>> -> memref<1x512x32xf32, #tpu.memory_space<vmem>>
    %dma_start3A_203 = tpu.memref_squeeze %dma_start3A_202 : memref<1x512x32xf32, #tpu.memory_space<vmem>> -> memref<512x32xf32, #tpu.memory_space<vmem>>
    %dma_start3A_204 = arith.constant 0 : i32
    %dma_start3A_205 = tpu.memref_slice %arg5[%add3A_198, %dma_start3A_204] : memref<425984x32xf32, #tpu.memory_space<hbm>> -> memref<512x32xf32, #tpu.memory_space<hbm>>
    %dma_start3A_206 = arith.constant 0 : i32
    %dma_start3A_207 = tpu.memref_slice %arg5[%add3A_198, %dma_start3A_206] : memref<425984x32xf32, #tpu.memory_space<hbm>> -> memref<512x32xf32, #tpu.memory_space<hbm>>
    %dma_start3A_208 = arith.constant 0 : i32
    %dma_start3A_209 = arith.constant 0 : i32
    %dma_start3A_210 = tpu.memref_slice %arg8[%dma_start3A_199, %dma_start3A_208, %dma_start3A_209] : memref<6x512x32xf32, #tpu.memory_space<vmem>> -> memref<1x512x32xf32, #tpu.memory_space<vmem>>
    %dma_start3A_211 = tpu.memref_squeeze %dma_start3A_210 : memref<1x512x32xf32, #tpu.memory_space<vmem>> -> memref<512x32xf32, #tpu.memory_space<vmem>>
    tpu.enqueue_dma source(%dma_start3A_211 : memref<512x32xf32, #tpu.memory_space<vmem>>) target(%dma_start3A_207 : memref<512x32xf32, #tpu.memory_space<hbm>>) target_semaphore(%arg18 : memref<!tpu.dma_semaphore, #tpu.memory_space<semaphore_mem>>)
    %dma_wait3A_212 = arith.constant 2 : i32
    %dma_wait3A_213 = arith.constant 0 : i32
    %dma_wait3A_214 = arith.constant 0 : i32
    %dma_wait3A_215 = tpu.memref_slice %arg8[%dma_wait3A_212, %dma_wait3A_213, %dma_wait3A_214] : memref<6x512x32xf32, #tpu.memory_space<vmem>> -> memref<1x512x32xf32, #tpu.memory_space<vmem>>
    %dma_wait3A_216 = tpu.memref_squeeze %dma_wait3A_215 : memref<1x512x32xf32, #tpu.memory_space<vmem>> -> memref<512x32xf32, #tpu.memory_space<vmem>>
    %dma_wait3A_217 = arith.constant 0 : i32
    %dma_wait3A_218 = tpu.memref_slice %arg5[%add3A_150, %dma_wait3A_217] : memref<425984x32xf32, #tpu.memory_space<hbm>> -> memref<512x32xf32, #tpu.memory_space<hbm>>
    %dma_wait3A_219 = arith.constant 0 : i32
    %dma_wait3A_220 = tpu.memref_slice %arg5[%add3A_150, %dma_wait3A_219] : memref<425984x32xf32, #tpu.memory_space<hbm>> -> memref<512x32xf32, #tpu.memory_space<hbm>>
    %dma_wait3A_221 = arith.constant 0 : i32
    %dma_wait3A_222 = arith.constant 0 : i32
    %dma_wait3A_223 = tpu.memref_slice %arg8[%dma_wait3A_212, %dma_wait3A_221, %dma_wait3A_222] : memref<6x512x32xf32, #tpu.memory_space<vmem>> -> memref<1x512x32xf32, #tpu.memory_space<vmem>>
    %dma_wait3A_224 = tpu.memref_squeeze %dma_wait3A_223 : memref<1x512x32xf32, #tpu.memory_space<vmem>> -> memref<512x32xf32, #tpu.memory_space<vmem>>
    tpu.wait_dma2 semaphore(%arg17 : memref<!tpu.dma_semaphore, #tpu.memory_space<semaphore_mem>>) src(%dma_wait3A_224 : memref<512x32xf32, #tpu.memory_space<vmem>>) dst(%dma_wait3A_220 : memref<512x32xf32, #tpu.memory_space<hbm>>)
    %dma_start3A_225 = arith.constant 2 : i32
    %dma_start3A_226 = arith.constant 0 : i32
    %dma_start3A_227 = arith.constant 0 : i32
    %dma_start3A_228 = tpu.memref_slice %arg8[%dma_start3A_225, %dma_start3A_226, %dma_start3A_227] : memref<6x512x32xf32, #tpu.memory_space<vmem>> -> memref<1x512x32xf32, #tpu.memory_space<vmem>>
    %dma_start3A_229 = tpu.memref_squeeze %dma_start3A_228 : memref<1x512x32xf32, #tpu.memory_space<vmem>> -> memref<512x32xf32, #tpu.memory_space<vmem>>
    %dma_start3A_230 = arith.constant 4096 : i32
    %dma_start3A_231 = tpu.memref_slice %arg6[%dma_start3A_230] : memref<13312xi32, #tpu.memory_space<vmem>> -> memref<512xi32, #tpu.memory_space<vmem>>
    %dma_start3A_232 = arith.constant 0 : i32
    %dma_start3A_233 = arith.constant 0 : i32
    %dma_start3A_234 = tpu.memref_slice %arg4[%dma_start3A_232, %dma_start3A_233] : memref<2600000x32xf32, #tpu.memory_space<hbm>> -> memref<2600000x32xf32, #tpu.memory_space<hbm>>
    tpu.enqueue_indirect_dma source(%dma_start3A_234 : memref<2600000x32xf32, #tpu.memory_space<hbm>>) target(%dma_start3A_229 : memref<512x32xf32, #tpu.memory_space<vmem>>) offsets(%dma_start3A_231 : memref<512xi32, #tpu.memory_space<vmem>>) semaphore(%arg11 : memref<!tpu.dma_semaphore, #tpu.memory_space<semaphore_mem>>)
    %dma_wait3A_235 = arith.constant 4 : i32
    %dma_wait3A_236 = arith.constant 0 : i32
    %dma_wait3A_237 = arith.constant 0 : i32
    %dma_wait3A_238 = tpu.memref_slice %arg8[%dma_wait3A_235, %dma_wait3A_236, %dma_wait3A_237] : memref<6x512x32xf32, #tpu.memory_space<vmem>> -> memref<1x512x32xf32, #tpu.memory_space<vmem>>
    %dma_wait3A_239 = tpu.memref_squeeze %dma_wait3A_238 : memref<1x512x32xf32, #tpu.memory_space<vmem>> -> memref<512x32xf32, #tpu.memory_space<vmem>>
    %dma_wait3A_240 = arith.constant 2048 : i32
    %dma_wait3A_241 = tpu.memref_slice %arg6[%dma_wait3A_240] : memref<13312xi32, #tpu.memory_space<vmem>> -> memref<512xi32, #tpu.memory_space<vmem>>
    %dma_wait3A_242 = arith.constant 0 : i32
    %dma_wait3A_243 = arith.constant 0 : i32
    %dma_wait3A_244 = tpu.memref_slice %arg4[%dma_wait3A_242, %dma_wait3A_243] : memref<2600000x32xf32, #tpu.memory_space<hbm>> -> memref<2600000x32xf32, #tpu.memory_space<hbm>>
    tpu.wait_indirect_dma semaphore(%arg13 : memref<!tpu.dma_semaphore, #tpu.memory_space<semaphore_mem>>) src(%dma_wait3A_244 : memref<2600000x32xf32, #tpu.memory_space<hbm>>) dst(%dma_wait3A_239 : memref<512x32xf32, #tpu.memory_space<vmem>>)
    %add3A_245 = arith.constant 2048 : i32
    %add3A_246 = arith.addi %multiple_of3A, %add3A_245 : i32
    %dma_start3A_247 = arith.constant 4 : i32
    %dma_start3A_248 = arith.constant 0 : i32
    %dma_start3A_249 = arith.constant 0 : i32
    %dma_start3A_250 = tpu.memref_slice %arg8[%dma_start3A_247, %dma_start3A_248, %dma_start3A_249] : memref<6x512x32xf32, #tpu.memory_space<vmem>> -> memref<1x512x32xf32, #tpu.memory_space<vmem>>
    %dma_start3A_251 = tpu.memref_squeeze %dma_start3A_250 : memref<1x512x32xf32, #tpu.memory_space<vmem>> -> memref<512x32xf32, #tpu.memory_space<vmem>>
    %dma_start3A_252 = arith.constant 0 : i32
    %dma_start3A_253 = tpu.memref_slice %arg5[%add3A_246, %dma_start3A_252] : memref<425984x32xf32, #tpu.memory_space<hbm>> -> memref<512x32xf32, #tpu.memory_space<hbm>>
    %dma_start3A_254 = arith.constant 0 : i32
    %dma_start3A_255 = tpu.memref_slice %arg5[%add3A_246, %dma_start3A_254] : memref<425984x32xf32, #tpu.memory_space<hbm>> -> memref<512x32xf32, #tpu.memory_space<hbm>>
    %dma_start3A_256 = arith.constant 0 : i32
    %dma_start3A_257 = arith.constant 0 : i32
    %dma_start3A_258 = tpu.memref_slice %arg8[%dma_start3A_247, %dma_start3A_256, %dma_start3A_257] : memref<6x512x32xf32, #tpu.memory_space<vmem>> -> memref<1x512x32xf32, #tpu.memory_space<vmem>>
    %dma_start3A_259 = tpu.memref_squeeze %dma_start3A_258 : memref<1x512x32xf32, #tpu.memory_space<vmem>> -> memref<512x32xf32, #tpu.memory_space<vmem>>
    tpu.enqueue_dma source(%dma_start3A_259 : memref<512x32xf32, #tpu.memory_space<vmem>>) target(%dma_start3A_255 : memref<512x32xf32, #tpu.memory_space<hbm>>) target_semaphore(%arg19 : memref<!tpu.dma_semaphore, #tpu.memory_space<semaphore_mem>>)
    %dma_wait3A_260 = arith.constant 3 : i32
    %dma_wait3A_261 = arith.constant 0 : i32
    %dma_wait3A_262 = arith.constant 0 : i32
    %dma_wait3A_263 = tpu.memref_slice %arg8[%dma_wait3A_260, %dma_wait3A_261, %dma_wait3A_262] : memref<6x512x32xf32, #tpu.memory_space<vmem>> -> memref<1x512x32xf32, #tpu.memory_space<vmem>>
    %dma_wait3A_264 = tpu.memref_squeeze %dma_wait3A_263 : memref<1x512x32xf32, #tpu.memory_space<vmem>> -> memref<512x32xf32, #tpu.memory_space<vmem>>
    %dma_wait3A_265 = arith.constant 0 : i32
    %dma_wait3A_266 = tpu.memref_slice %arg5[%add3A_198, %dma_wait3A_265] : memref<425984x32xf32, #tpu.memory_space<hbm>> -> memref<512x32xf32, #tpu.memory_space<hbm>>
    %dma_wait3A_267 = arith.constant 0 : i32
    %dma_wait3A_268 = tpu.memref_slice %arg5[%add3A_198, %dma_wait3A_267] : memref<425984x32xf32, #tpu.memory_space<hbm>> -> memref<512x32xf32, #tpu.memory_space<hbm>>
    %dma_wait3A_269 = arith.constant 0 : i32
    %dma_wait3A_270 = arith.constant 0 : i32
    %dma_wait3A_271 = tpu.memref_slice %arg8[%dma_wait3A_260, %dma_wait3A_269, %dma_wait3A_270] : memref<6x512x32xf32, #tpu.memory_space<vmem>> -> memref<1x512x32xf32, #tpu.memory_space<vmem>>
    %dma_wait3A_272 = tpu.memref_squeeze %dma_wait3A_271 : memref<1x512x32xf32, #tpu.memory_space<vmem>> -> memref<512x32xf32, #tpu.memory_space<vmem>>
    tpu.wait_dma2 semaphore(%arg18 : memref<!tpu.dma_semaphore, #tpu.memory_space<semaphore_mem>>) src(%dma_wait3A_272 : memref<512x32xf32, #tpu.memory_space<vmem>>) dst(%dma_wait3A_268 : memref<512x32xf32, #tpu.memory_space<hbm>>)
    %dma_start3A_273 = arith.constant 3 : i32
    %dma_start3A_274 = arith.constant 0 : i32
    %dma_start3A_275 = arith.constant 0 : i32
    %dma_start3A_276 = tpu.memref_slice %arg8[%dma_start3A_273, %dma_start3A_274, %dma_start3A_275] : memref<6x512x32xf32, #tpu.memory_space<vmem>> -> memref<1x512x32xf32, #tpu.memory_space<vmem>>
    %dma_start3A_277 = tpu.memref_squeeze %dma_start3A_276 : memref<1x512x32xf32, #tpu.memory_space<vmem>> -> memref<512x32xf32, #tpu.memory_space<vmem>>
    %dma_start3A_278 = arith.constant 4608 : i32
    %dma_start3A_279 = tpu.memref_slice %arg6[%dma_start3A_278] : memref<13312xi32, #tpu.memory_space<vmem>> -> memref<512xi32, #tpu.memory_space<vmem>>
    %dma_start3A_280 = arith.constant 0 : i32
    %dma_start3A_281 = arith.constant 0 : i32
    %dma_start3A_282 = tpu.memref_slice %arg4[%dma_start3A_280, %dma_start3A_281] : memref<2600000x32xf32, #tpu.memory_space<hbm>> -> memref<2600000x32xf32, #tpu.memory_space<hbm>>
    tpu.enqueue_indirect_dma source(%dma_start3A_282 : memref<2600000x32xf32, #tpu.memory_space<hbm>>) target(%dma_start3A_277 : memref<512x32xf32, #tpu.memory_space<vmem>>) offsets(%dma_start3A_279 : memref<512xi32, #tpu.memory_space<vmem>>) semaphore(%arg12 : memref<!tpu.dma_semaphore, #tpu.memory_space<semaphore_mem>>)
    %dma_wait3A_283 = arith.constant 5 : i32
    %dma_wait3A_284 = arith.constant 0 : i32
    %dma_wait3A_285 = arith.constant 0 : i32
    %dma_wait3A_286 = tpu.memref_slice %arg8[%dma_wait3A_283, %dma_wait3A_284, %dma_wait3A_285] : memref<6x512x32xf32, #tpu.memory_space<vmem>> -> memref<1x512x32xf32, #tpu.memory_space<vmem>>
    %dma_wait3A_287 = tpu.memref_squeeze %dma_wait3A_286 : memref<1x512x32xf32, #tpu.memory_space<vmem>> -> memref<512x32xf32, #tpu.memory_space<vmem>>
    %dma_wait3A_288 = arith.constant 2560 : i32
    %dma_wait3A_289 = tpu.memref_slice %arg6[%dma_wait3A_288] : memref<13312xi32, #tpu.memory_space<vmem>> -> memref<512xi32, #tpu.memory_space<vmem>>
    %dma_wait3A_290 = arith.constant 0 : i32
    %dma_wait3A_291 = arith.constant 0 : i32
    %dma_wait3A_292 = tpu.memref_slice %arg4[%dma_wait3A_290, %dma_wait3A_291] : memref<2600000x32xf32, #tpu.memory_space<hbm>> -> memref<2600000x32xf32, #tpu.memory_space<hbm>>
    tpu.wait_indirect_dma semaphore(%arg14 : memref<!tpu.dma_semaphore, #tpu.memory_space<semaphore_mem>>) src(%dma_wait3A_292 : memref<2600000x32xf32, #tpu.memory_space<hbm>>) dst(%dma_wait3A_287 : memref<512x32xf32, #tpu.memory_space<vmem>>)
    %add3A_293 = arith.constant 2560 : i32
    %add3A_294 = arith.addi %multiple_of3A, %add3A_293 : i32
    %dma_start3A_295 = arith.constant 5 : i32
    %dma_start3A_296 = arith.constant 0 : i32
    %dma_start3A_297 = arith.constant 0 : i32
    %dma_start3A_298 = tpu.memref_slice %arg8[%dma_start3A_295, %dma_start3A_296, %dma_start3A_297] : memref<6x512x32xf32, #tpu.memory_space<vmem>> -> memref<1x512x32xf32, #tpu.memory_space<vmem>>
    %dma_start3A_299 = tpu.memref_squeeze %dma_start3A_298 : memref<1x512x32xf32, #tpu.memory_space<vmem>> -> memref<512x32xf32, #tpu.memory_space<vmem>>
    %dma_start3A_300 = arith.constant 0 : i32
    %dma_start3A_301 = tpu.memref_slice %arg5[%add3A_294, %dma_start3A_300] : memref<425984x32xf32, #tpu.memory_space<hbm>> -> memref<512x32xf32, #tpu.memory_space<hbm>>
    %dma_start3A_302 = arith.constant 0 : i32
    %dma_start3A_303 = tpu.memref_slice %arg5[%add3A_294, %dma_start3A_302] : memref<425984x32xf32, #tpu.memory_space<hbm>> -> memref<512x32xf32, #tpu.memory_space<hbm>>
    %dma_start3A_304 = arith.constant 0 : i32
    %dma_start3A_305 = arith.constant 0 : i32
    %dma_start3A_306 = tpu.memref_slice %arg8[%dma_start3A_295, %dma_start3A_304, %dma_start3A_305] : memref<6x512x32xf32, #tpu.memory_space<vmem>> -> memref<1x512x32xf32, #tpu.memory_space<vmem>>
    %dma_start3A_307 = tpu.memref_squeeze %dma_start3A_306 : memref<1x512x32xf32, #tpu.memory_space<vmem>> -> memref<512x32xf32, #tpu.memory_space<vmem>>
    tpu.enqueue_dma source(%dma_start3A_307 : memref<512x32xf32, #tpu.memory_space<vmem>>) target(%dma_start3A_303 : memref<512x32xf32, #tpu.memory_space<hbm>>) target_semaphore(%arg20 : memref<!tpu.dma_semaphore, #tpu.memory_space<semaphore_mem>>)
    %dma_wait3A_308 = arith.constant 4 : i32
    %dma_wait3A_309 = arith.constant 0 : i32
    %dma_wait3A_310 = arith.constant 0 : i32
    %dma_wait3A_311 = tpu.memref_slice %arg8[%dma_wait3A_308, %dma_wait3A_309, %dma_wait3A_310] : memref<6x512x32xf32, #tpu.memory_space<vmem>> -> memref<1x512x32xf32, #tpu.memory_space<vmem>>
    %dma_wait3A_312 = tpu.memref_squeeze %dma_wait3A_311 : memref<1x512x32xf32, #tpu.memory_space<vmem>> -> memref<512x32xf32, #tpu.memory_space<vmem>>
    %dma_wait3A_313 = arith.constant 0 : i32
    %dma_wait3A_314 = tpu.memref_slice %arg5[%add3A_246, %dma_wait3A_313] : memref<425984x32xf32, #tpu.memory_space<hbm>> -> memref<512x32xf32, #tpu.memory_space<hbm>>
    %dma_wait3A_315 = arith.constant 0 : i32
    %dma_wait3A_316 = tpu.memref_slice %arg5[%add3A_246, %dma_wait3A_315] : memref<425984x32xf32, #tpu.memory_space<hbm>> -> memref<512x32xf32, #tpu.memory_space<hbm>>
    %dma_wait3A_317 = arith.constant 0 : i32
    %dma_wait3A_318 = arith.constant 0 : i32
    %dma_wait3A_319 = tpu.memref_slice %arg8[%dma_wait3A_308, %dma_wait3A_317, %dma_wait3A_318] : memref<6x512x32xf32, #tpu.memory_space<vmem>> -> memref<1x512x32xf32, #tpu.memory_space<vmem>>
    %dma_wait3A_320 = tpu.memref_squeeze %dma_wait3A_319 : memref<1x512x32xf32, #tpu.memory_space<vmem>> -> memref<512x32xf32, #tpu.memory_space<vmem>>
    tpu.wait_dma2 semaphore(%arg19 : memref<!tpu.dma_semaphore, #tpu.memory_space<semaphore_mem>>) src(%dma_wait3A_320 : memref<512x32xf32, #tpu.memory_space<vmem>>) dst(%dma_wait3A_316 : memref<512x32xf32, #tpu.memory_space<hbm>>)
    %dma_start3A_321 = arith.constant 4 : i32
    %dma_start3A_322 = arith.constant 0 : i32
    %dma_start3A_323 = arith.constant 0 : i32
    %dma_start3A_324 = tpu.memref_slice %arg8[%dma_start3A_321, %dma_start3A_322, %dma_start3A_323] : memref<6x512x32xf32, #tpu.memory_space<vmem>> -> memref<1x512x32xf32, #tpu.memory_space<vmem>>
    %dma_start3A_325 = tpu.memref_squeeze %dma_start3A_324 : memref<1x512x32xf32, #tpu.memory_space<vmem>> -> memref<512x32xf32, #tpu.memory_space<vmem>>
    %dma_start3A_326 = arith.constant 5120 : i32
    %dma_start3A_327 = tpu.memref_slice %arg6[%dma_start3A_326] : memref<13312xi32, #tpu.memory_space<vmem>> -> memref<512xi32, #tpu.memory_space<vmem>>
    %dma_start3A_328 = arith.constant 0 : i32
    %dma_start3A_329 = arith.constant 0 : i32
    %dma_start3A_330 = tpu.memref_slice %arg4[%dma_start3A_328, %dma_start3A_329] : memref<2600000x32xf32, #tpu.memory_space<hbm>> -> memref<2600000x32xf32, #tpu.memory_space<hbm>>
    tpu.enqueue_indirect_dma source(%dma_start3A_330 : memref<2600000x32xf32, #tpu.memory_space<hbm>>) target(%dma_start3A_325 : memref<512x32xf32, #tpu.memory_space<vmem>>) offsets(%dma_start3A_327 : memref<512xi32, #tpu.memory_space<vmem>>) semaphore(%arg13 : memref<!tpu.dma_semaphore, #tpu.memory_space<semaphore_mem>>)
    %dma_wait3A_331 = arith.constant 0 : i32
    %dma_wait3A_332 = arith.constant 0 : i32
    %dma_wait3A_333 = arith.constant 0 : i32
    %dma_wait3A_334 = tpu.memref_slice %arg8[%dma_wait3A_331, %dma_wait3A_332, %dma_wait3A_333] : memref<6x512x32xf32, #tpu.memory_space<vmem>> -> memref<1x512x32xf32, #tpu.memory_space<vmem>>
    %dma_wait3A_335 = tpu.memref_squeeze %dma_wait3A_334 : memref<1x512x32xf32, #tpu.memory_space<vmem>> -> memref<512x32xf32, #tpu.memory_space<vmem>>
    %dma_wait3A_336 = arith.constant 3072 : i32
    %dma_wait3A_337 = tpu.memref_slice %arg6[%dma_wait3A_336] : memref<13312xi32, #tpu.memory_space<vmem>> -> memref<512xi32, #tpu.memory_space<vmem>>
    %dma_wait3A_338 = arith.constant 0 : i32
    %dma_wait3A_339 = arith.constant 0 : i32
    %dma_wait3A_340 = tpu.memref_slice %arg4[%dma_wait3A_338, %dma_wait3A_339] : memref<2600000x32xf32, #tpu.memory_space<hbm>> -> memref<2600000x32xf32, #tpu.memory_space<hbm>>
    tpu.wait_indirect_dma semaphore(%arg9 : memref<!tpu.dma_semaphore, #tpu.memory_space<semaphore_mem>>) src(%dma_wait3A_340 : memref<2600000x32xf32, #tpu.memory_space<hbm>>) dst(%dma_wait3A_335 : memref<512x32xf32, #tpu.memory_space<vmem>>)
    %add3A_341 = arith.constant 3072 : i32
    %add3A_342 = arith.addi %multiple_of3A, %add3A_341 : i32
    %dma_start3A_343 = arith.constant 0 : i32
    %dma_start3A_344 = arith.constant 0 : i32
    %dma_start3A_345 = arith.constant 0 : i32
    %dma_start3A_346 = tpu.memref_slice %arg8[%dma_start3A_343, %dma_start3A_344, %dma_start3A_345] : memref<6x512x32xf32, #tpu.memory_space<vmem>> -> memref<1x512x32xf32, #tpu.memory_space<vmem>>
    %dma_start3A_347 = tpu.memref_squeeze %dma_start3A_346 : memref<1x512x32xf32, #tpu.memory_space<vmem>> -> memref<512x32xf32, #tpu.memory_space<vmem>>
    %dma_start3A_348 = arith.constant 0 : i32
    %dma_start3A_349 = tpu.memref_slice %arg5[%add3A_342, %dma_start3A_348] : memref<425984x32xf32, #tpu.memory_space<hbm>> -> memref<512x32xf32, #tpu.memory_space<hbm>>
    %dma_start3A_350 = arith.constant 0 : i32
    %dma_start3A_351 = tpu.memref_slice %arg5[%add3A_342, %dma_start3A_350] : memref<425984x32xf32, #tpu.memory_space<hbm>> -> memref<512x32xf32, #tpu.memory_space<hbm>>
    %dma_start3A_352 = arith.constant 0 : i32
    %dma_start3A_353 = arith.constant 0 : i32
    %dma_start3A_354 = tpu.memref_slice %arg8[%dma_start3A_343, %dma_start3A_352, %dma_start3A_353] : memref<6x512x32xf32, #tpu.memory_space<vmem>> -> memref<1x512x32xf32, #tpu.memory_space<vmem>>
    %dma_start3A_355 = tpu.memref_squeeze %dma_start3A_354 : memref<1x512x32xf32, #tpu.memory_space<vmem>> -> memref<512x32xf32, #tpu.memory_space<vmem>>
    tpu.enqueue_dma source(%dma_start3A_355 : memref<512x32xf32, #tpu.memory_space<vmem>>) target(%dma_start3A_351 : memref<512x32xf32, #tpu.memory_space<hbm>>) target_semaphore(%arg15 : memref<!tpu.dma_semaphore, #tpu.memory_space<semaphore_mem>>)
    %dma_wait3A_356 = arith.constant 5 : i32
    %dma_wait3A_357 = arith.constant 0 : i32
    %dma_wait3A_358 = arith.constant 0 : i32
    %dma_wait3A_359 = tpu.memref_slice %arg8[%dma_wait3A_356, %dma_wait3A_357, %dma_wait3A_358] : memref<6x512x32xf32, #tpu.memory_space<vmem>> -> memref<1x512x32xf32, #tpu.memory_space<vmem>>
    %dma_wait3A_360 = tpu.memref_squeeze %dma_wait3A_359 : memref<1x512x32xf32, #tpu.memory_space<vmem>> -> memref<512x32xf32, #tpu.memory_space<vmem>>
    %dma_wait3A_361 = arith.constant 0 : i32
    %dma_wait3A_362 = tpu.memref_slice %arg5[%add3A_294, %dma_wait3A_361] : memref<425984x32xf32, #tpu.memory_space<hbm>> -> memref<512x32xf32, #tpu.memory_space<hbm>>
    %dma_wait3A_363 = arith.constant 0 : i32
    %dma_wait3A_364 = tpu.memref_slice %arg5[%add3A_294, %dma_wait3A_363] : memref<425984x32xf32, #tpu.memory_space<hbm>> -> memref<512x32xf32, #tpu.memory_space<hbm>>
    %dma_wait3A_365 = arith.constant 0 : i32
    %dma_wait3A_366 = arith.constant 0 : i32
    %dma_wait3A_367 = tpu.memref_slice %arg8[%dma_wait3A_356, %dma_wait3A_365, %dma_wait3A_366] : memref<6x512x32xf32, #tpu.memory_space<vmem>> -> memref<1x512x32xf32, #tpu.memory_space<vmem>>
    %dma_wait3A_368 = tpu.memref_squeeze %dma_wait3A_367 : memref<1x512x32xf32, #tpu.memory_space<vmem>> -> memref<512x32xf32, #tpu.memory_space<vmem>>
    tpu.wait_dma2 semaphore(%arg20 : memref<!tpu.dma_semaphore, #tpu.memory_space<semaphore_mem>>) src(%dma_wait3A_368 : memref<512x32xf32, #tpu.memory_space<vmem>>) dst(%dma_wait3A_364 : memref<512x32xf32, #tpu.memory_space<hbm>>)
    %dma_start3A_369 = arith.constant 5 : i32
    %dma_start3A_370 = arith.constant 0 : i32
    %dma_start3A_371 = arith.constant 0 : i32
    %dma_start3A_372 = tpu.memref_slice %arg8[%dma_start3A_369, %dma_start3A_370, %dma_start3A_371] : memref<6x512x32xf32, #tpu.memory_space<vmem>> -> memref<1x512x32xf32, #tpu.memory_space<vmem>>
    %dma_start3A_373 = tpu.memref_squeeze %dma_start3A_372 : memref<1x512x32xf32, #tpu.memory_space<vmem>> -> memref<512x32xf32, #tpu.memory_space<vmem>>
    %dma_start3A_374 = arith.constant 5632 : i32
    %dma_start3A_375 = tpu.memref_slice %arg6[%dma_start3A_374] : memref<13312xi32, #tpu.memory_space<vmem>> -> memref<512xi32, #tpu.memory_space<vmem>>
    %dma_start3A_376 = arith.constant 0 : i32
    %dma_start3A_377 = arith.constant 0 : i32
    %dma_start3A_378 = tpu.memref_slice %arg4[%dma_start3A_376, %dma_start3A_377] : memref<2600000x32xf32, #tpu.memory_space<hbm>> -> memref<2600000x32xf32, #tpu.memory_space<hbm>>
    tpu.enqueue_indirect_dma source(%dma_start3A_378 : memref<2600000x32xf32, #tpu.memory_space<hbm>>) target(%dma_start3A_373 : memref<512x32xf32, #tpu.memory_space<vmem>>) offsets(%dma_start3A_375 : memref<512xi32, #tpu.memory_space<vmem>>) semaphore(%arg14 : memref<!tpu.dma_semaphore, #tpu.memory_space<semaphore_mem>>)
    %dma_wait3A_379 = arith.constant 1 : i32
    %dma_wait3A_380 = arith.constant 0 : i32
    %dma_wait3A_381 = arith.constant 0 : i32
    %dma_wait3A_382 = tpu.memref_slice %arg8[%dma_wait3A_379, %dma_wait3A_380, %dma_wait3A_381] : memref<6x512x32xf32, #tpu.memory_space<vmem>> -> memref<1x512x32xf32, #tpu.memory_space<vmem>>
    %dma_wait3A_383 = tpu.memref_squeeze %dma_wait3A_382 : memref<1x512x32xf32, #tpu.memory_space<vmem>> -> memref<512x32xf32, #tpu.memory_space<vmem>>
    %dma_wait3A_384 = arith.constant 3584 : i32
    %dma_wait3A_385 = tpu.memref_slice %arg6[%dma_wait3A_384] : memref<13312xi32, #tpu.memory_space<vmem>> -> memref<512xi32, #tpu.memory_space<vmem>>
    %dma_wait3A_386 = arith.constant 0 : i32
    %dma_wait3A_387 = arith.constant 0 : i32
    %dma_wait3A_388 = tpu.memref_slice %arg4[%dma_wait3A_386, %dma_wait3A_387] : memref<2600000x32xf32, #tpu.memory_space<hbm>> -> memref<2600000x32xf32, #tpu.memory_space<hbm>>
    tpu.wait_indirect_dma semaphore(%arg10 : memref<!tpu.dma_semaphore, #tpu.memory_space<semaphore_mem>>) src(%dma_wait3A_388 : memref<2600000x32xf32, #tpu.memory_space<hbm>>) dst(%dma_wait3A_383 : memref<512x32xf32, #tpu.memory_space<vmem>>)
    %add3A_389 = arith.constant 3584 : i32
    %add3A_390 = arith.addi %multiple_of3A, %add3A_389 : i32
    %dma_start3A_391 = arith.constant 1 : i32
    %dma_start3A_392 = arith.constant 0 : i32
    %dma_start3A_393 = arith.constant 0 : i32
    %dma_start3A_394 = tpu.memref_slice %arg8[%dma_start3A_391, %dma_start3A_392, %dma_start3A_393] : memref<6x512x32xf32, #tpu.memory_space<vmem>> -> memref<1x512x32xf32, #tpu.memory_space<vmem>>
    %dma_start3A_395 = tpu.memref_squeeze %dma_start3A_394 : memref<1x512x32xf32, #tpu.memory_space<vmem>> -> memref<512x32xf32, #tpu.memory_space<vmem>>
    %dma_start3A_396 = arith.constant 0 : i32
    %dma_start3A_397 = tpu.memref_slice %arg5[%add3A_390, %dma_start3A_396] : memref<425984x32xf32, #tpu.memory_space<hbm>> -> memref<512x32xf32, #tpu.memory_space<hbm>>
    %dma_start3A_398 = arith.constant 0 : i32
    %dma_start3A_399 = tpu.memref_slice %arg5[%add3A_390, %dma_start3A_398] : memref<425984x32xf32, #tpu.memory_space<hbm>> -> memref<512x32xf32, #tpu.memory_space<hbm>>
    %dma_start3A_400 = arith.constant 0 : i32
    %dma_start3A_401 = arith.constant 0 : i32
    %dma_start3A_402 = tpu.memref_slice %arg8[%dma_start3A_391, %dma_start3A_400, %dma_start3A_401] : memref<6x512x32xf32, #tpu.memory_space<vmem>> -> memref<1x512x32xf32, #tpu.memory_space<vmem>>
    %dma_start3A_403 = tpu.memref_squeeze %dma_start3A_402 : memref<1x512x32xf32, #tpu.memory_space<vmem>> -> memref<512x32xf32, #tpu.memory_space<vmem>>
    tpu.enqueue_dma source(%dma_start3A_403 : memref<512x32xf32, #tpu.memory_space<vmem>>) target(%dma_start3A_399 : memref<512x32xf32, #tpu.memory_space<hbm>>) target_semaphore(%arg16 : memref<!tpu.dma_semaphore, #tpu.memory_space<semaphore_mem>>)
    %dma_wait3A_404 = arith.constant 0 : i32
    %dma_wait3A_405 = arith.constant 0 : i32
    %dma_wait3A_406 = arith.constant 0 : i32
    %dma_wait3A_407 = tpu.memref_slice %arg8[%dma_wait3A_404, %dma_wait3A_405, %dma_wait3A_406] : memref<6x512x32xf32, #tpu.memory_space<vmem>> -> memref<1x512x32xf32, #tpu.memory_space<vmem>>
    %dma_wait3A_408 = tpu.memref_squeeze %dma_wait3A_407 : memref<1x512x32xf32, #tpu.memory_space<vmem>> -> memref<512x32xf32, #tpu.memory_space<vmem>>
    %dma_wait3A_409 = arith.constant 0 : i32
    %dma_wait3A_410 = tpu.memref_slice %arg5[%add3A_342, %dma_wait3A_409] : memref<425984x32xf32, #tpu.memory_space<hbm>> -> memref<512x32xf32, #tpu.memory_space<hbm>>
    %dma_wait3A_411 = arith.constant 0 : i32
    %dma_wait3A_412 = tpu.memref_slice %arg5[%add3A_342, %dma_wait3A_411] : memref<425984x32xf32, #tpu.memory_space<hbm>> -> memref<512x32xf32, #tpu.memory_space<hbm>>
    %dma_wait3A_413 = arith.constant 0 : i32
    %dma_wait3A_414 = arith.constant 0 : i32
    %dma_wait3A_415 = tpu.memref_slice %arg8[%dma_wait3A_404, %dma_wait3A_413, %dma_wait3A_414] : memref<6x512x32xf32, #tpu.memory_space<vmem>> -> memref<1x512x32xf32, #tpu.memory_space<vmem>>
    %dma_wait3A_416 = tpu.memref_squeeze %dma_wait3A_415 : memref<1x512x32xf32, #tpu.memory_space<vmem>> -> memref<512x32xf32, #tpu.memory_space<vmem>>
    tpu.wait_dma2 semaphore(%arg15 : memref<!tpu.dma_semaphore, #tpu.memory_space<semaphore_mem>>) src(%dma_wait3A_416 : memref<512x32xf32, #tpu.memory_space<vmem>>) dst(%dma_wait3A_412 : memref<512x32xf32, #tpu.memory_space<hbm>>)
    %dma_start3A_417 = arith.constant 0 : i32
    %dma_start3A_418 = arith.constant 0 : i32
    %dma_start3A_419 = arith.constant 0 : i32
    %dma_start3A_420 = tpu.memref_slice %arg8[%dma_start3A_417, %dma_start3A_418, %dma_start3A_419] : memref<6x512x32xf32, #tpu.memory_space<vmem>> -> memref<1x512x32xf32, #tpu.memory_space<vmem>>
    %dma_start3A_421 = tpu.memref_squeeze %dma_start3A_420 : memref<1x512x32xf32, #tpu.memory_space<vmem>> -> memref<512x32xf32, #tpu.memory_space<vmem>>
    %dma_start3A_422 = arith.constant 6144 : i32
    %dma_start3A_423 = tpu.memref_slice %arg6[%dma_start3A_422] : memref<13312xi32, #tpu.memory_space<vmem>> -> memref<512xi32, #tpu.memory_space<vmem>>
    %dma_start3A_424 = arith.constant 0 : i32
    %dma_start3A_425 = arith.constant 0 : i32
    %dma_start3A_426 = tpu.memref_slice %arg4[%dma_start3A_424, %dma_start3A_425] : memref<2600000x32xf32, #tpu.memory_space<hbm>> -> memref<2600000x32xf32, #tpu.memory_space<hbm>>
    tpu.enqueue_indirect_dma source(%dma_start3A_426 : memref<2600000x32xf32, #tpu.memory_space<hbm>>) target(%dma_start3A_421 : memref<512x32xf32, #tpu.memory_space<vmem>>) offsets(%dma_start3A_423 : memref<512xi32, #tpu.memory_space<vmem>>) semaphore(%arg9 : memref<!tpu.dma_semaphore, #tpu.memory_space<semaphore_mem>>)
    %dma_wait3A_427 = arith.constant 2 : i32
    %dma_wait3A_428 = arith.constant 0 : i32
    %dma_wait3A_429 = arith.constant 0 : i32
    %dma_wait3A_430 = tpu.memref_slice %arg8[%dma_wait3A_427, %dma_wait3A_428, %dma_wait3A_429] : memref<6x512x32xf32, #tpu.memory_space<vmem>> -> memref<1x512x32xf32, #tpu.memory_space<vmem>>
    %dma_wait3A_431 = tpu.memref_squeeze %dma_wait3A_430 : memref<1x512x32xf32, #tpu.memory_space<vmem>> -> memref<512x32xf32, #tpu.memory_space<vmem>>
    %dma_wait3A_432 = arith.constant 4096 : i32
    %dma_wait3A_433 = tpu.memref_slice %arg6[%dma_wait3A_432] : memref<13312xi32, #tpu.memory_space<vmem>> -> memref<512xi32, #tpu.memory_space<vmem>>
    %dma_wait3A_434 = arith.constant 0 : i32
    %dma_wait3A_435 = arith.constant 0 : i32
    %dma_wait3A_436 = tpu.memref_slice %arg4[%dma_wait3A_434, %dma_wait3A_435] : memref<2600000x32xf32, #tpu.memory_space<hbm>> -> memref<2600000x32xf32, #tpu.memory_space<hbm>>
    tpu.wait_indirect_dma semaphore(%arg11 : memref<!tpu.dma_semaphore, #tpu.memory_space<semaphore_mem>>) src(%dma_wait3A_436 : memref<2600000x32xf32, #tpu.memory_space<hbm>>) dst(%dma_wait3A_431 : memref<512x32xf32, #tpu.memory_space<vmem>>)
    %add3A_437 = arith.constant 4096 : i32
    %add3A_438 = arith.addi %multiple_of3A, %add3A_437 : i32
    %dma_start3A_439 = arith.constant 2 : i32
    %dma_start3A_440 = arith.constant 0 : i32
    %dma_start3A_441 = arith.constant 0 : i32
    %dma_start3A_442 = tpu.memref_slice %arg8[%dma_start3A_439, %dma_start3A_440, %dma_start3A_441] : memref<6x512x32xf32, #tpu.memory_space<vmem>> -> memref<1x512x32xf32, #tpu.memory_space<vmem>>
    %dma_start3A_443 = tpu.memref_squeeze %dma_start3A_442 : memref<1x512x32xf32, #tpu.memory_space<vmem>> -> memref<512x32xf32, #tpu.memory_space<vmem>>
    %dma_start3A_444 = arith.constant 0 : i32
    %dma_start3A_445 = tpu.memref_slice %arg5[%add3A_438, %dma_start3A_444] : memref<425984x32xf32, #tpu.memory_space<hbm>> -> memref<512x32xf32, #tpu.memory_space<hbm>>
    %dma_start3A_446 = arith.constant 0 : i32
    %dma_start3A_447 = tpu.memref_slice %arg5[%add3A_438, %dma_start3A_446] : memref<425984x32xf32, #tpu.memory_space<hbm>> -> memref<512x32xf32, #tpu.memory_space<hbm>>
    %dma_start3A_448 = arith.constant 0 : i32
    %dma_start3A_449 = arith.constant 0 : i32
    %dma_start3A_450 = tpu.memref_slice %arg8[%dma_start3A_439, %dma_start3A_448, %dma_start3A_449] : memref<6x512x32xf32, #tpu.memory_space<vmem>> -> memref<1x512x32xf32, #tpu.memory_space<vmem>>
    %dma_start3A_451 = tpu.memref_squeeze %dma_start3A_450 : memref<1x512x32xf32, #tpu.memory_space<vmem>> -> memref<512x32xf32, #tpu.memory_space<vmem>>
    tpu.enqueue_dma source(%dma_start3A_451 : memref<512x32xf32, #tpu.memory_space<vmem>>) target(%dma_start3A_447 : memref<512x32xf32, #tpu.memory_space<hbm>>) target_semaphore(%arg17 : memref<!tpu.dma_semaphore, #tpu.memory_space<semaphore_mem>>)
    %dma_wait3A_452 = arith.constant 1 : i32
    %dma_wait3A_453 = arith.constant 0 : i32
    %dma_wait3A_454 = arith.constant 0 : i32
    %dma_wait3A_455 = tpu.memref_slice %arg8[%dma_wait3A_452, %dma_wait3A_453, %dma_wait3A_454] : memref<6x512x32xf32, #tpu.memory_space<vmem>> -> memref<1x512x32xf32, #tpu.memory_space<vmem>>
    %dma_wait3A_456 = tpu.memref_squeeze %dma_wait3A_455 : memref<1x512x32xf32, #tpu.memory_space<vmem>> -> memref<512x32xf32, #tpu.memory_space<vmem>>
    %dma_wait3A_457 = arith.constant 0 : i32
    %dma_wait3A_458 = tpu.memref_slice %arg5[%add3A_390, %dma_wait3A_457] : memref<425984x32xf32, #tpu.memory_space<hbm>> -> memref<512x32xf32, #tpu.memory_space<hbm>>
    %dma_wait3A_459 = arith.constant 0 : i32
    %dma_wait3A_460 = tpu.memref_slice %arg5[%add3A_390, %dma_wait3A_459] : memref<425984x32xf32, #tpu.memory_space<hbm>> -> memref<512x32xf32, #tpu.memory_space<hbm>>
    %dma_wait3A_461 = arith.constant 0 : i32
    %dma_wait3A_462 = arith.constant 0 : i32
    %dma_wait3A_463 = tpu.memref_slice %arg8[%dma_wait3A_452, %dma_wait3A_461, %dma_wait3A_462] : memref<6x512x32xf32, #tpu.memory_space<vmem>> -> memref<1x512x32xf32, #tpu.memory_space<vmem>>
    %dma_wait3A_464 = tpu.memref_squeeze %dma_wait3A_463 : memref<1x512x32xf32, #tpu.memory_space<vmem>> -> memref<512x32xf32, #tpu.memory_space<vmem>>
    tpu.wait_dma2 semaphore(%arg16 : memref<!tpu.dma_semaphore, #tpu.memory_space<semaphore_mem>>) src(%dma_wait3A_464 : memref<512x32xf32, #tpu.memory_space<vmem>>) dst(%dma_wait3A_460 : memref<512x32xf32, #tpu.memory_space<hbm>>)
    %dma_start3A_465 = arith.constant 1 : i32
    %dma_start3A_466 = arith.constant 0 : i32
    %dma_start3A_467 = arith.constant 0 : i32
    %dma_start3A_468 = tpu.memref_slice %arg8[%dma_start3A_465, %dma_start3A_466, %dma_start3A_467] : memref<6x512x32xf32, #tpu.memory_space<vmem>> -> memref<1x512x32xf32, #tpu.memory_space<vmem>>
    %dma_start3A_469 = tpu.memref_squeeze %dma_start3A_468 : memref<1x512x32xf32, #tpu.memory_space<vmem>> -> memref<512x32xf32, #tpu.memory_space<vmem>>
    %dma_start3A_470 = arith.constant 6656 : i32
    %dma_start3A_471 = tpu.memref_slice %arg6[%dma_start3A_470] : memref<13312xi32, #tpu.memory_space<vmem>> -> memref<512xi32, #tpu.memory_space<vmem>>
    %dma_start3A_472 = arith.constant 0 : i32
    %dma_start3A_473 = arith.constant 0 : i32
    %dma_start3A_474 = tpu.memref_slice %arg4[%dma_start3A_472, %dma_start3A_473] : memref<2600000x32xf32, #tpu.memory_space<hbm>> -> memref<2600000x32xf32, #tpu.memory_space<hbm>>
    tpu.enqueue_indirect_dma source(%dma_start3A_474 : memref<2600000x32xf32, #tpu.memory_space<hbm>>) target(%dma_start3A_469 : memref<512x32xf32, #tpu.memory_space<vmem>>) offsets(%dma_start3A_471 : memref<512xi32, #tpu.memory_space<vmem>>) semaphore(%arg10 : memref<!tpu.dma_semaphore, #tpu.memory_space<semaphore_mem>>)
    %dma_wait3A_475 = arith.constant 3 : i32
    %dma_wait3A_476 = arith.constant 0 : i32
    %dma_wait3A_477 = arith.constant 0 : i32
    %dma_wait3A_478 = tpu.memref_slice %arg8[%dma_wait3A_475, %dma_wait3A_476, %dma_wait3A_477] : memref<6x512x32xf32, #tpu.memory_space<vmem>> -> memref<1x512x32xf32, #tpu.memory_space<vmem>>
    %dma_wait3A_479 = tpu.memref_squeeze %dma_wait3A_478 : memref<1x512x32xf32, #tpu.memory_space<vmem>> -> memref<512x32xf32, #tpu.memory_space<vmem>>
    %dma_wait3A_480 = arith.constant 4608 : i32
    %dma_wait3A_481 = tpu.memref_slice %arg6[%dma_wait3A_480] : memref<13312xi32, #tpu.memory_space<vmem>> -> memref<512xi32, #tpu.memory_space<vmem>>
    %dma_wait3A_482 = arith.constant 0 : i32
    %dma_wait3A_483 = arith.constant 0 : i32
    %dma_wait3A_484 = tpu.memref_slice %arg4[%dma_wait3A_482, %dma_wait3A_483] : memref<2600000x32xf32, #tpu.memory_space<hbm>> -> memref<2600000x32xf32, #tpu.memory_space<hbm>>
    tpu.wait_indirect_dma semaphore(%arg12 : memref<!tpu.dma_semaphore, #tpu.memory_space<semaphore_mem>>) src(%dma_wait3A_484 : memref<2600000x32xf32, #tpu.memory_space<hbm>>) dst(%dma_wait3A_479 : memref<512x32xf32, #tpu.memory_space<vmem>>)
    %add3A_485 = arith.constant 4608 : i32
    %add3A_486 = arith.addi %multiple_of3A, %add3A_485 : i32
    %dma_start3A_487 = arith.constant 3 : i32
    %dma_start3A_488 = arith.constant 0 : i32
    %dma_start3A_489 = arith.constant 0 : i32
    %dma_start3A_490 = tpu.memref_slice %arg8[%dma_start3A_487, %dma_start3A_488, %dma_start3A_489] : memref<6x512x32xf32, #tpu.memory_space<vmem>> -> memref<1x512x32xf32, #tpu.memory_space<vmem>>
    %dma_start3A_491 = tpu.memref_squeeze %dma_start3A_490 : memref<1x512x32xf32, #tpu.memory_space<vmem>> -> memref<512x32xf32, #tpu.memory_space<vmem>>
    %dma_start3A_492 = arith.constant 0 : i32
    %dma_start3A_493 = tpu.memref_slice %arg5[%add3A_486, %dma_start3A_492] : memref<425984x32xf32, #tpu.memory_space<hbm>> -> memref<512x32xf32, #tpu.memory_space<hbm>>
    %dma_start3A_494 = arith.constant 0 : i32
    %dma_start3A_495 = tpu.memref_slice %arg5[%add3A_486, %dma_start3A_494] : memref<425984x32xf32, #tpu.memory_space<hbm>> -> memref<512x32xf32, #tpu.memory_space<hbm>>
    %dma_start3A_496 = arith.constant 0 : i32
    %dma_start3A_497 = arith.constant 0 : i32
    %dma_start3A_498 = tpu.memref_slice %arg8[%dma_start3A_487, %dma_start3A_496, %dma_start3A_497] : memref<6x512x32xf32, #tpu.memory_space<vmem>> -> memref<1x512x32xf32, #tpu.memory_space<vmem>>
    %dma_start3A_499 = tpu.memref_squeeze %dma_start3A_498 : memref<1x512x32xf32, #tpu.memory_space<vmem>> -> memref<512x32xf32, #tpu.memory_space<vmem>>
    tpu.enqueue_dma source(%dma_start3A_499 : memref<512x32xf32, #tpu.memory_space<vmem>>) target(%dma_start3A_495 : memref<512x32xf32, #tpu.memory_space<hbm>>) target_semaphore(%arg18 : memref<!tpu.dma_semaphore, #tpu.memory_space<semaphore_mem>>)
    %dma_wait3A_500 = arith.constant 2 : i32
    %dma_wait3A_501 = arith.constant 0 : i32
    %dma_wait3A_502 = arith.constant 0 : i32
    %dma_wait3A_503 = tpu.memref_slice %arg8[%dma_wait3A_500, %dma_wait3A_501, %dma_wait3A_502] : memref<6x512x32xf32, #tpu.memory_space<vmem>> -> memref<1x512x32xf32, #tpu.memory_space<vmem>>
    %dma_wait3A_504 = tpu.memref_squeeze %dma_wait3A_503 : memref<1x512x32xf32, #tpu.memory_space<vmem>> -> memref<512x32xf32, #tpu.memory_space<vmem>>
    %dma_wait3A_505 = arith.constant 0 : i32
    %dma_wait3A_506 = tpu.memref_slice %arg5[%add3A_438, %dma_wait3A_505] : memref<425984x32xf32, #tpu.memory_space<hbm>> -> memref<512x32xf32, #tpu.memory_space<hbm>>
    %dma_wait3A_507 = arith.constant 0 : i32
    %dma_wait3A_508 = tpu.memref_slice %arg5[%add3A_438, %dma_wait3A_507] : memref<425984x32xf32, #tpu.memory_space<hbm>> -> memref<512x32xf32, #tpu.memory_space<hbm>>
    %dma_wait3A_509 = arith.constant 0 : i32
    %dma_wait3A_510 = arith.constant 0 : i32
    %dma_wait3A_511 = tpu.memref_slice %arg8[%dma_wait3A_500, %dma_wait3A_509, %dma_wait3A_510] : memref<6x512x32xf32, #tpu.memory_space<vmem>> -> memref<1x512x32xf32, #tpu.memory_space<vmem>>
    %dma_wait3A_512 = tpu.memref_squeeze %dma_wait3A_511 : memref<1x512x32xf32, #tpu.memory_space<vmem>> -> memref<512x32xf32, #tpu.memory_space<vmem>>
    tpu.wait_dma2 semaphore(%arg17 : memref<!tpu.dma_semaphore, #tpu.memory_space<semaphore_mem>>) src(%dma_wait3A_512 : memref<512x32xf32, #tpu.memory_space<vmem>>) dst(%dma_wait3A_508 : memref<512x32xf32, #tpu.memory_space<hbm>>)
    %dma_start3A_513 = arith.constant 2 : i32
    %dma_start3A_514 = arith.constant 0 : i32
    %dma_start3A_515 = arith.constant 0 : i32
    %dma_start3A_516 = tpu.memref_slice %arg8[%dma_start3A_513, %dma_start3A_514, %dma_start3A_515] : memref<6x512x32xf32, #tpu.memory_space<vmem>> -> memref<1x512x32xf32, #tpu.memory_space<vmem>>
    %dma_start3A_517 = tpu.memref_squeeze %dma_start3A_516 : memref<1x512x32xf32, #tpu.memory_space<vmem>> -> memref<512x32xf32, #tpu.memory_space<vmem>>
    %dma_start3A_518 = arith.constant 7168 : i32
    %dma_start3A_519 = tpu.memref_slice %arg6[%dma_start3A_518] : memref<13312xi32, #tpu.memory_space<vmem>> -> memref<512xi32, #tpu.memory_space<vmem>>
    %dma_start3A_520 = arith.constant 0 : i32
    %dma_start3A_521 = arith.constant 0 : i32
    %dma_start3A_522 = tpu.memref_slice %arg4[%dma_start3A_520, %dma_start3A_521] : memref<2600000x32xf32, #tpu.memory_space<hbm>> -> memref<2600000x32xf32, #tpu.memory_space<hbm>>
    tpu.enqueue_indirect_dma source(%dma_start3A_522 : memref<2600000x32xf32, #tpu.memory_space<hbm>>) target(%dma_start3A_517 : memref<512x32xf32, #tpu.memory_space<vmem>>) offsets(%dma_start3A_519 : memref<512xi32, #tpu.memory_space<vmem>>) semaphore(%arg11 : memref<!tpu.dma_semaphore, #tpu.memory_space<semaphore_mem>>)
    %dma_wait3A_523 = arith.constant 4 : i32
    %dma_wait3A_524 = arith.constant 0 : i32
    %dma_wait3A_525 = arith.constant 0 : i32
    %dma_wait3A_526 = tpu.memref_slice %arg8[%dma_wait3A_523, %dma_wait3A_524, %dma_wait3A_525] : memref<6x512x32xf32, #tpu.memory_space<vmem>> -> memref<1x512x32xf32, #tpu.memory_space<vmem>>
    %dma_wait3A_527 = tpu.memref_squeeze %dma_wait3A_526 : memref<1x512x32xf32, #tpu.memory_space<vmem>> -> memref<512x32xf32, #tpu.memory_space<vmem>>
    %dma_wait3A_528 = arith.constant 5120 : i32
    %dma_wait3A_529 = tpu.memref_slice %arg6[%dma_wait3A_528] : memref<13312xi32, #tpu.memory_space<vmem>> -> memref<512xi32, #tpu.memory_space<vmem>>
    %dma_wait3A_530 = arith.constant 0 : i32
    %dma_wait3A_531 = arith.constant 0 : i32
    %dma_wait3A_532 = tpu.memref_slice %arg4[%dma_wait3A_530, %dma_wait3A_531] : memref<2600000x32xf32, #tpu.memory_space<hbm>> -> memref<2600000x32xf32, #tpu.memory_space<hbm>>
    tpu.wait_indirect_dma semaphore(%arg13 : memref<!tpu.dma_semaphore, #tpu.memory_space<semaphore_mem>>) src(%dma_wait3A_532 : memref<2600000x32xf32, #tpu.memory_space<hbm>>) dst(%dma_wait3A_527 : memref<512x32xf32, #tpu.memory_space<vmem>>)
    %add3A_533 = arith.constant 5120 : i32
    %add3A_534 = arith.addi %multiple_of3A, %add3A_533 : i32
    %dma_start3A_535 = arith.constant 4 : i32
    %dma_start3A_536 = arith.constant 0 : i32
    %dma_start3A_537 = arith.constant 0 : i32
    %dma_start3A_538 = tpu.memref_slice %arg8[%dma_start3A_535, %dma_start3A_536, %dma_start3A_537] : memref<6x512x32xf32, #tpu.memory_space<vmem>> -> memref<1x512x32xf32, #tpu.memory_space<vmem>>
    %dma_start3A_539 = tpu.memref_squeeze %dma_start3A_538 : memref<1x512x32xf32, #tpu.memory_space<vmem>> -> memref<512x32xf32, #tpu.memory_space<vmem>>
    %dma_start3A_540 = arith.constant 0 : i32
    %dma_start3A_541 = tpu.memref_slice %arg5[%add3A_534, %dma_start3A_540] : memref<425984x32xf32, #tpu.memory_space<hbm>> -> memref<512x32xf32, #tpu.memory_space<hbm>>
    %dma_start3A_542 = arith.constant 0 : i32
    %dma_start3A_543 = tpu.memref_slice %arg5[%add3A_534, %dma_start3A_542] : memref<425984x32xf32, #tpu.memory_space<hbm>> -> memref<512x32xf32, #tpu.memory_space<hbm>>
    %dma_start3A_544 = arith.constant 0 : i32
    %dma_start3A_545 = arith.constant 0 : i32
    %dma_start3A_546 = tpu.memref_slice %arg8[%dma_start3A_535, %dma_start3A_544, %dma_start3A_545] : memref<6x512x32xf32, #tpu.memory_space<vmem>> -> memref<1x512x32xf32, #tpu.memory_space<vmem>>
    %dma_start3A_547 = tpu.memref_squeeze %dma_start3A_546 : memref<1x512x32xf32, #tpu.memory_space<vmem>> -> memref<512x32xf32, #tpu.memory_space<vmem>>
    tpu.enqueue_dma source(%dma_start3A_547 : memref<512x32xf32, #tpu.memory_space<vmem>>) target(%dma_start3A_543 : memref<512x32xf32, #tpu.memory_space<hbm>>) target_semaphore(%arg19 : memref<!tpu.dma_semaphore, #tpu.memory_space<semaphore_mem>>)
    %dma_wait3A_548 = arith.constant 3 : i32
    %dma_wait3A_549 = arith.constant 0 : i32
    %dma_wait3A_550 = arith.constant 0 : i32
    %dma_wait3A_551 = tpu.memref_slice %arg8[%dma_wait3A_548, %dma_wait3A_549, %dma_wait3A_550] : memref<6x512x32xf32, #tpu.memory_space<vmem>> -> memref<1x512x32xf32, #tpu.memory_space<vmem>>
    %dma_wait3A_552 = tpu.memref_squeeze %dma_wait3A_551 : memref<1x512x32xf32, #tpu.memory_space<vmem>> -> memref<512x32xf32, #tpu.memory_space<vmem>>
    %dma_wait3A_553 = arith.constant 0 : i32
    %dma_wait3A_554 = tpu.memref_slice %arg5[%add3A_486, %dma_wait3A_553] : memref<425984x32xf32, #tpu.memory_space<hbm>> -> memref<512x32xf32, #tpu.memory_space<hbm>>
    %dma_wait3A_555 = arith.constant 0 : i32
    %dma_wait3A_556 = tpu.memref_slice %arg5[%add3A_486, %dma_wait3A_555] : memref<425984x32xf32, #tpu.memory_space<hbm>> -> memref<512x32xf32, #tpu.memory_space<hbm>>
    %dma_wait3A_557 = arith.constant 0 : i32
    %dma_wait3A_558 = arith.constant 0 : i32
    %dma_wait3A_559 = tpu.memref_slice %arg8[%dma_wait3A_548, %dma_wait3A_557, %dma_wait3A_558] : memref<6x512x32xf32, #tpu.memory_space<vmem>> -> memref<1x512x32xf32, #tpu.memory_space<vmem>>
    %dma_wait3A_560 = tpu.memref_squeeze %dma_wait3A_559 : memref<1x512x32xf32, #tpu.memory_space<vmem>> -> memref<512x32xf32, #tpu.memory_space<vmem>>
    tpu.wait_dma2 semaphore(%arg18 : memref<!tpu.dma_semaphore, #tpu.memory_space<semaphore_mem>>) src(%dma_wait3A_560 : memref<512x32xf32, #tpu.memory_space<vmem>>) dst(%dma_wait3A_556 : memref<512x32xf32, #tpu.memory_space<hbm>>)
    %dma_start3A_561 = arith.constant 3 : i32
    %dma_start3A_562 = arith.constant 0 : i32
    %dma_start3A_563 = arith.constant 0 : i32
    %dma_start3A_564 = tpu.memref_slice %arg8[%dma_start3A_561, %dma_start3A_562, %dma_start3A_563] : memref<6x512x32xf32, #tpu.memory_space<vmem>> -> memref<1x512x32xf32, #tpu.memory_space<vmem>>
    %dma_start3A_565 = tpu.memref_squeeze %dma_start3A_564 : memref<1x512x32xf32, #tpu.memory_space<vmem>> -> memref<512x32xf32, #tpu.memory_space<vmem>>
    %dma_start3A_566 = arith.constant 7680 : i32
    %dma_start3A_567 = tpu.memref_slice %arg6[%dma_start3A_566] : memref<13312xi32, #tpu.memory_space<vmem>> -> memref<512xi32, #tpu.memory_space<vmem>>
    %dma_start3A_568 = arith.constant 0 : i32
    %dma_start3A_569 = arith.constant 0 : i32
    %dma_start3A_570 = tpu.memref_slice %arg4[%dma_start3A_568, %dma_start3A_569] : memref<2600000x32xf32, #tpu.memory_space<hbm>> -> memref<2600000x32xf32, #tpu.memory_space<hbm>>
    tpu.enqueue_indirect_dma source(%dma_start3A_570 : memref<2600000x32xf32, #tpu.memory_space<hbm>>) target(%dma_start3A_565 : memref<512x32xf32, #tpu.memory_space<vmem>>) offsets(%dma_start3A_567 : memref<512xi32, #tpu.memory_space<vmem>>) semaphore(%arg12 : memref<!tpu.dma_semaphore, #tpu.memory_space<semaphore_mem>>)
    %dma_wait3A_571 = arith.constant 5 : i32
    %dma_wait3A_572 = arith.constant 0 : i32
    %dma_wait3A_573 = arith.constant 0 : i32
    %dma_wait3A_574 = tpu.memref_slice %arg8[%dma_wait3A_571, %dma_wait3A_572, %dma_wait3A_573] : memref<6x512x32xf32, #tpu.memory_space<vmem>> -> memref<1x512x32xf32, #tpu.memory_space<vmem>>
    %dma_wait3A_575 = tpu.memref_squeeze %dma_wait3A_574 : memref<1x512x32xf32, #tpu.memory_space<vmem>> -> memref<512x32xf32, #tpu.memory_space<vmem>>
    %dma_wait3A_576 = arith.constant 5632 : i32
    %dma_wait3A_577 = tpu.memref_slice %arg6[%dma_wait3A_576] : memref<13312xi32, #tpu.memory_space<vmem>> -> memref<512xi32, #tpu.memory_space<vmem>>
    %dma_wait3A_578 = arith.constant 0 : i32
    %dma_wait3A_579 = arith.constant 0 : i32
    %dma_wait3A_580 = tpu.memref_slice %arg4[%dma_wait3A_578, %dma_wait3A_579] : memref<2600000x32xf32, #tpu.memory_space<hbm>> -> memref<2600000x32xf32, #tpu.memory_space<hbm>>
    tpu.wait_indirect_dma semaphore(%arg14 : memref<!tpu.dma_semaphore, #tpu.memory_space<semaphore_mem>>) src(%dma_wait3A_580 : memref<2600000x32xf32, #tpu.memory_space<hbm>>) dst(%dma_wait3A_575 : memref<512x32xf32, #tpu.memory_space<vmem>>)
    %add3A_581 = arith.constant 5632 : i32
    %add3A_582 = arith.addi %multiple_of3A, %add3A_581 : i32
    %dma_start3A_583 = arith.constant 5 : i32
    %dma_start3A_584 = arith.constant 0 : i32
    %dma_start3A_585 = arith.constant 0 : i32
    %dma_start3A_586 = tpu.memref_slice %arg8[%dma_start3A_583, %dma_start3A_584, %dma_start3A_585] : memref<6x512x32xf32, #tpu.memory_space<vmem>> -> memref<1x512x32xf32, #tpu.memory_space<vmem>>
    %dma_start3A_587 = tpu.memref_squeeze %dma_start3A_586 : memref<1x512x32xf32, #tpu.memory_space<vmem>> -> memref<512x32xf32, #tpu.memory_space<vmem>>
    %dma_start3A_588 = arith.constant 0 : i32
    %dma_start3A_589 = tpu.memref_slice %arg5[%add3A_582, %dma_start3A_588] : memref<425984x32xf32, #tpu.memory_space<hbm>> -> memref<512x32xf32, #tpu.memory_space<hbm>>
    %dma_start3A_590 = arith.constant 0 : i32
    %dma_start3A_591 = tpu.memref_slice %arg5[%add3A_582, %dma_start3A_590] : memref<425984x32xf32, #tpu.memory_space<hbm>> -> memref<512x32xf32, #tpu.memory_space<hbm>>
    %dma_start3A_592 = arith.constant 0 : i32
    %dma_start3A_593 = arith.constant 0 : i32
    %dma_start3A_594 = tpu.memref_slice %arg8[%dma_start3A_583, %dma_start3A_592, %dma_start3A_593] : memref<6x512x32xf32, #tpu.memory_space<vmem>> -> memref<1x512x32xf32, #tpu.memory_space<vmem>>
    %dma_start3A_595 = tpu.memref_squeeze %dma_start3A_594 : memref<1x512x32xf32, #tpu.memory_space<vmem>> -> memref<512x32xf32, #tpu.memory_space<vmem>>
    tpu.enqueue_dma source(%dma_start3A_595 : memref<512x32xf32, #tpu.memory_space<vmem>>) target(%dma_start3A_591 : memref<512x32xf32, #tpu.memory_space<hbm>>) target_semaphore(%arg20 : memref<!tpu.dma_semaphore, #tpu.memory_space<semaphore_mem>>)
    %dma_wait3A_596 = arith.constant 4 : i32
    %dma_wait3A_597 = arith.constant 0 : i32
    %dma_wait3A_598 = arith.constant 0 : i32
    %dma_wait3A_599 = tpu.memref_slice %arg8[%dma_wait3A_596, %dma_wait3A_597, %dma_wait3A_598] : memref<6x512x32xf32, #tpu.memory_space<vmem>> -> memref<1x512x32xf32, #tpu.memory_space<vmem>>
    %dma_wait3A_600 = tpu.memref_squeeze %dma_wait3A_599 : memref<1x512x32xf32, #tpu.memory_space<vmem>> -> memref<512x32xf32, #tpu.memory_space<vmem>>
    %dma_wait3A_601 = arith.constant 0 : i32
    %dma_wait3A_602 = tpu.memref_slice %arg5[%add3A_534, %dma_wait3A_601] : memref<425984x32xf32, #tpu.memory_space<hbm>> -> memref<512x32xf32, #tpu.memory_space<hbm>>
    %dma_wait3A_603 = arith.constant 0 : i32
    %dma_wait3A_604 = tpu.memref_slice %arg5[%add3A_534, %dma_wait3A_603] : memref<425984x32xf32, #tpu.memory_space<hbm>> -> memref<512x32xf32, #tpu.memory_space<hbm>>
    %dma_wait3A_605 = arith.constant 0 : i32
    %dma_wait3A_606 = arith.constant 0 : i32
    %dma_wait3A_607 = tpu.memref_slice %arg8[%dma_wait3A_596, %dma_wait3A_605, %dma_wait3A_606] : memref<6x512x32xf32, #tpu.memory_space<vmem>> -> memref<1x512x32xf32, #tpu.memory_space<vmem>>
    %dma_wait3A_608 = tpu.memref_squeeze %dma_wait3A_607 : memref<1x512x32xf32, #tpu.memory_space<vmem>> -> memref<512x32xf32, #tpu.memory_space<vmem>>
    tpu.wait_dma2 semaphore(%arg19 : memref<!tpu.dma_semaphore, #tpu.memory_space<semaphore_mem>>) src(%dma_wait3A_608 : memref<512x32xf32, #tpu.memory_space<vmem>>) dst(%dma_wait3A_604 : memref<512x32xf32, #tpu.memory_space<hbm>>)
    %dma_start3A_609 = arith.constant 4 : i32
    %dma_start3A_610 = arith.constant 0 : i32
    %dma_start3A_611 = arith.constant 0 : i32
    %dma_start3A_612 = tpu.memref_slice %arg8[%dma_start3A_609, %dma_start3A_610, %dma_start3A_611] : memref<6x512x32xf32, #tpu.memory_space<vmem>> -> memref<1x512x32xf32, #tpu.memory_space<vmem>>
    %dma_start3A_613 = tpu.memref_squeeze %dma_start3A_612 : memref<1x512x32xf32, #tpu.memory_space<vmem>> -> memref<512x32xf32, #tpu.memory_space<vmem>>
    %dma_start3A_614 = arith.constant 8192 : i32
    %dma_start3A_615 = tpu.memref_slice %arg6[%dma_start3A_614] : memref<13312xi32, #tpu.memory_space<vmem>> -> memref<512xi32, #tpu.memory_space<vmem>>
    %dma_start3A_616 = arith.constant 0 : i32
    %dma_start3A_617 = arith.constant 0 : i32
    %dma_start3A_618 = tpu.memref_slice %arg4[%dma_start3A_616, %dma_start3A_617] : memref<2600000x32xf32, #tpu.memory_space<hbm>> -> memref<2600000x32xf32, #tpu.memory_space<hbm>>
    tpu.enqueue_indirect_dma source(%dma_start3A_618 : memref<2600000x32xf32, #tpu.memory_space<hbm>>) target(%dma_start3A_613 : memref<512x32xf32, #tpu.memory_space<vmem>>) offsets(%dma_start3A_615 : memref<512xi32, #tpu.memory_space<vmem>>) semaphore(%arg13 : memref<!tpu.dma_semaphore, #tpu.memory_space<semaphore_mem>>)
    %dma_wait3A_619 = arith.constant 0 : i32
    %dma_wait3A_620 = arith.constant 0 : i32
    %dma_wait3A_621 = arith.constant 0 : i32
    %dma_wait3A_622 = tpu.memref_slice %arg8[%dma_wait3A_619, %dma_wait3A_620, %dma_wait3A_621] : memref<6x512x32xf32, #tpu.memory_space<vmem>> -> memref<1x512x32xf32, #tpu.memory_space<vmem>>
    %dma_wait3A_623 = tpu.memref_squeeze %dma_wait3A_622 : memref<1x512x32xf32, #tpu.memory_space<vmem>> -> memref<512x32xf32, #tpu.memory_space<vmem>>
    %dma_wait3A_624 = arith.constant 6144 : i32
    %dma_wait3A_625 = tpu.memref_slice %arg6[%dma_wait3A_624] : memref<13312xi32, #tpu.memory_space<vmem>> -> memref<512xi32, #tpu.memory_space<vmem>>
    %dma_wait3A_626 = arith.constant 0 : i32
    %dma_wait3A_627 = arith.constant 0 : i32
    %dma_wait3A_628 = tpu.memref_slice %arg4[%dma_wait3A_626, %dma_wait3A_627] : memref<2600000x32xf32, #tpu.memory_space<hbm>> -> memref<2600000x32xf32, #tpu.memory_space<hbm>>
    tpu.wait_indirect_dma semaphore(%arg9 : memref<!tpu.dma_semaphore, #tpu.memory_space<semaphore_mem>>) src(%dma_wait3A_628 : memref<2600000x32xf32, #tpu.memory_space<hbm>>) dst(%dma_wait3A_623 : memref<512x32xf32, #tpu.memory_space<vmem>>)
    %add3A_629 = arith.constant 6144 : i32
    %add3A_630 = arith.addi %multiple_of3A, %add3A_629 : i32
    %dma_start3A_631 = arith.constant 0 : i32
    %dma_start3A_632 = arith.constant 0 : i32
    %dma_start3A_633 = arith.constant 0 : i32
    %dma_start3A_634 = tpu.memref_slice %arg8[%dma_start3A_631, %dma_start3A_632, %dma_start3A_633] : memref<6x512x32xf32, #tpu.memory_space<vmem>> -> memref<1x512x32xf32, #tpu.memory_space<vmem>>
    %dma_start3A_635 = tpu.memref_squeeze %dma_start3A_634 : memref<1x512x32xf32, #tpu.memory_space<vmem>> -> memref<512x32xf32, #tpu.memory_space<vmem>>
    %dma_start3A_636 = arith.constant 0 : i32
    %dma_start3A_637 = tpu.memref_slice %arg5[%add3A_630, %dma_start3A_636] : memref<425984x32xf32, #tpu.memory_space<hbm>> -> memref<512x32xf32, #tpu.memory_space<hbm>>
    %dma_start3A_638 = arith.constant 0 : i32
    %dma_start3A_639 = tpu.memref_slice %arg5[%add3A_630, %dma_start3A_638] : memref<425984x32xf32, #tpu.memory_space<hbm>> -> memref<512x32xf32, #tpu.memory_space<hbm>>
    %dma_start3A_640 = arith.constant 0 : i32
    %dma_start3A_641 = arith.constant 0 : i32
    %dma_start3A_642 = tpu.memref_slice %arg8[%dma_start3A_631, %dma_start3A_640, %dma_start3A_641] : memref<6x512x32xf32, #tpu.memory_space<vmem>> -> memref<1x512x32xf32, #tpu.memory_space<vmem>>
    %dma_start3A_643 = tpu.memref_squeeze %dma_start3A_642 : memref<1x512x32xf32, #tpu.memory_space<vmem>> -> memref<512x32xf32, #tpu.memory_space<vmem>>
    tpu.enqueue_dma source(%dma_start3A_643 : memref<512x32xf32, #tpu.memory_space<vmem>>) target(%dma_start3A_639 : memref<512x32xf32, #tpu.memory_space<hbm>>) target_semaphore(%arg15 : memref<!tpu.dma_semaphore, #tpu.memory_space<semaphore_mem>>)
    %dma_wait3A_644 = arith.constant 5 : i32
    %dma_wait3A_645 = arith.constant 0 : i32
    %dma_wait3A_646 = arith.constant 0 : i32
    %dma_wait3A_647 = tpu.memref_slice %arg8[%dma_wait3A_644, %dma_wait3A_645, %dma_wait3A_646] : memref<6x512x32xf32, #tpu.memory_space<vmem>> -> memref<1x512x32xf32, #tpu.memory_space<vmem>>
    %dma_wait3A_648 = tpu.memref_squeeze %dma_wait3A_647 : memref<1x512x32xf32, #tpu.memory_space<vmem>> -> memref<512x32xf32, #tpu.memory_space<vmem>>
    %dma_wait3A_649 = arith.constant 0 : i32
    %dma_wait3A_650 = tpu.memref_slice %arg5[%add3A_582, %dma_wait3A_649] : memref<425984x32xf32, #tpu.memory_space<hbm>> -> memref<512x32xf32, #tpu.memory_space<hbm>>
    %dma_wait3A_651 = arith.constant 0 : i32
    %dma_wait3A_652 = tpu.memref_slice %arg5[%add3A_582, %dma_wait3A_651] : memref<425984x32xf32, #tpu.memory_space<hbm>> -> memref<512x32xf32, #tpu.memory_space<hbm>>
    %dma_wait3A_653 = arith.constant 0 : i32
    %dma_wait3A_654 = arith.constant 0 : i32
    %dma_wait3A_655 = tpu.memref_slice %arg8[%dma_wait3A_644, %dma_wait3A_653, %dma_wait3A_654] : memref<6x512x32xf32, #tpu.memory_space<vmem>> -> memref<1x512x32xf32, #tpu.memory_space<vmem>>
    %dma_wait3A_656 = tpu.memref_squeeze %dma_wait3A_655 : memref<1x512x32xf32, #tpu.memory_space<vmem>> -> memref<512x32xf32, #tpu.memory_space<vmem>>
    tpu.wait_dma2 semaphore(%arg20 : memref<!tpu.dma_semaphore, #tpu.memory_space<semaphore_mem>>) src(%dma_wait3A_656 : memref<512x32xf32, #tpu.memory_space<vmem>>) dst(%dma_wait3A_652 : memref<512x32xf32, #tpu.memory_space<hbm>>)
    %dma_start3A_657 = arith.constant 5 : i32
    %dma_start3A_658 = arith.constant 0 : i32
    %dma_start3A_659 = arith.constant 0 : i32
    %dma_start3A_660 = tpu.memref_slice %arg8[%dma_start3A_657, %dma_start3A_658, %dma_start3A_659] : memref<6x512x32xf32, #tpu.memory_space<vmem>> -> memref<1x512x32xf32, #tpu.memory_space<vmem>>
    %dma_start3A_661 = tpu.memref_squeeze %dma_start3A_660 : memref<1x512x32xf32, #tpu.memory_space<vmem>> -> memref<512x32xf32, #tpu.memory_space<vmem>>
    %dma_start3A_662 = arith.constant 8704 : i32
    %dma_start3A_663 = tpu.memref_slice %arg6[%dma_start3A_662] : memref<13312xi32, #tpu.memory_space<vmem>> -> memref<512xi32, #tpu.memory_space<vmem>>
    %dma_start3A_664 = arith.constant 0 : i32
    %dma_start3A_665 = arith.constant 0 : i32
    %dma_start3A_666 = tpu.memref_slice %arg4[%dma_start3A_664, %dma_start3A_665] : memref<2600000x32xf32, #tpu.memory_space<hbm>> -> memref<2600000x32xf32, #tpu.memory_space<hbm>>
    tpu.enqueue_indirect_dma source(%dma_start3A_666 : memref<2600000x32xf32, #tpu.memory_space<hbm>>) target(%dma_start3A_661 : memref<512x32xf32, #tpu.memory_space<vmem>>) offsets(%dma_start3A_663 : memref<512xi32, #tpu.memory_space<vmem>>) semaphore(%arg14 : memref<!tpu.dma_semaphore, #tpu.memory_space<semaphore_mem>>)
    %dma_wait3A_667 = arith.constant 1 : i32
    %dma_wait3A_668 = arith.constant 0 : i32
    %dma_wait3A_669 = arith.constant 0 : i32
    %dma_wait3A_670 = tpu.memref_slice %arg8[%dma_wait3A_667, %dma_wait3A_668, %dma_wait3A_669] : memref<6x512x32xf32, #tpu.memory_space<vmem>> -> memref<1x512x32xf32, #tpu.memory_space<vmem>>
    %dma_wait3A_671 = tpu.memref_squeeze %dma_wait3A_670 : memref<1x512x32xf32, #tpu.memory_space<vmem>> -> memref<512x32xf32, #tpu.memory_space<vmem>>
    %dma_wait3A_672 = arith.constant 6656 : i32
    %dma_wait3A_673 = tpu.memref_slice %arg6[%dma_wait3A_672] : memref<13312xi32, #tpu.memory_space<vmem>> -> memref<512xi32, #tpu.memory_space<vmem>>
    %dma_wait3A_674 = arith.constant 0 : i32
    %dma_wait3A_675 = arith.constant 0 : i32
    %dma_wait3A_676 = tpu.memref_slice %arg4[%dma_wait3A_674, %dma_wait3A_675] : memref<2600000x32xf32, #tpu.memory_space<hbm>> -> memref<2600000x32xf32, #tpu.memory_space<hbm>>
    tpu.wait_indirect_dma semaphore(%arg10 : memref<!tpu.dma_semaphore, #tpu.memory_space<semaphore_mem>>) src(%dma_wait3A_676 : memref<2600000x32xf32, #tpu.memory_space<hbm>>) dst(%dma_wait3A_671 : memref<512x32xf32, #tpu.memory_space<vmem>>)
    %add3A_677 = arith.constant 6656 : i32
    %add3A_678 = arith.addi %multiple_of3A, %add3A_677 : i32
    %dma_start3A_679 = arith.constant 1 : i32
    %dma_start3A_680 = arith.constant 0 : i32
    %dma_start3A_681 = arith.constant 0 : i32
    %dma_start3A_682 = tpu.memref_slice %arg8[%dma_start3A_679, %dma_start3A_680, %dma_start3A_681] : memref<6x512x32xf32, #tpu.memory_space<vmem>> -> memref<1x512x32xf32, #tpu.memory_space<vmem>>
    %dma_start3A_683 = tpu.memref_squeeze %dma_start3A_682 : memref<1x512x32xf32, #tpu.memory_space<vmem>> -> memref<512x32xf32, #tpu.memory_space<vmem>>
    %dma_start3A_684 = arith.constant 0 : i32
    %dma_start3A_685 = tpu.memref_slice %arg5[%add3A_678, %dma_start3A_684] : memref<425984x32xf32, #tpu.memory_space<hbm>> -> memref<512x32xf32, #tpu.memory_space<hbm>>
    %dma_start3A_686 = arith.constant 0 : i32
    %dma_start3A_687 = tpu.memref_slice %arg5[%add3A_678, %dma_start3A_686] : memref<425984x32xf32, #tpu.memory_space<hbm>> -> memref<512x32xf32, #tpu.memory_space<hbm>>
    %dma_start3A_688 = arith.constant 0 : i32
    %dma_start3A_689 = arith.constant 0 : i32
    %dma_start3A_690 = tpu.memref_slice %arg8[%dma_start3A_679, %dma_start3A_688, %dma_start3A_689] : memref<6x512x32xf32, #tpu.memory_space<vmem>> -> memref<1x512x32xf32, #tpu.memory_space<vmem>>
    %dma_start3A_691 = tpu.memref_squeeze %dma_start3A_690 : memref<1x512x32xf32, #tpu.memory_space<vmem>> -> memref<512x32xf32, #tpu.memory_space<vmem>>
    tpu.enqueue_dma source(%dma_start3A_691 : memref<512x32xf32, #tpu.memory_space<vmem>>) target(%dma_start3A_687 : memref<512x32xf32, #tpu.memory_space<hbm>>) target_semaphore(%arg16 : memref<!tpu.dma_semaphore, #tpu.memory_space<semaphore_mem>>)
    %dma_wait3A_692 = arith.constant 0 : i32
    %dma_wait3A_693 = arith.constant 0 : i32
    %dma_wait3A_694 = arith.constant 0 : i32
    %dma_wait3A_695 = tpu.memref_slice %arg8[%dma_wait3A_692, %dma_wait3A_693, %dma_wait3A_694] : memref<6x512x32xf32, #tpu.memory_space<vmem>> -> memref<1x512x32xf32, #tpu.memory_space<vmem>>
    %dma_wait3A_696 = tpu.memref_squeeze %dma_wait3A_695 : memref<1x512x32xf32, #tpu.memory_space<vmem>> -> memref<512x32xf32, #tpu.memory_space<vmem>>
    %dma_wait3A_697 = arith.constant 0 : i32
    %dma_wait3A_698 = tpu.memref_slice %arg5[%add3A_630, %dma_wait3A_697] : memref<425984x32xf32, #tpu.memory_space<hbm>> -> memref<512x32xf32, #tpu.memory_space<hbm>>
    %dma_wait3A_699 = arith.constant 0 : i32
    %dma_wait3A_700 = tpu.memref_slice %arg5[%add3A_630, %dma_wait3A_699] : memref<425984x32xf32, #tpu.memory_space<hbm>> -> memref<512x32xf32, #tpu.memory_space<hbm>>
    %dma_wait3A_701 = arith.constant 0 : i32
    %dma_wait3A_702 = arith.constant 0 : i32
    %dma_wait3A_703 = tpu.memref_slice %arg8[%dma_wait3A_692, %dma_wait3A_701, %dma_wait3A_702] : memref<6x512x32xf32, #tpu.memory_space<vmem>> -> memref<1x512x32xf32, #tpu.memory_space<vmem>>
    %dma_wait3A_704 = tpu.memref_squeeze %dma_wait3A_703 : memref<1x512x32xf32, #tpu.memory_space<vmem>> -> memref<512x32xf32, #tpu.memory_space<vmem>>
    tpu.wait_dma2 semaphore(%arg15 : memref<!tpu.dma_semaphore, #tpu.memory_space<semaphore_mem>>) src(%dma_wait3A_704 : memref<512x32xf32, #tpu.memory_space<vmem>>) dst(%dma_wait3A_700 : memref<512x32xf32, #tpu.memory_space<hbm>>)
    %dma_start3A_705 = arith.constant 0 : i32
    %dma_start3A_706 = arith.constant 0 : i32
    %dma_start3A_707 = arith.constant 0 : i32
    %dma_start3A_708 = tpu.memref_slice %arg8[%dma_start3A_705, %dma_start3A_706, %dma_start3A_707] : memref<6x512x32xf32, #tpu.memory_space<vmem>> -> memref<1x512x32xf32, #tpu.memory_space<vmem>>
    %dma_start3A_709 = tpu.memref_squeeze %dma_start3A_708 : memref<1x512x32xf32, #tpu.memory_space<vmem>> -> memref<512x32xf32, #tpu.memory_space<vmem>>
    %dma_start3A_710 = arith.constant 9216 : i32
    %dma_start3A_711 = tpu.memref_slice %arg6[%dma_start3A_710] : memref<13312xi32, #tpu.memory_space<vmem>> -> memref<512xi32, #tpu.memory_space<vmem>>
    %dma_start3A_712 = arith.constant 0 : i32
    %dma_start3A_713 = arith.constant 0 : i32
    %dma_start3A_714 = tpu.memref_slice %arg4[%dma_start3A_712, %dma_start3A_713] : memref<2600000x32xf32, #tpu.memory_space<hbm>> -> memref<2600000x32xf32, #tpu.memory_space<hbm>>
    tpu.enqueue_indirect_dma source(%dma_start3A_714 : memref<2600000x32xf32, #tpu.memory_space<hbm>>) target(%dma_start3A_709 : memref<512x32xf32, #tpu.memory_space<vmem>>) offsets(%dma_start3A_711 : memref<512xi32, #tpu.memory_space<vmem>>) semaphore(%arg9 : memref<!tpu.dma_semaphore, #tpu.memory_space<semaphore_mem>>)
    %dma_wait3A_715 = arith.constant 2 : i32
    %dma_wait3A_716 = arith.constant 0 : i32
    %dma_wait3A_717 = arith.constant 0 : i32
    %dma_wait3A_718 = tpu.memref_slice %arg8[%dma_wait3A_715, %dma_wait3A_716, %dma_wait3A_717] : memref<6x512x32xf32, #tpu.memory_space<vmem>> -> memref<1x512x32xf32, #tpu.memory_space<vmem>>
    %dma_wait3A_719 = tpu.memref_squeeze %dma_wait3A_718 : memref<1x512x32xf32, #tpu.memory_space<vmem>> -> memref<512x32xf32, #tpu.memory_space<vmem>>
    %dma_wait3A_720 = arith.constant 7168 : i32
    %dma_wait3A_721 = tpu.memref_slice %arg6[%dma_wait3A_720] : memref<13312xi32, #tpu.memory_space<vmem>> -> memref<512xi32, #tpu.memory_space<vmem>>
    %dma_wait3A_722 = arith.constant 0 : i32
    %dma_wait3A_723 = arith.constant 0 : i32
    %dma_wait3A_724 = tpu.memref_slice %arg4[%dma_wait3A_722, %dma_wait3A_723] : memref<2600000x32xf32, #tpu.memory_space<hbm>> -> memref<2600000x32xf32, #tpu.memory_space<hbm>>
    tpu.wait_indirect_dma semaphore(%arg11 : memref<!tpu.dma_semaphore, #tpu.memory_space<semaphore_mem>>) src(%dma_wait3A_724 : memref<2600000x32xf32, #tpu.memory_space<hbm>>) dst(%dma_wait3A_719 : memref<512x32xf32, #tpu.memory_space<vmem>>)
    %add3A_725 = arith.constant 7168 : i32
    %add3A_726 = arith.addi %multiple_of3A, %add3A_725 : i32
    %dma_start3A_727 = arith.constant 2 : i32
    %dma_start3A_728 = arith.constant 0 : i32
    %dma_start3A_729 = arith.constant 0 : i32
    %dma_start3A_730 = tpu.memref_slice %arg8[%dma_start3A_727, %dma_start3A_728, %dma_start3A_729] : memref<6x512x32xf32, #tpu.memory_space<vmem>> -> memref<1x512x32xf32, #tpu.memory_space<vmem>>
    %dma_start3A_731 = tpu.memref_squeeze %dma_start3A_730 : memref<1x512x32xf32, #tpu.memory_space<vmem>> -> memref<512x32xf32, #tpu.memory_space<vmem>>
    %dma_start3A_732 = arith.constant 0 : i32
    %dma_start3A_733 = tpu.memref_slice %arg5[%add3A_726, %dma_start3A_732] : memref<425984x32xf32, #tpu.memory_space<hbm>> -> memref<512x32xf32, #tpu.memory_space<hbm>>
    %dma_start3A_734 = arith.constant 0 : i32
    %dma_start3A_735 = tpu.memref_slice %arg5[%add3A_726, %dma_start3A_734] : memref<425984x32xf32, #tpu.memory_space<hbm>> -> memref<512x32xf32, #tpu.memory_space<hbm>>
    %dma_start3A_736 = arith.constant 0 : i32
    %dma_start3A_737 = arith.constant 0 : i32
    %dma_start3A_738 = tpu.memref_slice %arg8[%dma_start3A_727, %dma_start3A_736, %dma_start3A_737] : memref<6x512x32xf32, #tpu.memory_space<vmem>> -> memref<1x512x32xf32, #tpu.memory_space<vmem>>
    %dma_start3A_739 = tpu.memref_squeeze %dma_start3A_738 : memref<1x512x32xf32, #tpu.memory_space<vmem>> -> memref<512x32xf32, #tpu.memory_space<vmem>>
    tpu.enqueue_dma source(%dma_start3A_739 : memref<512x32xf32, #tpu.memory_space<vmem>>) target(%dma_start3A_735 : memref<512x32xf32, #tpu.memory_space<hbm>>) target_semaphore(%arg17 : memref<!tpu.dma_semaphore, #tpu.memory_space<semaphore_mem>>)
    %dma_wait3A_740 = arith.constant 1 : i32
    %dma_wait3A_741 = arith.constant 0 : i32
    %dma_wait3A_742 = arith.constant 0 : i32
    %dma_wait3A_743 = tpu.memref_slice %arg8[%dma_wait3A_740, %dma_wait3A_741, %dma_wait3A_742] : memref<6x512x32xf32, #tpu.memory_space<vmem>> -> memref<1x512x32xf32, #tpu.memory_space<vmem>>
    %dma_wait3A_744 = tpu.memref_squeeze %dma_wait3A_743 : memref<1x512x32xf32, #tpu.memory_space<vmem>> -> memref<512x32xf32, #tpu.memory_space<vmem>>
    %dma_wait3A_745 = arith.constant 0 : i32
    %dma_wait3A_746 = tpu.memref_slice %arg5[%add3A_678, %dma_wait3A_745] : memref<425984x32xf32, #tpu.memory_space<hbm>> -> memref<512x32xf32, #tpu.memory_space<hbm>>
    %dma_wait3A_747 = arith.constant 0 : i32
    %dma_wait3A_748 = tpu.memref_slice %arg5[%add3A_678, %dma_wait3A_747] : memref<425984x32xf32, #tpu.memory_space<hbm>> -> memref<512x32xf32, #tpu.memory_space<hbm>>
    %dma_wait3A_749 = arith.constant 0 : i32
    %dma_wait3A_750 = arith.constant 0 : i32
    %dma_wait3A_751 = tpu.memref_slice %arg8[%dma_wait3A_740, %dma_wait3A_749, %dma_wait3A_750] : memref<6x512x32xf32, #tpu.memory_space<vmem>> -> memref<1x512x32xf32, #tpu.memory_space<vmem>>
    %dma_wait3A_752 = tpu.memref_squeeze %dma_wait3A_751 : memref<1x512x32xf32, #tpu.memory_space<vmem>> -> memref<512x32xf32, #tpu.memory_space<vmem>>
    tpu.wait_dma2 semaphore(%arg16 : memref<!tpu.dma_semaphore, #tpu.memory_space<semaphore_mem>>) src(%dma_wait3A_752 : memref<512x32xf32, #tpu.memory_space<vmem>>) dst(%dma_wait3A_748 : memref<512x32xf32, #tpu.memory_space<hbm>>)
    %dma_start3A_753 = arith.constant 1 : i32
    %dma_start3A_754 = arith.constant 0 : i32
    %dma_start3A_755 = arith.constant 0 : i32
    %dma_start3A_756 = tpu.memref_slice %arg8[%dma_start3A_753, %dma_start3A_754, %dma_start3A_755] : memref<6x512x32xf32, #tpu.memory_space<vmem>> -> memref<1x512x32xf32, #tpu.memory_space<vmem>>
    %dma_start3A_757 = tpu.memref_squeeze %dma_start3A_756 : memref<1x512x32xf32, #tpu.memory_space<vmem>> -> memref<512x32xf32, #tpu.memory_space<vmem>>
    %dma_start3A_758 = arith.constant 9728 : i32
    %dma_start3A_759 = tpu.memref_slice %arg6[%dma_start3A_758] : memref<13312xi32, #tpu.memory_space<vmem>> -> memref<512xi32, #tpu.memory_space<vmem>>
    %dma_start3A_760 = arith.constant 0 : i32
    %dma_start3A_761 = arith.constant 0 : i32
    %dma_start3A_762 = tpu.memref_slice %arg4[%dma_start3A_760, %dma_start3A_761] : memref<2600000x32xf32, #tpu.memory_space<hbm>> -> memref<2600000x32xf32, #tpu.memory_space<hbm>>
    tpu.enqueue_indirect_dma source(%dma_start3A_762 : memref<2600000x32xf32, #tpu.memory_space<hbm>>) target(%dma_start3A_757 : memref<512x32xf32, #tpu.memory_space<vmem>>) offsets(%dma_start3A_759 : memref<512xi32, #tpu.memory_space<vmem>>) semaphore(%arg10 : memref<!tpu.dma_semaphore, #tpu.memory_space<semaphore_mem>>)
    %dma_wait3A_763 = arith.constant 3 : i32
    %dma_wait3A_764 = arith.constant 0 : i32
    %dma_wait3A_765 = arith.constant 0 : i32
    %dma_wait3A_766 = tpu.memref_slice %arg8[%dma_wait3A_763, %dma_wait3A_764, %dma_wait3A_765] : memref<6x512x32xf32, #tpu.memory_space<vmem>> -> memref<1x512x32xf32, #tpu.memory_space<vmem>>
    %dma_wait3A_767 = tpu.memref_squeeze %dma_wait3A_766 : memref<1x512x32xf32, #tpu.memory_space<vmem>> -> memref<512x32xf32, #tpu.memory_space<vmem>>
    %dma_wait3A_768 = arith.constant 7680 : i32
    %dma_wait3A_769 = tpu.memref_slice %arg6[%dma_wait3A_768] : memref<13312xi32, #tpu.memory_space<vmem>> -> memref<512xi32, #tpu.memory_space<vmem>>
    %dma_wait3A_770 = arith.constant 0 : i32
    %dma_wait3A_771 = arith.constant 0 : i32
    %dma_wait3A_772 = tpu.memref_slice %arg4[%dma_wait3A_770, %dma_wait3A_771] : memref<2600000x32xf32, #tpu.memory_space<hbm>> -> memref<2600000x32xf32, #tpu.memory_space<hbm>>
    tpu.wait_indirect_dma semaphore(%arg12 : memref<!tpu.dma_semaphore, #tpu.memory_space<semaphore_mem>>) src(%dma_wait3A_772 : memref<2600000x32xf32, #tpu.memory_space<hbm>>) dst(%dma_wait3A_767 : memref<512x32xf32, #tpu.memory_space<vmem>>)
    %add3A_773 = arith.constant 7680 : i32
    %add3A_774 = arith.addi %multiple_of3A, %add3A_773 : i32
    %dma_start3A_775 = arith.constant 3 : i32
    %dma_start3A_776 = arith.constant 0 : i32
    %dma_start3A_777 = arith.constant 0 : i32
    %dma_start3A_778 = tpu.memref_slice %arg8[%dma_start3A_775, %dma_start3A_776, %dma_start3A_777] : memref<6x512x32xf32, #tpu.memory_space<vmem>> -> memref<1x512x32xf32, #tpu.memory_space<vmem>>
    %dma_start3A_779 = tpu.memref_squeeze %dma_start3A_778 : memref<1x512x32xf32, #tpu.memory_space<vmem>> -> memref<512x32xf32, #tpu.memory_space<vmem>>
    %dma_start3A_780 = arith.constant 0 : i32
    %dma_start3A_781 = tpu.memref_slice %arg5[%add3A_774, %dma_start3A_780] : memref<425984x32xf32, #tpu.memory_space<hbm>> -> memref<512x32xf32, #tpu.memory_space<hbm>>
    %dma_start3A_782 = arith.constant 0 : i32
    %dma_start3A_783 = tpu.memref_slice %arg5[%add3A_774, %dma_start3A_782] : memref<425984x32xf32, #tpu.memory_space<hbm>> -> memref<512x32xf32, #tpu.memory_space<hbm>>
    %dma_start3A_784 = arith.constant 0 : i32
    %dma_start3A_785 = arith.constant 0 : i32
    %dma_start3A_786 = tpu.memref_slice %arg8[%dma_start3A_775, %dma_start3A_784, %dma_start3A_785] : memref<6x512x32xf32, #tpu.memory_space<vmem>> -> memref<1x512x32xf32, #tpu.memory_space<vmem>>
    %dma_start3A_787 = tpu.memref_squeeze %dma_start3A_786 : memref<1x512x32xf32, #tpu.memory_space<vmem>> -> memref<512x32xf32, #tpu.memory_space<vmem>>
    tpu.enqueue_dma source(%dma_start3A_787 : memref<512x32xf32, #tpu.memory_space<vmem>>) target(%dma_start3A_783 : memref<512x32xf32, #tpu.memory_space<hbm>>) target_semaphore(%arg18 : memref<!tpu.dma_semaphore, #tpu.memory_space<semaphore_mem>>)
    %dma_wait3A_788 = arith.constant 2 : i32
    %dma_wait3A_789 = arith.constant 0 : i32
    %dma_wait3A_790 = arith.constant 0 : i32
    %dma_wait3A_791 = tpu.memref_slice %arg8[%dma_wait3A_788, %dma_wait3A_789, %dma_wait3A_790] : memref<6x512x32xf32, #tpu.memory_space<vmem>> -> memref<1x512x32xf32, #tpu.memory_space<vmem>>
    %dma_wait3A_792 = tpu.memref_squeeze %dma_wait3A_791 : memref<1x512x32xf32, #tpu.memory_space<vmem>> -> memref<512x32xf32, #tpu.memory_space<vmem>>
    %dma_wait3A_793 = arith.constant 0 : i32
    %dma_wait3A_794 = tpu.memref_slice %arg5[%add3A_726, %dma_wait3A_793] : memref<425984x32xf32, #tpu.memory_space<hbm>> -> memref<512x32xf32, #tpu.memory_space<hbm>>
    %dma_wait3A_795 = arith.constant 0 : i32
    %dma_wait3A_796 = tpu.memref_slice %arg5[%add3A_726, %dma_wait3A_795] : memref<425984x32xf32, #tpu.memory_space<hbm>> -> memref<512x32xf32, #tpu.memory_space<hbm>>
    %dma_wait3A_797 = arith.constant 0 : i32
    %dma_wait3A_798 = arith.constant 0 : i32
    %dma_wait3A_799 = tpu.memref_slice %arg8[%dma_wait3A_788, %dma_wait3A_797, %dma_wait3A_798] : memref<6x512x32xf32, #tpu.memory_space<vmem>> -> memref<1x512x32xf32, #tpu.memory_space<vmem>>
    %dma_wait3A_800 = tpu.memref_squeeze %dma_wait3A_799 : memref<1x512x32xf32, #tpu.memory_space<vmem>> -> memref<512x32xf32, #tpu.memory_space<vmem>>
    tpu.wait_dma2 semaphore(%arg17 : memref<!tpu.dma_semaphore, #tpu.memory_space<semaphore_mem>>) src(%dma_wait3A_800 : memref<512x32xf32, #tpu.memory_space<vmem>>) dst(%dma_wait3A_796 : memref<512x32xf32, #tpu.memory_space<hbm>>)
    %dma_start3A_801 = arith.constant 2 : i32
    %dma_start3A_802 = arith.constant 0 : i32
    %dma_start3A_803 = arith.constant 0 : i32
    %dma_start3A_804 = tpu.memref_slice %arg8[%dma_start3A_801, %dma_start3A_802, %dma_start3A_803] : memref<6x512x32xf32, #tpu.memory_space<vmem>> -> memref<1x512x32xf32, #tpu.memory_space<vmem>>
    %dma_start3A_805 = tpu.memref_squeeze %dma_start3A_804 : memref<1x512x32xf32, #tpu.memory_space<vmem>> -> memref<512x32xf32, #tpu.memory_space<vmem>>
    %dma_start3A_806 = arith.constant 10240 : i32
    %dma_start3A_807 = tpu.memref_slice %arg6[%dma_start3A_806] : memref<13312xi32, #tpu.memory_space<vmem>> -> memref<512xi32, #tpu.memory_space<vmem>>
    %dma_start3A_808 = arith.constant 0 : i32
    %dma_start3A_809 = arith.constant 0 : i32
    %dma_start3A_810 = tpu.memref_slice %arg4[%dma_start3A_808, %dma_start3A_809] : memref<2600000x32xf32, #tpu.memory_space<hbm>> -> memref<2600000x32xf32, #tpu.memory_space<hbm>>
    tpu.enqueue_indirect_dma source(%dma_start3A_810 : memref<2600000x32xf32, #tpu.memory_space<hbm>>) target(%dma_start3A_805 : memref<512x32xf32, #tpu.memory_space<vmem>>) offsets(%dma_start3A_807 : memref<512xi32, #tpu.memory_space<vmem>>) semaphore(%arg11 : memref<!tpu.dma_semaphore, #tpu.memory_space<semaphore_mem>>)
    %dma_wait3A_811 = arith.constant 4 : i32
    %dma_wait3A_812 = arith.constant 0 : i32
    %dma_wait3A_813 = arith.constant 0 : i32
    %dma_wait3A_814 = tpu.memref_slice %arg8[%dma_wait3A_811, %dma_wait3A_812, %dma_wait3A_813] : memref<6x512x32xf32, #tpu.memory_space<vmem>> -> memref<1x512x32xf32, #tpu.memory_space<vmem>>
    %dma_wait3A_815 = tpu.memref_squeeze %dma_wait3A_814 : memref<1x512x32xf32, #tpu.memory_space<vmem>> -> memref<512x32xf32, #tpu.memory_space<vmem>>
    %dma_wait3A_816 = arith.constant 8192 : i32
    %dma_wait3A_817 = tpu.memref_slice %arg6[%dma_wait3A_816] : memref<13312xi32, #tpu.memory_space<vmem>> -> memref<512xi32, #tpu.memory_space<vmem>>
    %dma_wait3A_818 = arith.constant 0 : i32
    %dma_wait3A_819 = arith.constant 0 : i32
    %dma_wait3A_820 = tpu.memref_slice %arg4[%dma_wait3A_818, %dma_wait3A_819] : memref<2600000x32xf32, #tpu.memory_space<hbm>> -> memref<2600000x32xf32, #tpu.memory_space<hbm>>
    tpu.wait_indirect_dma semaphore(%arg13 : memref<!tpu.dma_semaphore, #tpu.memory_space<semaphore_mem>>) src(%dma_wait3A_820 : memref<2600000x32xf32, #tpu.memory_space<hbm>>) dst(%dma_wait3A_815 : memref<512x32xf32, #tpu.memory_space<vmem>>)
    %add3A_821 = arith.constant 8192 : i32
    %add3A_822 = arith.addi %multiple_of3A, %add3A_821 : i32
    %dma_start3A_823 = arith.constant 4 : i32
    %dma_start3A_824 = arith.constant 0 : i32
    %dma_start3A_825 = arith.constant 0 : i32
    %dma_start3A_826 = tpu.memref_slice %arg8[%dma_start3A_823, %dma_start3A_824, %dma_start3A_825] : memref<6x512x32xf32, #tpu.memory_space<vmem>> -> memref<1x512x32xf32, #tpu.memory_space<vmem>>
    %dma_start3A_827 = tpu.memref_squeeze %dma_start3A_826 : memref<1x512x32xf32, #tpu.memory_space<vmem>> -> memref<512x32xf32, #tpu.memory_space<vmem>>
    %dma_start3A_828 = arith.constant 0 : i32
    %dma_start3A_829 = tpu.memref_slice %arg5[%add3A_822, %dma_start3A_828] : memref<425984x32xf32, #tpu.memory_space<hbm>> -> memref<512x32xf32, #tpu.memory_space<hbm>>
    %dma_start3A_830 = arith.constant 0 : i32
    %dma_start3A_831 = tpu.memref_slice %arg5[%add3A_822, %dma_start3A_830] : memref<425984x32xf32, #tpu.memory_space<hbm>> -> memref<512x32xf32, #tpu.memory_space<hbm>>
    %dma_start3A_832 = arith.constant 0 : i32
    %dma_start3A_833 = arith.constant 0 : i32
    %dma_start3A_834 = tpu.memref_slice %arg8[%dma_start3A_823, %dma_start3A_832, %dma_start3A_833] : memref<6x512x32xf32, #tpu.memory_space<vmem>> -> memref<1x512x32xf32, #tpu.memory_space<vmem>>
    %dma_start3A_835 = tpu.memref_squeeze %dma_start3A_834 : memref<1x512x32xf32, #tpu.memory_space<vmem>> -> memref<512x32xf32, #tpu.memory_space<vmem>>
    tpu.enqueue_dma source(%dma_start3A_835 : memref<512x32xf32, #tpu.memory_space<vmem>>) target(%dma_start3A_831 : memref<512x32xf32, #tpu.memory_space<hbm>>) target_semaphore(%arg19 : memref<!tpu.dma_semaphore, #tpu.memory_space<semaphore_mem>>)
    %dma_wait3A_836 = arith.constant 3 : i32
    %dma_wait3A_837 = arith.constant 0 : i32
    %dma_wait3A_838 = arith.constant 0 : i32
    %dma_wait3A_839 = tpu.memref_slice %arg8[%dma_wait3A_836, %dma_wait3A_837, %dma_wait3A_838] : memref<6x512x32xf32, #tpu.memory_space<vmem>> -> memref<1x512x32xf32, #tpu.memory_space<vmem>>
    %dma_wait3A_840 = tpu.memref_squeeze %dma_wait3A_839 : memref<1x512x32xf32, #tpu.memory_space<vmem>> -> memref<512x32xf32, #tpu.memory_space<vmem>>
    %dma_wait3A_841 = arith.constant 0 : i32
    %dma_wait3A_842 = tpu.memref_slice %arg5[%add3A_774, %dma_wait3A_841] : memref<425984x32xf32, #tpu.memory_space<hbm>> -> memref<512x32xf32, #tpu.memory_space<hbm>>
    %dma_wait3A_843 = arith.constant 0 : i32
    %dma_wait3A_844 = tpu.memref_slice %arg5[%add3A_774, %dma_wait3A_843] : memref<425984x32xf32, #tpu.memory_space<hbm>> -> memref<512x32xf32, #tpu.memory_space<hbm>>
    %dma_wait3A_845 = arith.constant 0 : i32
    %dma_wait3A_846 = arith.constant 0 : i32
    %dma_wait3A_847 = tpu.memref_slice %arg8[%dma_wait3A_836, %dma_wait3A_845, %dma_wait3A_846] : memref<6x512x32xf32, #tpu.memory_space<vmem>> -> memref<1x512x32xf32, #tpu.memory_space<vmem>>
    %dma_wait3A_848 = tpu.memref_squeeze %dma_wait3A_847 : memref<1x512x32xf32, #tpu.memory_space<vmem>> -> memref<512x32xf32, #tpu.memory_space<vmem>>
    tpu.wait_dma2 semaphore(%arg18 : memref<!tpu.dma_semaphore, #tpu.memory_space<semaphore_mem>>) src(%dma_wait3A_848 : memref<512x32xf32, #tpu.memory_space<vmem>>) dst(%dma_wait3A_844 : memref<512x32xf32, #tpu.memory_space<hbm>>)
    %dma_start3A_849 = arith.constant 3 : i32
    %dma_start3A_850 = arith.constant 0 : i32
    %dma_start3A_851 = arith.constant 0 : i32
    %dma_start3A_852 = tpu.memref_slice %arg8[%dma_start3A_849, %dma_start3A_850, %dma_start3A_851] : memref<6x512x32xf32, #tpu.memory_space<vmem>> -> memref<1x512x32xf32, #tpu.memory_space<vmem>>
    %dma_start3A_853 = tpu.memref_squeeze %dma_start3A_852 : memref<1x512x32xf32, #tpu.memory_space<vmem>> -> memref<512x32xf32, #tpu.memory_space<vmem>>
    %dma_start3A_854 = arith.constant 10752 : i32
    %dma_start3A_855 = tpu.memref_slice %arg6[%dma_start3A_854] : memref<13312xi32, #tpu.memory_space<vmem>> -> memref<512xi32, #tpu.memory_space<vmem>>
    %dma_start3A_856 = arith.constant 0 : i32
    %dma_start3A_857 = arith.constant 0 : i32
    %dma_start3A_858 = tpu.memref_slice %arg4[%dma_start3A_856, %dma_start3A_857] : memref<2600000x32xf32, #tpu.memory_space<hbm>> -> memref<2600000x32xf32, #tpu.memory_space<hbm>>
    tpu.enqueue_indirect_dma source(%dma_start3A_858 : memref<2600000x32xf32, #tpu.memory_space<hbm>>) target(%dma_start3A_853 : memref<512x32xf32, #tpu.memory_space<vmem>>) offsets(%dma_start3A_855 : memref<512xi32, #tpu.memory_space<vmem>>) semaphore(%arg12 : memref<!tpu.dma_semaphore, #tpu.memory_space<semaphore_mem>>)
    %dma_wait3A_859 = arith.constant 5 : i32
    %dma_wait3A_860 = arith.constant 0 : i32
    %dma_wait3A_861 = arith.constant 0 : i32
    %dma_wait3A_862 = tpu.memref_slice %arg8[%dma_wait3A_859, %dma_wait3A_860, %dma_wait3A_861] : memref<6x512x32xf32, #tpu.memory_space<vmem>> -> memref<1x512x32xf32, #tpu.memory_space<vmem>>
    %dma_wait3A_863 = tpu.memref_squeeze %dma_wait3A_862 : memref<1x512x32xf32, #tpu.memory_space<vmem>> -> memref<512x32xf32, #tpu.memory_space<vmem>>
    %dma_wait3A_864 = arith.constant 8704 : i32
    %dma_wait3A_865 = tpu.memref_slice %arg6[%dma_wait3A_864] : memref<13312xi32, #tpu.memory_space<vmem>> -> memref<512xi32, #tpu.memory_space<vmem>>
    %dma_wait3A_866 = arith.constant 0 : i32
    %dma_wait3A_867 = arith.constant 0 : i32
    %dma_wait3A_868 = tpu.memref_slice %arg4[%dma_wait3A_866, %dma_wait3A_867] : memref<2600000x32xf32, #tpu.memory_space<hbm>> -> memref<2600000x32xf32, #tpu.memory_space<hbm>>
    tpu.wait_indirect_dma semaphore(%arg14 : memref<!tpu.dma_semaphore, #tpu.memory_space<semaphore_mem>>) src(%dma_wait3A_868 : memref<2600000x32xf32, #tpu.memory_space<hbm>>) dst(%dma_wait3A_863 : memref<512x32xf32, #tpu.memory_space<vmem>>)
    %add3A_869 = arith.constant 8704 : i32
    %add3A_870 = arith.addi %multiple_of3A, %add3A_869 : i32
    %dma_start3A_871 = arith.constant 5 : i32
    %dma_start3A_872 = arith.constant 0 : i32
    %dma_start3A_873 = arith.constant 0 : i32
    %dma_start3A_874 = tpu.memref_slice %arg8[%dma_start3A_871, %dma_start3A_872, %dma_start3A_873] : memref<6x512x32xf32, #tpu.memory_space<vmem>> -> memref<1x512x32xf32, #tpu.memory_space<vmem>>
    %dma_start3A_875 = tpu.memref_squeeze %dma_start3A_874 : memref<1x512x32xf32, #tpu.memory_space<vmem>> -> memref<512x32xf32, #tpu.memory_space<vmem>>
    %dma_start3A_876 = arith.constant 0 : i32
    %dma_start3A_877 = tpu.memref_slice %arg5[%add3A_870, %dma_start3A_876] : memref<425984x32xf32, #tpu.memory_space<hbm>> -> memref<512x32xf32, #tpu.memory_space<hbm>>
    %dma_start3A_878 = arith.constant 0 : i32
    %dma_start3A_879 = tpu.memref_slice %arg5[%add3A_870, %dma_start3A_878] : memref<425984x32xf32, #tpu.memory_space<hbm>> -> memref<512x32xf32, #tpu.memory_space<hbm>>
    %dma_start3A_880 = arith.constant 0 : i32
    %dma_start3A_881 = arith.constant 0 : i32
    %dma_start3A_882 = tpu.memref_slice %arg8[%dma_start3A_871, %dma_start3A_880, %dma_start3A_881] : memref<6x512x32xf32, #tpu.memory_space<vmem>> -> memref<1x512x32xf32, #tpu.memory_space<vmem>>
    %dma_start3A_883 = tpu.memref_squeeze %dma_start3A_882 : memref<1x512x32xf32, #tpu.memory_space<vmem>> -> memref<512x32xf32, #tpu.memory_space<vmem>>
    tpu.enqueue_dma source(%dma_start3A_883 : memref<512x32xf32, #tpu.memory_space<vmem>>) target(%dma_start3A_879 : memref<512x32xf32, #tpu.memory_space<hbm>>) target_semaphore(%arg20 : memref<!tpu.dma_semaphore, #tpu.memory_space<semaphore_mem>>)
    %dma_wait3A_884 = arith.constant 4 : i32
    %dma_wait3A_885 = arith.constant 0 : i32
    %dma_wait3A_886 = arith.constant 0 : i32
    %dma_wait3A_887 = tpu.memref_slice %arg8[%dma_wait3A_884, %dma_wait3A_885, %dma_wait3A_886] : memref<6x512x32xf32, #tpu.memory_space<vmem>> -> memref<1x512x32xf32, #tpu.memory_space<vmem>>
    %dma_wait3A_888 = tpu.memref_squeeze %dma_wait3A_887 : memref<1x512x32xf32, #tpu.memory_space<vmem>> -> memref<512x32xf32, #tpu.memory_space<vmem>>
    %dma_wait3A_889 = arith.constant 0 : i32
    %dma_wait3A_890 = tpu.memref_slice %arg5[%add3A_822, %dma_wait3A_889] : memref<425984x32xf32, #tpu.memory_space<hbm>> -> memref<512x32xf32, #tpu.memory_space<hbm>>
    %dma_wait3A_891 = arith.constant 0 : i32
    %dma_wait3A_892 = tpu.memref_slice %arg5[%add3A_822, %dma_wait3A_891] : memref<425984x32xf32, #tpu.memory_space<hbm>> -> memref<512x32xf32, #tpu.memory_space<hbm>>
    %dma_wait3A_893 = arith.constant 0 : i32
    %dma_wait3A_894 = arith.constant 0 : i32
    %dma_wait3A_895 = tpu.memref_slice %arg8[%dma_wait3A_884, %dma_wait3A_893, %dma_wait3A_894] : memref<6x512x32xf32, #tpu.memory_space<vmem>> -> memref<1x512x32xf32, #tpu.memory_space<vmem>>
    %dma_wait3A_896 = tpu.memref_squeeze %dma_wait3A_895 : memref<1x512x32xf32, #tpu.memory_space<vmem>> -> memref<512x32xf32, #tpu.memory_space<vmem>>
    tpu.wait_dma2 semaphore(%arg19 : memref<!tpu.dma_semaphore, #tpu.memory_space<semaphore_mem>>) src(%dma_wait3A_896 : memref<512x32xf32, #tpu.memory_space<vmem>>) dst(%dma_wait3A_892 : memref<512x32xf32, #tpu.memory_space<hbm>>)
    %dma_start3A_897 = arith.constant 4 : i32
    %dma_start3A_898 = arith.constant 0 : i32
    %dma_start3A_899 = arith.constant 0 : i32
    %dma_start3A_900 = tpu.memref_slice %arg8[%dma_start3A_897, %dma_start3A_898, %dma_start3A_899] : memref<6x512x32xf32, #tpu.memory_space<vmem>> -> memref<1x512x32xf32, #tpu.memory_space<vmem>>
    %dma_start3A_901 = tpu.memref_squeeze %dma_start3A_900 : memref<1x512x32xf32, #tpu.memory_space<vmem>> -> memref<512x32xf32, #tpu.memory_space<vmem>>
    %dma_start3A_902 = arith.constant 11264 : i32
    %dma_start3A_903 = tpu.memref_slice %arg6[%dma_start3A_902] : memref<13312xi32, #tpu.memory_space<vmem>> -> memref<512xi32, #tpu.memory_space<vmem>>
    %dma_start3A_904 = arith.constant 0 : i32
    %dma_start3A_905 = arith.constant 0 : i32
    %dma_start3A_906 = tpu.memref_slice %arg4[%dma_start3A_904, %dma_start3A_905] : memref<2600000x32xf32, #tpu.memory_space<hbm>> -> memref<2600000x32xf32, #tpu.memory_space<hbm>>
    tpu.enqueue_indirect_dma source(%dma_start3A_906 : memref<2600000x32xf32, #tpu.memory_space<hbm>>) target(%dma_start3A_901 : memref<512x32xf32, #tpu.memory_space<vmem>>) offsets(%dma_start3A_903 : memref<512xi32, #tpu.memory_space<vmem>>) semaphore(%arg13 : memref<!tpu.dma_semaphore, #tpu.memory_space<semaphore_mem>>)
    %dma_wait3A_907 = arith.constant 0 : i32
    %dma_wait3A_908 = arith.constant 0 : i32
    %dma_wait3A_909 = arith.constant 0 : i32
    %dma_wait3A_910 = tpu.memref_slice %arg8[%dma_wait3A_907, %dma_wait3A_908, %dma_wait3A_909] : memref<6x512x32xf32, #tpu.memory_space<vmem>> -> memref<1x512x32xf32, #tpu.memory_space<vmem>>
    %dma_wait3A_911 = tpu.memref_squeeze %dma_wait3A_910 : memref<1x512x32xf32, #tpu.memory_space<vmem>> -> memref<512x32xf32, #tpu.memory_space<vmem>>
    %dma_wait3A_912 = arith.constant 9216 : i32
    %dma_wait3A_913 = tpu.memref_slice %arg6[%dma_wait3A_912] : memref<13312xi32, #tpu.memory_space<vmem>> -> memref<512xi32, #tpu.memory_space<vmem>>
    %dma_wait3A_914 = arith.constant 0 : i32
    %dma_wait3A_915 = arith.constant 0 : i32
    %dma_wait3A_916 = tpu.memref_slice %arg4[%dma_wait3A_914, %dma_wait3A_915] : memref<2600000x32xf32, #tpu.memory_space<hbm>> -> memref<2600000x32xf32, #tpu.memory_space<hbm>>
    tpu.wait_indirect_dma semaphore(%arg9 : memref<!tpu.dma_semaphore, #tpu.memory_space<semaphore_mem>>) src(%dma_wait3A_916 : memref<2600000x32xf32, #tpu.memory_space<hbm>>) dst(%dma_wait3A_911 : memref<512x32xf32, #tpu.memory_space<vmem>>)
    %add3A_917 = arith.constant 9216 : i32
    %add3A_918 = arith.addi %multiple_of3A, %add3A_917 : i32
    %dma_start3A_919 = arith.constant 0 : i32
    %dma_start3A_920 = arith.constant 0 : i32
    %dma_start3A_921 = arith.constant 0 : i32
    %dma_start3A_922 = tpu.memref_slice %arg8[%dma_start3A_919, %dma_start3A_920, %dma_start3A_921] : memref<6x512x32xf32, #tpu.memory_space<vmem>> -> memref<1x512x32xf32, #tpu.memory_space<vmem>>
    %dma_start3A_923 = tpu.memref_squeeze %dma_start3A_922 : memref<1x512x32xf32, #tpu.memory_space<vmem>> -> memref<512x32xf32, #tpu.memory_space<vmem>>
    %dma_start3A_924 = arith.constant 0 : i32
    %dma_start3A_925 = tpu.memref_slice %arg5[%add3A_918, %dma_start3A_924] : memref<425984x32xf32, #tpu.memory_space<hbm>> -> memref<512x32xf32, #tpu.memory_space<hbm>>
    %dma_start3A_926 = arith.constant 0 : i32
    %dma_start3A_927 = tpu.memref_slice %arg5[%add3A_918, %dma_start3A_926] : memref<425984x32xf32, #tpu.memory_space<hbm>> -> memref<512x32xf32, #tpu.memory_space<hbm>>
    %dma_start3A_928 = arith.constant 0 : i32
    %dma_start3A_929 = arith.constant 0 : i32
    %dma_start3A_930 = tpu.memref_slice %arg8[%dma_start3A_919, %dma_start3A_928, %dma_start3A_929] : memref<6x512x32xf32, #tpu.memory_space<vmem>> -> memref<1x512x32xf32, #tpu.memory_space<vmem>>
    %dma_start3A_931 = tpu.memref_squeeze %dma_start3A_930 : memref<1x512x32xf32, #tpu.memory_space<vmem>> -> memref<512x32xf32, #tpu.memory_space<vmem>>
    tpu.enqueue_dma source(%dma_start3A_931 : memref<512x32xf32, #tpu.memory_space<vmem>>) target(%dma_start3A_927 : memref<512x32xf32, #tpu.memory_space<hbm>>) target_semaphore(%arg15 : memref<!tpu.dma_semaphore, #tpu.memory_space<semaphore_mem>>)
    %dma_wait3A_932 = arith.constant 5 : i32
    %dma_wait3A_933 = arith.constant 0 : i32
    %dma_wait3A_934 = arith.constant 0 : i32
    %dma_wait3A_935 = tpu.memref_slice %arg8[%dma_wait3A_932, %dma_wait3A_933, %dma_wait3A_934] : memref<6x512x32xf32, #tpu.memory_space<vmem>> -> memref<1x512x32xf32, #tpu.memory_space<vmem>>
    %dma_wait3A_936 = tpu.memref_squeeze %dma_wait3A_935 : memref<1x512x32xf32, #tpu.memory_space<vmem>> -> memref<512x32xf32, #tpu.memory_space<vmem>>
    %dma_wait3A_937 = arith.constant 0 : i32
    %dma_wait3A_938 = tpu.memref_slice %arg5[%add3A_870, %dma_wait3A_937] : memref<425984x32xf32, #tpu.memory_space<hbm>> -> memref<512x32xf32, #tpu.memory_space<hbm>>
    %dma_wait3A_939 = arith.constant 0 : i32
    %dma_wait3A_940 = tpu.memref_slice %arg5[%add3A_870, %dma_wait3A_939] : memref<425984x32xf32, #tpu.memory_space<hbm>> -> memref<512x32xf32, #tpu.memory_space<hbm>>
    %dma_wait3A_941 = arith.constant 0 : i32
    %dma_wait3A_942 = arith.constant 0 : i32
    %dma_wait3A_943 = tpu.memref_slice %arg8[%dma_wait3A_932, %dma_wait3A_941, %dma_wait3A_942] : memref<6x512x32xf32, #tpu.memory_space<vmem>> -> memref<1x512x32xf32, #tpu.memory_space<vmem>>
    %dma_wait3A_944 = tpu.memref_squeeze %dma_wait3A_943 : memref<1x512x32xf32, #tpu.memory_space<vmem>> -> memref<512x32xf32, #tpu.memory_space<vmem>>
    tpu.wait_dma2 semaphore(%arg20 : memref<!tpu.dma_semaphore, #tpu.memory_space<semaphore_mem>>) src(%dma_wait3A_944 : memref<512x32xf32, #tpu.memory_space<vmem>>) dst(%dma_wait3A_940 : memref<512x32xf32, #tpu.memory_space<hbm>>)
    %dma_start3A_945 = arith.constant 5 : i32
    %dma_start3A_946 = arith.constant 0 : i32
    %dma_start3A_947 = arith.constant 0 : i32
    %dma_start3A_948 = tpu.memref_slice %arg8[%dma_start3A_945, %dma_start3A_946, %dma_start3A_947] : memref<6x512x32xf32, #tpu.memory_space<vmem>> -> memref<1x512x32xf32, #tpu.memory_space<vmem>>
    %dma_start3A_949 = tpu.memref_squeeze %dma_start3A_948 : memref<1x512x32xf32, #tpu.memory_space<vmem>> -> memref<512x32xf32, #tpu.memory_space<vmem>>
    %dma_start3A_950 = arith.constant 11776 : i32
    %dma_start3A_951 = tpu.memref_slice %arg6[%dma_start3A_950] : memref<13312xi32, #tpu.memory_space<vmem>> -> memref<512xi32, #tpu.memory_space<vmem>>
    %dma_start3A_952 = arith.constant 0 : i32
    %dma_start3A_953 = arith.constant 0 : i32
    %dma_start3A_954 = tpu.memref_slice %arg4[%dma_start3A_952, %dma_start3A_953] : memref<2600000x32xf32, #tpu.memory_space<hbm>> -> memref<2600000x32xf32, #tpu.memory_space<hbm>>
    tpu.enqueue_indirect_dma source(%dma_start3A_954 : memref<2600000x32xf32, #tpu.memory_space<hbm>>) target(%dma_start3A_949 : memref<512x32xf32, #tpu.memory_space<vmem>>) offsets(%dma_start3A_951 : memref<512xi32, #tpu.memory_space<vmem>>) semaphore(%arg14 : memref<!tpu.dma_semaphore, #tpu.memory_space<semaphore_mem>>)
    %dma_wait3A_955 = arith.constant 1 : i32
    %dma_wait3A_956 = arith.constant 0 : i32
    %dma_wait3A_957 = arith.constant 0 : i32
    %dma_wait3A_958 = tpu.memref_slice %arg8[%dma_wait3A_955, %dma_wait3A_956, %dma_wait3A_957] : memref<6x512x32xf32, #tpu.memory_space<vmem>> -> memref<1x512x32xf32, #tpu.memory_space<vmem>>
    %dma_wait3A_959 = tpu.memref_squeeze %dma_wait3A_958 : memref<1x512x32xf32, #tpu.memory_space<vmem>> -> memref<512x32xf32, #tpu.memory_space<vmem>>
    %dma_wait3A_960 = arith.constant 9728 : i32
    %dma_wait3A_961 = tpu.memref_slice %arg6[%dma_wait3A_960] : memref<13312xi32, #tpu.memory_space<vmem>> -> memref<512xi32, #tpu.memory_space<vmem>>
    %dma_wait3A_962 = arith.constant 0 : i32
    %dma_wait3A_963 = arith.constant 0 : i32
    %dma_wait3A_964 = tpu.memref_slice %arg4[%dma_wait3A_962, %dma_wait3A_963] : memref<2600000x32xf32, #tpu.memory_space<hbm>> -> memref<2600000x32xf32, #tpu.memory_space<hbm>>
    tpu.wait_indirect_dma semaphore(%arg10 : memref<!tpu.dma_semaphore, #tpu.memory_space<semaphore_mem>>) src(%dma_wait3A_964 : memref<2600000x32xf32, #tpu.memory_space<hbm>>) dst(%dma_wait3A_959 : memref<512x32xf32, #tpu.memory_space<vmem>>)
    %add3A_965 = arith.constant 9728 : i32
    %add3A_966 = arith.addi %multiple_of3A, %add3A_965 : i32
    %dma_start3A_967 = arith.constant 1 : i32
    %dma_start3A_968 = arith.constant 0 : i32
    %dma_start3A_969 = arith.constant 0 : i32
    %dma_start3A_970 = tpu.memref_slice %arg8[%dma_start3A_967, %dma_start3A_968, %dma_start3A_969] : memref<6x512x32xf32, #tpu.memory_space<vmem>> -> memref<1x512x32xf32, #tpu.memory_space<vmem>>
    %dma_start3A_971 = tpu.memref_squeeze %dma_start3A_970 : memref<1x512x32xf32, #tpu.memory_space<vmem>> -> memref<512x32xf32, #tpu.memory_space<vmem>>
    %dma_start3A_972 = arith.constant 0 : i32
    %dma_start3A_973 = tpu.memref_slice %arg5[%add3A_966, %dma_start3A_972] : memref<425984x32xf32, #tpu.memory_space<hbm>> -> memref<512x32xf32, #tpu.memory_space<hbm>>
    %dma_start3A_974 = arith.constant 0 : i32
    %dma_start3A_975 = tpu.memref_slice %arg5[%add3A_966, %dma_start3A_974] : memref<425984x32xf32, #tpu.memory_space<hbm>> -> memref<512x32xf32, #tpu.memory_space<hbm>>
    %dma_start3A_976 = arith.constant 0 : i32
    %dma_start3A_977 = arith.constant 0 : i32
    %dma_start3A_978 = tpu.memref_slice %arg8[%dma_start3A_967, %dma_start3A_976, %dma_start3A_977] : memref<6x512x32xf32, #tpu.memory_space<vmem>> -> memref<1x512x32xf32, #tpu.memory_space<vmem>>
    %dma_start3A_979 = tpu.memref_squeeze %dma_start3A_978 : memref<1x512x32xf32, #tpu.memory_space<vmem>> -> memref<512x32xf32, #tpu.memory_space<vmem>>
    tpu.enqueue_dma source(%dma_start3A_979 : memref<512x32xf32, #tpu.memory_space<vmem>>) target(%dma_start3A_975 : memref<512x32xf32, #tpu.memory_space<hbm>>) target_semaphore(%arg16 : memref<!tpu.dma_semaphore, #tpu.memory_space<semaphore_mem>>)
    %dma_wait3A_980 = arith.constant 0 : i32
    %dma_wait3A_981 = arith.constant 0 : i32
    %dma_wait3A_982 = arith.constant 0 : i32
    %dma_wait3A_983 = tpu.memref_slice %arg8[%dma_wait3A_980, %dma_wait3A_981, %dma_wait3A_982] : memref<6x512x32xf32, #tpu.memory_space<vmem>> -> memref<1x512x32xf32, #tpu.memory_space<vmem>>
    %dma_wait3A_984 = tpu.memref_squeeze %dma_wait3A_983 : memref<1x512x32xf32, #tpu.memory_space<vmem>> -> memref<512x32xf32, #tpu.memory_space<vmem>>
    %dma_wait3A_985 = arith.constant 0 : i32
    %dma_wait3A_986 = tpu.memref_slice %arg5[%add3A_918, %dma_wait3A_985] : memref<425984x32xf32, #tpu.memory_space<hbm>> -> memref<512x32xf32, #tpu.memory_space<hbm>>
    %dma_wait3A_987 = arith.constant 0 : i32
    %dma_wait3A_988 = tpu.memref_slice %arg5[%add3A_918, %dma_wait3A_987] : memref<425984x32xf32, #tpu.memory_space<hbm>> -> memref<512x32xf32, #tpu.memory_space<hbm>>
    %dma_wait3A_989 = arith.constant 0 : i32
    %dma_wait3A_990 = arith.constant 0 : i32
    %dma_wait3A_991 = tpu.memref_slice %arg8[%dma_wait3A_980, %dma_wait3A_989, %dma_wait3A_990] : memref<6x512x32xf32, #tpu.memory_space<vmem>> -> memref<1x512x32xf32, #tpu.memory_space<vmem>>
    %dma_wait3A_992 = tpu.memref_squeeze %dma_wait3A_991 : memref<1x512x32xf32, #tpu.memory_space<vmem>> -> memref<512x32xf32, #tpu.memory_space<vmem>>
    tpu.wait_dma2 semaphore(%arg15 : memref<!tpu.dma_semaphore, #tpu.memory_space<semaphore_mem>>) src(%dma_wait3A_992 : memref<512x32xf32, #tpu.memory_space<vmem>>) dst(%dma_wait3A_988 : memref<512x32xf32, #tpu.memory_space<hbm>>)
    %dma_start3A_993 = arith.constant 0 : i32
    %dma_start3A_994 = arith.constant 0 : i32
    %dma_start3A_995 = arith.constant 0 : i32
    %dma_start3A_996 = tpu.memref_slice %arg8[%dma_start3A_993, %dma_start3A_994, %dma_start3A_995] : memref<6x512x32xf32, #tpu.memory_space<vmem>> -> memref<1x512x32xf32, #tpu.memory_space<vmem>>
    %dma_start3A_997 = tpu.memref_squeeze %dma_start3A_996 : memref<1x512x32xf32, #tpu.memory_space<vmem>> -> memref<512x32xf32, #tpu.memory_space<vmem>>
    %dma_start3A_998 = arith.constant 12288 : i32
    %dma_start3A_999 = tpu.memref_slice %arg6[%dma_start3A_998] : memref<13312xi32, #tpu.memory_space<vmem>> -> memref<512xi32, #tpu.memory_space<vmem>>
    %dma_start3A_1000 = arith.constant 0 : i32
    %dma_start3A_1001 = arith.constant 0 : i32
    %dma_start3A_1002 = tpu.memref_slice %arg4[%dma_start3A_1000, %dma_start3A_1001] : memref<2600000x32xf32, #tpu.memory_space<hbm>> -> memref<2600000x32xf32, #tpu.memory_space<hbm>>
    tpu.enqueue_indirect_dma source(%dma_start3A_1002 : memref<2600000x32xf32, #tpu.memory_space<hbm>>) target(%dma_start3A_997 : memref<512x32xf32, #tpu.memory_space<vmem>>) offsets(%dma_start3A_999 : memref<512xi32, #tpu.memory_space<vmem>>) semaphore(%arg9 : memref<!tpu.dma_semaphore, #tpu.memory_space<semaphore_mem>>)
    %dma_wait3A_1003 = arith.constant 2 : i32
    %dma_wait3A_1004 = arith.constant 0 : i32
    %dma_wait3A_1005 = arith.constant 0 : i32
    %dma_wait3A_1006 = tpu.memref_slice %arg8[%dma_wait3A_1003, %dma_wait3A_1004, %dma_wait3A_1005] : memref<6x512x32xf32, #tpu.memory_space<vmem>> -> memref<1x512x32xf32, #tpu.memory_space<vmem>>
    %dma_wait3A_1007 = tpu.memref_squeeze %dma_wait3A_1006 : memref<1x512x32xf32, #tpu.memory_space<vmem>> -> memref<512x32xf32, #tpu.memory_space<vmem>>
    %dma_wait3A_1008 = arith.constant 10240 : i32
    %dma_wait3A_1009 = tpu.memref_slice %arg6[%dma_wait3A_1008] : memref<13312xi32, #tpu.memory_space<vmem>> -> memref<512xi32, #tpu.memory_space<vmem>>
    %dma_wait3A_1010 = arith.constant 0 : i32
    %dma_wait3A_1011 = arith.constant 0 : i32
    %dma_wait3A_1012 = tpu.memref_slice %arg4[%dma_wait3A_1010, %dma_wait3A_1011] : memref<2600000x32xf32, #tpu.memory_space<hbm>> -> memref<2600000x32xf32, #tpu.memory_space<hbm>>
    tpu.wait_indirect_dma semaphore(%arg11 : memref<!tpu.dma_semaphore, #tpu.memory_space<semaphore_mem>>) src(%dma_wait3A_1012 : memref<2600000x32xf32, #tpu.memory_space<hbm>>) dst(%dma_wait3A_1007 : memref<512x32xf32, #tpu.memory_space<vmem>>)
    %add3A_1013 = arith.constant 10240 : i32
    %add3A_1014 = arith.addi %multiple_of3A, %add3A_1013 : i32
    %dma_start3A_1015 = arith.constant 2 : i32
    %dma_start3A_1016 = arith.constant 0 : i32
    %dma_start3A_1017 = arith.constant 0 : i32
    %dma_start3A_1018 = tpu.memref_slice %arg8[%dma_start3A_1015, %dma_start3A_1016, %dma_start3A_1017] : memref<6x512x32xf32, #tpu.memory_space<vmem>> -> memref<1x512x32xf32, #tpu.memory_space<vmem>>
    %dma_start3A_1019 = tpu.memref_squeeze %dma_start3A_1018 : memref<1x512x32xf32, #tpu.memory_space<vmem>> -> memref<512x32xf32, #tpu.memory_space<vmem>>
    %dma_start3A_1020 = arith.constant 0 : i32
    %dma_start3A_1021 = tpu.memref_slice %arg5[%add3A_1014, %dma_start3A_1020] : memref<425984x32xf32, #tpu.memory_space<hbm>> -> memref<512x32xf32, #tpu.memory_space<hbm>>
    %dma_start3A_1022 = arith.constant 0 : i32
    %dma_start3A_1023 = tpu.memref_slice %arg5[%add3A_1014, %dma_start3A_1022] : memref<425984x32xf32, #tpu.memory_space<hbm>> -> memref<512x32xf32, #tpu.memory_space<hbm>>
    %dma_start3A_1024 = arith.constant 0 : i32
    %dma_start3A_1025 = arith.constant 0 : i32
    %dma_start3A_1026 = tpu.memref_slice %arg8[%dma_start3A_1015, %dma_start3A_1024, %dma_start3A_1025] : memref<6x512x32xf32, #tpu.memory_space<vmem>> -> memref<1x512x32xf32, #tpu.memory_space<vmem>>
    %dma_start3A_1027 = tpu.memref_squeeze %dma_start3A_1026 : memref<1x512x32xf32, #tpu.memory_space<vmem>> -> memref<512x32xf32, #tpu.memory_space<vmem>>
    tpu.enqueue_dma source(%dma_start3A_1027 : memref<512x32xf32, #tpu.memory_space<vmem>>) target(%dma_start3A_1023 : memref<512x32xf32, #tpu.memory_space<hbm>>) target_semaphore(%arg17 : memref<!tpu.dma_semaphore, #tpu.memory_space<semaphore_mem>>)
    %dma_wait3A_1028 = arith.constant 1 : i32
    %dma_wait3A_1029 = arith.constant 0 : i32
    %dma_wait3A_1030 = arith.constant 0 : i32
    %dma_wait3A_1031 = tpu.memref_slice %arg8[%dma_wait3A_1028, %dma_wait3A_1029, %dma_wait3A_1030] : memref<6x512x32xf32, #tpu.memory_space<vmem>> -> memref<1x512x32xf32, #tpu.memory_space<vmem>>
    %dma_wait3A_1032 = tpu.memref_squeeze %dma_wait3A_1031 : memref<1x512x32xf32, #tpu.memory_space<vmem>> -> memref<512x32xf32, #tpu.memory_space<vmem>>
    %dma_wait3A_1033 = arith.constant 0 : i32
    %dma_wait3A_1034 = tpu.memref_slice %arg5[%add3A_966, %dma_wait3A_1033] : memref<425984x32xf32, #tpu.memory_space<hbm>> -> memref<512x32xf32, #tpu.memory_space<hbm>>
    %dma_wait3A_1035 = arith.constant 0 : i32
    %dma_wait3A_1036 = tpu.memref_slice %arg5[%add3A_966, %dma_wait3A_1035] : memref<425984x32xf32, #tpu.memory_space<hbm>> -> memref<512x32xf32, #tpu.memory_space<hbm>>
    %dma_wait3A_1037 = arith.constant 0 : i32
    %dma_wait3A_1038 = arith.constant 0 : i32
    %dma_wait3A_1039 = tpu.memref_slice %arg8[%dma_wait3A_1028, %dma_wait3A_1037, %dma_wait3A_1038] : memref<6x512x32xf32, #tpu.memory_space<vmem>> -> memref<1x512x32xf32, #tpu.memory_space<vmem>>
    %dma_wait3A_1040 = tpu.memref_squeeze %dma_wait3A_1039 : memref<1x512x32xf32, #tpu.memory_space<vmem>> -> memref<512x32xf32, #tpu.memory_space<vmem>>
    tpu.wait_dma2 semaphore(%arg16 : memref<!tpu.dma_semaphore, #tpu.memory_space<semaphore_mem>>) src(%dma_wait3A_1040 : memref<512x32xf32, #tpu.memory_space<vmem>>) dst(%dma_wait3A_1036 : memref<512x32xf32, #tpu.memory_space<hbm>>)
    %dma_start3A_1041 = arith.constant 1 : i32
    %dma_start3A_1042 = arith.constant 0 : i32
    %dma_start3A_1043 = arith.constant 0 : i32
    %dma_start3A_1044 = tpu.memref_slice %arg8[%dma_start3A_1041, %dma_start3A_1042, %dma_start3A_1043] : memref<6x512x32xf32, #tpu.memory_space<vmem>> -> memref<1x512x32xf32, #tpu.memory_space<vmem>>
    %dma_start3A_1045 = tpu.memref_squeeze %dma_start3A_1044 : memref<1x512x32xf32, #tpu.memory_space<vmem>> -> memref<512x32xf32, #tpu.memory_space<vmem>>
    %dma_start3A_1046 = arith.constant 12800 : i32
    %dma_start3A_1047 = tpu.memref_slice %arg6[%dma_start3A_1046] : memref<13312xi32, #tpu.memory_space<vmem>> -> memref<512xi32, #tpu.memory_space<vmem>>
    %dma_start3A_1048 = arith.constant 0 : i32
    %dma_start3A_1049 = arith.constant 0 : i32
    %dma_start3A_1050 = tpu.memref_slice %arg4[%dma_start3A_1048, %dma_start3A_1049] : memref<2600000x32xf32, #tpu.memory_space<hbm>> -> memref<2600000x32xf32, #tpu.memory_space<hbm>>
    tpu.enqueue_indirect_dma source(%dma_start3A_1050 : memref<2600000x32xf32, #tpu.memory_space<hbm>>) target(%dma_start3A_1045 : memref<512x32xf32, #tpu.memory_space<vmem>>) offsets(%dma_start3A_1047 : memref<512xi32, #tpu.memory_space<vmem>>) semaphore(%arg10 : memref<!tpu.dma_semaphore, #tpu.memory_space<semaphore_mem>>)
    %dma_wait3A_1051 = arith.constant 3 : i32
    %dma_wait3A_1052 = arith.constant 0 : i32
    %dma_wait3A_1053 = arith.constant 0 : i32
    %dma_wait3A_1054 = tpu.memref_slice %arg8[%dma_wait3A_1051, %dma_wait3A_1052, %dma_wait3A_1053] : memref<6x512x32xf32, #tpu.memory_space<vmem>> -> memref<1x512x32xf32, #tpu.memory_space<vmem>>
    %dma_wait3A_1055 = tpu.memref_squeeze %dma_wait3A_1054 : memref<1x512x32xf32, #tpu.memory_space<vmem>> -> memref<512x32xf32, #tpu.memory_space<vmem>>
    %dma_wait3A_1056 = arith.constant 10752 : i32
    %dma_wait3A_1057 = tpu.memref_slice %arg6[%dma_wait3A_1056] : memref<13312xi32, #tpu.memory_space<vmem>> -> memref<512xi32, #tpu.memory_space<vmem>>
    %dma_wait3A_1058 = arith.constant 0 : i32
    %dma_wait3A_1059 = arith.constant 0 : i32
    %dma_wait3A_1060 = tpu.memref_slice %arg4[%dma_wait3A_1058, %dma_wait3A_1059] : memref<2600000x32xf32, #tpu.memory_space<hbm>> -> memref<2600000x32xf32, #tpu.memory_space<hbm>>
    tpu.wait_indirect_dma semaphore(%arg12 : memref<!tpu.dma_semaphore, #tpu.memory_space<semaphore_mem>>) src(%dma_wait3A_1060 : memref<2600000x32xf32, #tpu.memory_space<hbm>>) dst(%dma_wait3A_1055 : memref<512x32xf32, #tpu.memory_space<vmem>>)
    %add3A_1061 = arith.constant 10752 : i32
    %add3A_1062 = arith.addi %multiple_of3A, %add3A_1061 : i32
    %dma_start3A_1063 = arith.constant 3 : i32
    %dma_start3A_1064 = arith.constant 0 : i32
    %dma_start3A_1065 = arith.constant 0 : i32
    %dma_start3A_1066 = tpu.memref_slice %arg8[%dma_start3A_1063, %dma_start3A_1064, %dma_start3A_1065] : memref<6x512x32xf32, #tpu.memory_space<vmem>> -> memref<1x512x32xf32, #tpu.memory_space<vmem>>
    %dma_start3A_1067 = tpu.memref_squeeze %dma_start3A_1066 : memref<1x512x32xf32, #tpu.memory_space<vmem>> -> memref<512x32xf32, #tpu.memory_space<vmem>>
    %dma_start3A_1068 = arith.constant 0 : i32
    %dma_start3A_1069 = tpu.memref_slice %arg5[%add3A_1062, %dma_start3A_1068] : memref<425984x32xf32, #tpu.memory_space<hbm>> -> memref<512x32xf32, #tpu.memory_space<hbm>>
    %dma_start3A_1070 = arith.constant 0 : i32
    %dma_start3A_1071 = tpu.memref_slice %arg5[%add3A_1062, %dma_start3A_1070] : memref<425984x32xf32, #tpu.memory_space<hbm>> -> memref<512x32xf32, #tpu.memory_space<hbm>>
    %dma_start3A_1072 = arith.constant 0 : i32
    %dma_start3A_1073 = arith.constant 0 : i32
    %dma_start3A_1074 = tpu.memref_slice %arg8[%dma_start3A_1063, %dma_start3A_1072, %dma_start3A_1073] : memref<6x512x32xf32, #tpu.memory_space<vmem>> -> memref<1x512x32xf32, #tpu.memory_space<vmem>>
    %dma_start3A_1075 = tpu.memref_squeeze %dma_start3A_1074 : memref<1x512x32xf32, #tpu.memory_space<vmem>> -> memref<512x32xf32, #tpu.memory_space<vmem>>
    tpu.enqueue_dma source(%dma_start3A_1075 : memref<512x32xf32, #tpu.memory_space<vmem>>) target(%dma_start3A_1071 : memref<512x32xf32, #tpu.memory_space<hbm>>) target_semaphore(%arg18 : memref<!tpu.dma_semaphore, #tpu.memory_space<semaphore_mem>>)
    %dma_wait3A_1076 = arith.constant 4 : i32
    %dma_wait3A_1077 = arith.constant 0 : i32
    %dma_wait3A_1078 = arith.constant 0 : i32
    %dma_wait3A_1079 = tpu.memref_slice %arg8[%dma_wait3A_1076, %dma_wait3A_1077, %dma_wait3A_1078] : memref<6x512x32xf32, #tpu.memory_space<vmem>> -> memref<1x512x32xf32, #tpu.memory_space<vmem>>
    %dma_wait3A_1080 = tpu.memref_squeeze %dma_wait3A_1079 : memref<1x512x32xf32, #tpu.memory_space<vmem>> -> memref<512x32xf32, #tpu.memory_space<vmem>>
    %dma_wait3A_1081 = arith.constant 11264 : i32
    %dma_wait3A_1082 = tpu.memref_slice %arg6[%dma_wait3A_1081] : memref<13312xi32, #tpu.memory_space<vmem>> -> memref<512xi32, #tpu.memory_space<vmem>>
    %dma_wait3A_1083 = arith.constant 0 : i32
    %dma_wait3A_1084 = arith.constant 0 : i32
    %dma_wait3A_1085 = tpu.memref_slice %arg4[%dma_wait3A_1083, %dma_wait3A_1084] : memref<2600000x32xf32, #tpu.memory_space<hbm>> -> memref<2600000x32xf32, #tpu.memory_space<hbm>>
    tpu.wait_indirect_dma semaphore(%arg13 : memref<!tpu.dma_semaphore, #tpu.memory_space<semaphore_mem>>) src(%dma_wait3A_1085 : memref<2600000x32xf32, #tpu.memory_space<hbm>>) dst(%dma_wait3A_1080 : memref<512x32xf32, #tpu.memory_space<vmem>>)
    %add3A_1086 = arith.constant 11264 : i32
    %add3A_1087 = arith.addi %multiple_of3A, %add3A_1086 : i32
    %dma_start3A_1088 = arith.constant 4 : i32
    %dma_start3A_1089 = arith.constant 0 : i32
    %dma_start3A_1090 = arith.constant 0 : i32
    %dma_start3A_1091 = tpu.memref_slice %arg8[%dma_start3A_1088, %dma_start3A_1089, %dma_start3A_1090] : memref<6x512x32xf32, #tpu.memory_space<vmem>> -> memref<1x512x32xf32, #tpu.memory_space<vmem>>
    %dma_start3A_1092 = tpu.memref_squeeze %dma_start3A_1091 : memref<1x512x32xf32, #tpu.memory_space<vmem>> -> memref<512x32xf32, #tpu.memory_space<vmem>>
    %dma_start3A_1093 = arith.constant 0 : i32
    %dma_start3A_1094 = tpu.memref_slice %arg5[%add3A_1087, %dma_start3A_1093] : memref<425984x32xf32, #tpu.memory_space<hbm>> -> memref<512x32xf32, #tpu.memory_space<hbm>>
    %dma_start3A_1095 = arith.constant 0 : i32
    %dma_start3A_1096 = tpu.memref_slice %arg5[%add3A_1087, %dma_start3A_1095] : memref<425984x32xf32, #tpu.memory_space<hbm>> -> memref<512x32xf32, #tpu.memory_space<hbm>>
    %dma_start3A_1097 = arith.constant 0 : i32
    %dma_start3A_1098 = arith.constant 0 : i32
    %dma_start3A_1099 = tpu.memref_slice %arg8[%dma_start3A_1088, %dma_start3A_1097, %dma_start3A_1098] : memref<6x512x32xf32, #tpu.memory_space<vmem>> -> memref<1x512x32xf32, #tpu.memory_space<vmem>>
    %dma_start3A_1100 = tpu.memref_squeeze %dma_start3A_1099 : memref<1x512x32xf32, #tpu.memory_space<vmem>> -> memref<512x32xf32, #tpu.memory_space<vmem>>
    tpu.enqueue_dma source(%dma_start3A_1100 : memref<512x32xf32, #tpu.memory_space<vmem>>) target(%dma_start3A_1096 : memref<512x32xf32, #tpu.memory_space<hbm>>) target_semaphore(%arg19 : memref<!tpu.dma_semaphore, #tpu.memory_space<semaphore_mem>>)
    %dma_wait3A_1101 = arith.constant 5 : i32
    %dma_wait3A_1102 = arith.constant 0 : i32
    %dma_wait3A_1103 = arith.constant 0 : i32
    %dma_wait3A_1104 = tpu.memref_slice %arg8[%dma_wait3A_1101, %dma_wait3A_1102, %dma_wait3A_1103] : memref<6x512x32xf32, #tpu.memory_space<vmem>> -> memref<1x512x32xf32, #tpu.memory_space<vmem>>
    %dma_wait3A_1105 = tpu.memref_squeeze %dma_wait3A_1104 : memref<1x512x32xf32, #tpu.memory_space<vmem>> -> memref<512x32xf32, #tpu.memory_space<vmem>>
    %dma_wait3A_1106 = arith.constant 11776 : i32
    %dma_wait3A_1107 = tpu.memref_slice %arg6[%dma_wait3A_1106] : memref<13312xi32, #tpu.memory_space<vmem>> -> memref<512xi32, #tpu.memory_space<vmem>>
    %dma_wait3A_1108 = arith.constant 0 : i32
    %dma_wait3A_1109 = arith.constant 0 : i32
    %dma_wait3A_1110 = tpu.memref_slice %arg4[%dma_wait3A_1108, %dma_wait3A_1109] : memref<2600000x32xf32, #tpu.memory_space<hbm>> -> memref<2600000x32xf32, #tpu.memory_space<hbm>>
    tpu.wait_indirect_dma semaphore(%arg14 : memref<!tpu.dma_semaphore, #tpu.memory_space<semaphore_mem>>) src(%dma_wait3A_1110 : memref<2600000x32xf32, #tpu.memory_space<hbm>>) dst(%dma_wait3A_1105 : memref<512x32xf32, #tpu.memory_space<vmem>>)
    %add3A_1111 = arith.constant 11776 : i32
    %add3A_1112 = arith.addi %multiple_of3A, %add3A_1111 : i32
    %dma_start3A_1113 = arith.constant 5 : i32
    %dma_start3A_1114 = arith.constant 0 : i32
    %dma_start3A_1115 = arith.constant 0 : i32
    %dma_start3A_1116 = tpu.memref_slice %arg8[%dma_start3A_1113, %dma_start3A_1114, %dma_start3A_1115] : memref<6x512x32xf32, #tpu.memory_space<vmem>> -> memref<1x512x32xf32, #tpu.memory_space<vmem>>
    %dma_start3A_1117 = tpu.memref_squeeze %dma_start3A_1116 : memref<1x512x32xf32, #tpu.memory_space<vmem>> -> memref<512x32xf32, #tpu.memory_space<vmem>>
    %dma_start3A_1118 = arith.constant 0 : i32
    %dma_start3A_1119 = tpu.memref_slice %arg5[%add3A_1112, %dma_start3A_1118] : memref<425984x32xf32, #tpu.memory_space<hbm>> -> memref<512x32xf32, #tpu.memory_space<hbm>>
    %dma_start3A_1120 = arith.constant 0 : i32
    %dma_start3A_1121 = tpu.memref_slice %arg5[%add3A_1112, %dma_start3A_1120] : memref<425984x32xf32, #tpu.memory_space<hbm>> -> memref<512x32xf32, #tpu.memory_space<hbm>>
    %dma_start3A_1122 = arith.constant 0 : i32
    %dma_start3A_1123 = arith.constant 0 : i32
    %dma_start3A_1124 = tpu.memref_slice %arg8[%dma_start3A_1113, %dma_start3A_1122, %dma_start3A_1123] : memref<6x512x32xf32, #tpu.memory_space<vmem>> -> memref<1x512x32xf32, #tpu.memory_space<vmem>>
    %dma_start3A_1125 = tpu.memref_squeeze %dma_start3A_1124 : memref<1x512x32xf32, #tpu.memory_space<vmem>> -> memref<512x32xf32, #tpu.memory_space<vmem>>
    tpu.enqueue_dma source(%dma_start3A_1125 : memref<512x32xf32, #tpu.memory_space<vmem>>) target(%dma_start3A_1121 : memref<512x32xf32, #tpu.memory_space<hbm>>) target_semaphore(%arg20 : memref<!tpu.dma_semaphore, #tpu.memory_space<semaphore_mem>>)
    %dma_wait3A_1126 = arith.constant 0 : i32
    %dma_wait3A_1127 = arith.constant 0 : i32
    %dma_wait3A_1128 = arith.constant 0 : i32
    %dma_wait3A_1129 = tpu.memref_slice %arg8[%dma_wait3A_1126, %dma_wait3A_1127, %dma_wait3A_1128] : memref<6x512x32xf32, #tpu.memory_space<vmem>> -> memref<1x512x32xf32, #tpu.memory_space<vmem>>
    %dma_wait3A_1130 = tpu.memref_squeeze %dma_wait3A_1129 : memref<1x512x32xf32, #tpu.memory_space<vmem>> -> memref<512x32xf32, #tpu.memory_space<vmem>>
    %dma_wait3A_1131 = arith.constant 12288 : i32
    %dma_wait3A_1132 = tpu.memref_slice %arg6[%dma_wait3A_1131] : memref<13312xi32, #tpu.memory_space<vmem>> -> memref<512xi32, #tpu.memory_space<vmem>>
    %dma_wait3A_1133 = arith.constant 0 : i32
    %dma_wait3A_1134 = arith.constant 0 : i32
    %dma_wait3A_1135 = tpu.memref_slice %arg4[%dma_wait3A_1133, %dma_wait3A_1134] : memref<2600000x32xf32, #tpu.memory_space<hbm>> -> memref<2600000x32xf32, #tpu.memory_space<hbm>>
    tpu.wait_indirect_dma semaphore(%arg9 : memref<!tpu.dma_semaphore, #tpu.memory_space<semaphore_mem>>) src(%dma_wait3A_1135 : memref<2600000x32xf32, #tpu.memory_space<hbm>>) dst(%dma_wait3A_1130 : memref<512x32xf32, #tpu.memory_space<vmem>>)
    %add3A_1136 = arith.constant 12288 : i32
    %add3A_1137 = arith.addi %multiple_of3A, %add3A_1136 : i32
    %dma_start3A_1138 = arith.constant 0 : i32
    %dma_start3A_1139 = arith.constant 0 : i32
    %dma_start3A_1140 = arith.constant 0 : i32
    %dma_start3A_1141 = tpu.memref_slice %arg8[%dma_start3A_1138, %dma_start3A_1139, %dma_start3A_1140] : memref<6x512x32xf32, #tpu.memory_space<vmem>> -> memref<1x512x32xf32, #tpu.memory_space<vmem>>
    %dma_start3A_1142 = tpu.memref_squeeze %dma_start3A_1141 : memref<1x512x32xf32, #tpu.memory_space<vmem>> -> memref<512x32xf32, #tpu.memory_space<vmem>>
    %dma_start3A_1143 = arith.constant 0 : i32
    %dma_start3A_1144 = tpu.memref_slice %arg5[%add3A_1137, %dma_start3A_1143] : memref<425984x32xf32, #tpu.memory_space<hbm>> -> memref<512x32xf32, #tpu.memory_space<hbm>>
    %dma_start3A_1145 = arith.constant 0 : i32
    %dma_start3A_1146 = tpu.memref_slice %arg5[%add3A_1137, %dma_start3A_1145] : memref<425984x32xf32, #tpu.memory_space<hbm>> -> memref<512x32xf32, #tpu.memory_space<hbm>>
    %dma_start3A_1147 = arith.constant 0 : i32
    %dma_start3A_1148 = arith.constant 0 : i32
    %dma_start3A_1149 = tpu.memref_slice %arg8[%dma_start3A_1138, %dma_start3A_1147, %dma_start3A_1148] : memref<6x512x32xf32, #tpu.memory_space<vmem>> -> memref<1x512x32xf32, #tpu.memory_space<vmem>>
    %dma_start3A_1150 = tpu.memref_squeeze %dma_start3A_1149 : memref<1x512x32xf32, #tpu.memory_space<vmem>> -> memref<512x32xf32, #tpu.memory_space<vmem>>
    tpu.enqueue_dma source(%dma_start3A_1150 : memref<512x32xf32, #tpu.memory_space<vmem>>) target(%dma_start3A_1146 : memref<512x32xf32, #tpu.memory_space<hbm>>) target_semaphore(%arg15 : memref<!tpu.dma_semaphore, #tpu.memory_space<semaphore_mem>>)
    %dma_wait3A_1151 = arith.constant 1 : i32
    %dma_wait3A_1152 = arith.constant 0 : i32
    %dma_wait3A_1153 = arith.constant 0 : i32
    %dma_wait3A_1154 = tpu.memref_slice %arg8[%dma_wait3A_1151, %dma_wait3A_1152, %dma_wait3A_1153] : memref<6x512x32xf32, #tpu.memory_space<vmem>> -> memref<1x512x32xf32, #tpu.memory_space<vmem>>
    %dma_wait3A_1155 = tpu.memref_squeeze %dma_wait3A_1154 : memref<1x512x32xf32, #tpu.memory_space<vmem>> -> memref<512x32xf32, #tpu.memory_space<vmem>>
    %dma_wait3A_1156 = arith.constant 12800 : i32
    %dma_wait3A_1157 = tpu.memref_slice %arg6[%dma_wait3A_1156] : memref<13312xi32, #tpu.memory_space<vmem>> -> memref<512xi32, #tpu.memory_space<vmem>>
    %dma_wait3A_1158 = arith.constant 0 : i32
    %dma_wait3A_1159 = arith.constant 0 : i32
    %dma_wait3A_1160 = tpu.memref_slice %arg4[%dma_wait3A_1158, %dma_wait3A_1159] : memref<2600000x32xf32, #tpu.memory_space<hbm>> -> memref<2600000x32xf32, #tpu.memory_space<hbm>>
    tpu.wait_indirect_dma semaphore(%arg10 : memref<!tpu.dma_semaphore, #tpu.memory_space<semaphore_mem>>) src(%dma_wait3A_1160 : memref<2600000x32xf32, #tpu.memory_space<hbm>>) dst(%dma_wait3A_1155 : memref<512x32xf32, #tpu.memory_space<vmem>>)
    %add3A_1161 = arith.constant 12800 : i32
    %add3A_1162 = arith.addi %multiple_of3A, %add3A_1161 : i32
    %dma_start3A_1163 = arith.constant 1 : i32
    %dma_start3A_1164 = arith.constant 0 : i32
    %dma_start3A_1165 = arith.constant 0 : i32
    %dma_start3A_1166 = tpu.memref_slice %arg8[%dma_start3A_1163, %dma_start3A_1164, %dma_start3A_1165] : memref<6x512x32xf32, #tpu.memory_space<vmem>> -> memref<1x512x32xf32, #tpu.memory_space<vmem>>
    %dma_start3A_1167 = tpu.memref_squeeze %dma_start3A_1166 : memref<1x512x32xf32, #tpu.memory_space<vmem>> -> memref<512x32xf32, #tpu.memory_space<vmem>>
    %dma_start3A_1168 = arith.constant 0 : i32
    %dma_start3A_1169 = tpu.memref_slice %arg5[%add3A_1162, %dma_start3A_1168] : memref<425984x32xf32, #tpu.memory_space<hbm>> -> memref<512x32xf32, #tpu.memory_space<hbm>>
    %dma_start3A_1170 = arith.constant 0 : i32
    %dma_start3A_1171 = tpu.memref_slice %arg5[%add3A_1162, %dma_start3A_1170] : memref<425984x32xf32, #tpu.memory_space<hbm>> -> memref<512x32xf32, #tpu.memory_space<hbm>>
    %dma_start3A_1172 = arith.constant 0 : i32
    %dma_start3A_1173 = arith.constant 0 : i32
    %dma_start3A_1174 = tpu.memref_slice %arg8[%dma_start3A_1163, %dma_start3A_1172, %dma_start3A_1173] : memref<6x512x32xf32, #tpu.memory_space<vmem>> -> memref<1x512x32xf32, #tpu.memory_space<vmem>>
    %dma_start3A_1175 = tpu.memref_squeeze %dma_start3A_1174 : memref<1x512x32xf32, #tpu.memory_space<vmem>> -> memref<512x32xf32, #tpu.memory_space<vmem>>
    tpu.enqueue_dma source(%dma_start3A_1175 : memref<512x32xf32, #tpu.memory_space<vmem>>) target(%dma_start3A_1171 : memref<512x32xf32, #tpu.memory_space<hbm>>) target_semaphore(%arg16 : memref<!tpu.dma_semaphore, #tpu.memory_space<semaphore_mem>>)
    %dma_wait3A_1176 = arith.constant 2 : i32
    %dma_wait3A_1177 = arith.constant 0 : i32
    %dma_wait3A_1178 = arith.constant 0 : i32
    %dma_wait3A_1179 = tpu.memref_slice %arg8[%dma_wait3A_1176, %dma_wait3A_1177, %dma_wait3A_1178] : memref<6x512x32xf32, #tpu.memory_space<vmem>> -> memref<1x512x32xf32, #tpu.memory_space<vmem>>
    %dma_wait3A_1180 = tpu.memref_squeeze %dma_wait3A_1179 : memref<1x512x32xf32, #tpu.memory_space<vmem>> -> memref<512x32xf32, #tpu.memory_space<vmem>>
    %dma_wait3A_1181 = arith.constant 0 : i32
    %dma_wait3A_1182 = tpu.memref_slice %arg5[%add3A_1014, %dma_wait3A_1181] : memref<425984x32xf32, #tpu.memory_space<hbm>> -> memref<512x32xf32, #tpu.memory_space<hbm>>
    %dma_wait3A_1183 = arith.constant 0 : i32
    %dma_wait3A_1184 = tpu.memref_slice %arg5[%add3A_1014, %dma_wait3A_1183] : memref<425984x32xf32, #tpu.memory_space<hbm>> -> memref<512x32xf32, #tpu.memory_space<hbm>>
    %dma_wait3A_1185 = arith.constant 0 : i32
    %dma_wait3A_1186 = arith.constant 0 : i32
    %dma_wait3A_1187 = tpu.memref_slice %arg8[%dma_wait3A_1176, %dma_wait3A_1185, %dma_wait3A_1186] : memref<6x512x32xf32, #tpu.memory_space<vmem>> -> memref<1x512x32xf32, #tpu.memory_space<vmem>>
    %dma_wait3A_1188 = tpu.memref_squeeze %dma_wait3A_1187 : memref<1x512x32xf32, #tpu.memory_space<vmem>> -> memref<512x32xf32, #tpu.memory_space<vmem>>
    tpu.wait_dma2 semaphore(%arg17 : memref<!tpu.dma_semaphore, #tpu.memory_space<semaphore_mem>>) src(%dma_wait3A_1188 : memref<512x32xf32, #tpu.memory_space<vmem>>) dst(%dma_wait3A_1184 : memref<512x32xf32, #tpu.memory_space<hbm>>)
    %dma_wait3A_1189 = arith.constant 3 : i32
    %dma_wait3A_1190 = arith.constant 0 : i32
    %dma_wait3A_1191 = arith.constant 0 : i32
    %dma_wait3A_1192 = tpu.memref_slice %arg8[%dma_wait3A_1189, %dma_wait3A_1190, %dma_wait3A_1191] : memref<6x512x32xf32, #tpu.memory_space<vmem>> -> memref<1x512x32xf32, #tpu.memory_space<vmem>>
    %dma_wait3A_1193 = tpu.memref_squeeze %dma_wait3A_1192 : memref<1x512x32xf32, #tpu.memory_space<vmem>> -> memref<512x32xf32, #tpu.memory_space<vmem>>
    %dma_wait3A_1194 = arith.constant 0 : i32
    %dma_wait3A_1195 = tpu.memref_slice %arg5[%add3A_1062, %dma_wait3A_1194] : memref<425984x32xf32, #tpu.memory_space<hbm>> -> memref<512x32xf32, #tpu.memory_space<hbm>>
    %dma_wait3A_1196 = arith.constant 0 : i32
    %dma_wait3A_1197 = tpu.memref_slice %arg5[%add3A_1062, %dma_wait3A_1196] : memref<425984x32xf32, #tpu.memory_space<hbm>> -> memref<512x32xf32, #tpu.memory_space<hbm>>
    %dma_wait3A_1198 = arith.constant 0 : i32
    %dma_wait3A_1199 = arith.constant 0 : i32
    %dma_wait3A_1200 = tpu.memref_slice %arg8[%dma_wait3A_1189, %dma_wait3A_1198, %dma_wait3A_1199] : memref<6x512x32xf32, #tpu.memory_space<vmem>> -> memref<1x512x32xf32, #tpu.memory_space<vmem>>
    %dma_wait3A_1201 = tpu.memref_squeeze %dma_wait3A_1200 : memref<1x512x32xf32, #tpu.memory_space<vmem>> -> memref<512x32xf32, #tpu.memory_space<vmem>>
    tpu.wait_dma2 semaphore(%arg18 : memref<!tpu.dma_semaphore, #tpu.memory_space<semaphore_mem>>) src(%dma_wait3A_1201 : memref<512x32xf32, #tpu.memory_space<vmem>>) dst(%dma_wait3A_1197 : memref<512x32xf32, #tpu.memory_space<hbm>>)
    %dma_wait3A_1202 = arith.constant 4 : i32
    %dma_wait3A_1203 = arith.constant 0 : i32
    %dma_wait3A_1204 = arith.constant 0 : i32
    %dma_wait3A_1205 = tpu.memref_slice %arg8[%dma_wait3A_1202, %dma_wait3A_1203, %dma_wait3A_1204] : memref<6x512x32xf32, #tpu.memory_space<vmem>> -> memref<1x512x32xf32, #tpu.memory_space<vmem>>
    %dma_wait3A_1206 = tpu.memref_squeeze %dma_wait3A_1205 : memref<1x512x32xf32, #tpu.memory_space<vmem>> -> memref<512x32xf32, #tpu.memory_space<vmem>>
    %dma_wait3A_1207 = arith.constant 0 : i32
    %dma_wait3A_1208 = tpu.memref_slice %arg5[%add3A_1087, %dma_wait3A_1207] : memref<425984x32xf32, #tpu.memory_space<hbm>> -> memref<512x32xf32, #tpu.memory_space<hbm>>
    %dma_wait3A_1209 = arith.constant 0 : i32
    %dma_wait3A_1210 = tpu.memref_slice %arg5[%add3A_1087, %dma_wait3A_1209] : memref<425984x32xf32, #tpu.memory_space<hbm>> -> memref<512x32xf32, #tpu.memory_space<hbm>>
    %dma_wait3A_1211 = arith.constant 0 : i32
    %dma_wait3A_1212 = arith.constant 0 : i32
    %dma_wait3A_1213 = tpu.memref_slice %arg8[%dma_wait3A_1202, %dma_wait3A_1211, %dma_wait3A_1212] : memref<6x512x32xf32, #tpu.memory_space<vmem>> -> memref<1x512x32xf32, #tpu.memory_space<vmem>>
    %dma_wait3A_1214 = tpu.memref_squeeze %dma_wait3A_1213 : memref<1x512x32xf32, #tpu.memory_space<vmem>> -> memref<512x32xf32, #tpu.memory_space<vmem>>
    tpu.wait_dma2 semaphore(%arg19 : memref<!tpu.dma_semaphore, #tpu.memory_space<semaphore_mem>>) src(%dma_wait3A_1214 : memref<512x32xf32, #tpu.memory_space<vmem>>) dst(%dma_wait3A_1210 : memref<512x32xf32, #tpu.memory_space<hbm>>)
    %dma_wait3A_1215 = arith.constant 5 : i32
    %dma_wait3A_1216 = arith.constant 0 : i32
    %dma_wait3A_1217 = arith.constant 0 : i32
    %dma_wait3A_1218 = tpu.memref_slice %arg8[%dma_wait3A_1215, %dma_wait3A_1216, %dma_wait3A_1217] : memref<6x512x32xf32, #tpu.memory_space<vmem>> -> memref<1x512x32xf32, #tpu.memory_space<vmem>>
    %dma_wait3A_1219 = tpu.memref_squeeze %dma_wait3A_1218 : memref<1x512x32xf32, #tpu.memory_space<vmem>> -> memref<512x32xf32, #tpu.memory_space<vmem>>
    %dma_wait3A_1220 = arith.constant 0 : i32
    %dma_wait3A_1221 = tpu.memref_slice %arg5[%add3A_1112, %dma_wait3A_1220] : memref<425984x32xf32, #tpu.memory_space<hbm>> -> memref<512x32xf32, #tpu.memory_space<hbm>>
    %dma_wait3A_1222 = arith.constant 0 : i32
    %dma_wait3A_1223 = tpu.memref_slice %arg5[%add3A_1112, %dma_wait3A_1222] : memref<425984x32xf32, #tpu.memory_space<hbm>> -> memref<512x32xf32, #tpu.memory_space<hbm>>
    %dma_wait3A_1224 = arith.constant 0 : i32
    %dma_wait3A_1225 = arith.constant 0 : i32
    %dma_wait3A_1226 = tpu.memref_slice %arg8[%dma_wait3A_1215, %dma_wait3A_1224, %dma_wait3A_1225] : memref<6x512x32xf32, #tpu.memory_space<vmem>> -> memref<1x512x32xf32, #tpu.memory_space<vmem>>
    %dma_wait3A_1227 = tpu.memref_squeeze %dma_wait3A_1226 : memref<1x512x32xf32, #tpu.memory_space<vmem>> -> memref<512x32xf32, #tpu.memory_space<vmem>>
    tpu.wait_dma2 semaphore(%arg20 : memref<!tpu.dma_semaphore, #tpu.memory_space<semaphore_mem>>) src(%dma_wait3A_1227 : memref<512x32xf32, #tpu.memory_space<vmem>>) dst(%dma_wait3A_1223 : memref<512x32xf32, #tpu.memory_space<hbm>>)
    %dma_wait3A_1228 = arith.constant 0 : i32
    %dma_wait3A_1229 = arith.constant 0 : i32
    %dma_wait3A_1230 = arith.constant 0 : i32
    %dma_wait3A_1231 = tpu.memref_slice %arg8[%dma_wait3A_1228, %dma_wait3A_1229, %dma_wait3A_1230] : memref<6x512x32xf32, #tpu.memory_space<vmem>> -> memref<1x512x32xf32, #tpu.memory_space<vmem>>
    %dma_wait3A_1232 = tpu.memref_squeeze %dma_wait3A_1231 : memref<1x512x32xf32, #tpu.memory_space<vmem>> -> memref<512x32xf32, #tpu.memory_space<vmem>>
    %dma_wait3A_1233 = arith.constant 0 : i32
    %dma_wait3A_1234 = tpu.memref_slice %arg5[%add3A_1137, %dma_wait3A_1233] : memref<425984x32xf32, #tpu.memory_space<hbm>> -> memref<512x32xf32, #tpu.memory_space<hbm>>
    %dma_wait3A_1235 = arith.constant 0 : i32
    %dma_wait3A_1236 = tpu.memref_slice %arg5[%add3A_1137, %dma_wait3A_1235] : memref<425984x32xf32, #tpu.memory_space<hbm>> -> memref<512x32xf32, #tpu.memory_space<hbm>>
    %dma_wait3A_1237 = arith.constant 0 : i32
    %dma_wait3A_1238 = arith.constant 0 : i32
    %dma_wait3A_1239 = tpu.memref_slice %arg8[%dma_wait3A_1228, %dma_wait3A_1237, %dma_wait3A_1238] : memref<6x512x32xf32, #tpu.memory_space<vmem>> -> memref<1x512x32xf32, #tpu.memory_space<vmem>>
    %dma_wait3A_1240 = tpu.memref_squeeze %dma_wait3A_1239 : memref<1x512x32xf32, #tpu.memory_space<vmem>> -> memref<512x32xf32, #tpu.memory_space<vmem>>
    tpu.wait_dma2 semaphore(%arg15 : memref<!tpu.dma_semaphore, #tpu.memory_space<semaphore_mem>>) src(%dma_wait3A_1240 : memref<512x32xf32, #tpu.memory_space<vmem>>) dst(%dma_wait3A_1236 : memref<512x32xf32, #tpu.memory_space<hbm>>)
    %dma_wait3A_1241 = arith.constant 1 : i32
    %dma_wait3A_1242 = arith.constant 0 : i32
    %dma_wait3A_1243 = arith.constant 0 : i32
    %dma_wait3A_1244 = tpu.memref_slice %arg8[%dma_wait3A_1241, %dma_wait3A_1242, %dma_wait3A_1243] : memref<6x512x32xf32, #tpu.memory_space<vmem>> -> memref<1x512x32xf32, #tpu.memory_space<vmem>>
    %dma_wait3A_1245 = tpu.memref_squeeze %dma_wait3A_1244 : memref<1x512x32xf32, #tpu.memory_space<vmem>> -> memref<512x32xf32, #tpu.memory_space<vmem>>
    %dma_wait3A_1246 = arith.constant 0 : i32
    %dma_wait3A_1247 = tpu.memref_slice %arg5[%add3A_1162, %dma_wait3A_1246] : memref<425984x32xf32, #tpu.memory_space<hbm>> -> memref<512x32xf32, #tpu.memory_space<hbm>>
    %dma_wait3A_1248 = arith.constant 0 : i32
    %dma_wait3A_1249 = tpu.memref_slice %arg5[%add3A_1162, %dma_wait3A_1248] : memref<425984x32xf32, #tpu.memory_space<hbm>> -> memref<512x32xf32, #tpu.memory_space<hbm>>
    %dma_wait3A_1250 = arith.constant 0 : i32
    %dma_wait3A_1251 = arith.constant 0 : i32
    %dma_wait3A_1252 = tpu.memref_slice %arg8[%dma_wait3A_1241, %dma_wait3A_1250, %dma_wait3A_1251] : memref<6x512x32xf32, #tpu.memory_space<vmem>> -> memref<1x512x32xf32, #tpu.memory_space<vmem>>
    %dma_wait3A_1253 = tpu.memref_squeeze %dma_wait3A_1252 : memref<1x512x32xf32, #tpu.memory_space<vmem>> -> memref<512x32xf32, #tpu.memory_space<vmem>>
    tpu.wait_dma2 semaphore(%arg16 : memref<!tpu.dma_semaphore, #tpu.memory_space<semaphore_mem>>) src(%dma_wait3A_1253 : memref<512x32xf32, #tpu.memory_space<vmem>>) dst(%dma_wait3A_1249 : memref<512x32xf32, #tpu.memory_space<hbm>>)
    return
  }
}

</mosaic_0001>

<sc_bundles>
// kernel: kernel.3.cloned.1.call-start
scs
__scs_entry_jumppad:
0x0: {  	(pc) =	sbr.rel $0x88, $3  }
0x1: {  	(tag) =	ssettag $0x0;
	lr =	simm.s32 $0x1  }
0x2: {  	[smem:$0x3F9F] =	sst lr;
	_ =	strace $0xD0000000  }
0x3: {  	_ = 	snop  }
0x4: {  	_ = 	snop  }
0x5: {  	_ = 	snop  }
0x6: {  	_ = 	snop  }
0x7: {  	_ = 	snop  }
__scs_overlays_trampoline_lowered:
0x8: {  	[smem:$0x3FAE] =	sst s0  }
0x9: {  	[smem:$0x3FAF] =	sst s1  }
0xa: {  	[smem:$0x3FB0] =	sst s2  }
0xb: {  	[smem:$0x3FB1] =	sst s3  }
0xc: {  	[smem:$0x3FB2] =	sst s4  }
0xd: {  	[smem:$0x3FB3] =	sst s5  }
0xe: {  	[smem:$0x3FB4] =	sst s6  }
0xf: {  	[smem:$0x3FB5] =	sst s7  }
0x10: {  	[smem:$0x3FB6] =	sst s8  }
0x11: {  	[smem:$0x3FB7] =	sst s9;
	s0 =	simm.s32 @!p0 $0x0  }
0x12: {  	s1 =	sld [smem:$0x3F9D];
	s0 =	simm.s32 @p0 $0x1  }
0x13: {  	[smem:$0x3FB8] =	sst s0;
	s0 =	simm.s32 @!p1 $0x0  }
0x14: {  	s2 =	sld [smem:$0x3F9C];
	s0 =	simm.s32 @p1 $0x1  }
0x15: {  	[smem:$0x3FB9] =	sst s0;
	s0 =	simm.s32 @!p2 $0x0  }
0x16: {  	s3 =	sld [smem:$0x3FDB];
	s0 =	simm.s32 @p2 $0x1  }
0x17: {  	s4 =	simm.s32 $0x1BF5;
	[smem:$0x3FBB] =	sst s0  }
0x18: {  	s0 =	sld [smem:$0x3F9E];
	_ =	swait.ge [sflag:s4], $0x0  }
0x19: {  	s7 =	sld [smem:$0x3F9F]  }
0x1a: {  	s8 =	sadd.s32 $0xFFFFE003, lr  }
0x1b: {  	s9 =	sadd.s32 $0xFFFFFEF7, lr;
	s5 =	simm.s32 $0xFFFFFFFF;
	p2 =	slt.u32 s8, $0xFFFFF086  }
0x1c: {  	p1 =	slt.u32 s9, $0xF7A;
	s5 =	simm.s32 @!p2 $0x0  }
0x1d: {  	s5 =	simm.s32 @p1 $0x1;
	p0 =	seq.s32 s7, s2  }
0x1e: {  	s7 =	smul.u32 @!p0 $0xF7A, s2;
	p2 =	seq.s32 @!p0 s5, $0x0  }
0x1f: {  	s9 =	smul.u32 $0xF7A, s1;
	s8 =	simm.s32 @!p0 $0x1BF5;
	p2 =	por !p2, p0  }
0x20: {  	[sflag:s8] =	ssyncset.s32 @!p0 $0xFFFFF086;
	s6 =	sadd.s32 @!p0 s3, s7;
	s7 =	simm.s32 @!p0 $0x108  }
0x21: {  	s3 =	sadd.s32 s3, s9;
	s6 =	sadd.s32 @!p0 $0x88, s6;
	s7 =	simm.s32 @p2 $0x1082  }
0x22: {  	[simem:s7], [sflag:s8] =	dma.local @!p0 [hbm:s6], $0xF7A  }
0x23: {  	s9 =	sor.u32 $0xD0000000, s2;
	s6 =	simm.s32 $0x108;
	_ =	swait.ge @!p0 [sflag:s8], $0x0  }
0x24: {  	s3 =	sadd.s32 $0x88, s3;
	s6 =	simm.s32 @!p1 $0x1082;
	[sflag:s4] =	ssyncset.s32 $0xFFFFF086  }
0x25: {  	[simem:s6], [sflag:s4] =	dma.local [hbm:s3], $0xF7A  }
0x26: {  	[smem:$0x3F9F] =	sst s1;
	(tag) =	ssettag s2;
	_ =	strace s9  }
0x27: {  	s1 =	sld [smem:$0x3FAF]  }
0x28: {  	s2 =	sld [smem:$0x3FB0]  }
0x29: {  	s4 =	sld [smem:$0x3FB2]  }
0x2a: {  	p0 =	seq.s32 s5, $0x0;
	s5 =	sld [smem:$0x3FB3]  }
0x2b: {  	s6 =	sld [smem:$0x3FB4]  }
0x2c: {  	s7 =	sld [smem:$0x3FB5]  }
0x2d: {  	s3 =	simm.s32 $0x108;
	s8 =	sld [smem:$0x3FB6]  }
0x2e: {  	s3 =	simm.s32 @!p0 $0x1082;
	s9 =	sld [smem:$0x3FB7]  }
0x2f: {  	lr =	sadd.s32 s0, s3;
	s0 =	sld [smem:$0x3FAE]  }
0x30: {  	s3 =	sld [smem:$0x3FB1]  }
0x31: {  	[smem:$0x3FBA] =	sst s10  }
0x32: {  	s10 =	sld [smem:$0x3FB8];
	_ =	sdelay $0x3  }
0x33: {  	p0 =	seq.s32 s10, $0x1;
	s10 =	sld [smem:$0x3FBA];
	_ =	sdelay $0x3  }
0x34: {  	[smem:$0x3FBA] =	sst s10  }
0x35: {  	s10 =	sld [smem:$0x3FB9];
	_ =	sdelay $0x3  }
0x36: {  	p1 =	seq.s32 s10, $0x1;
	s10 =	sld [smem:$0x3FBA];
	_ =	sdelay $0x3  }
0x37: {  	[smem:$0x3FBA] =	sst s10  }
0x38: {  	s10 =	sld [smem:$0x3FBB]  }
0x39: {  	_ = 	snop;
	(pc) =	sbr.ind lr, $3  }
0x3a: {  	_ = 	snop  }
0x3b: {  	_ = 	snop  }
0x3c: {  	p2 =	seq.s32 s10, $0x1;
	s10 =	sld [smem:$0x3FBA]  }
0x3d: {  	_ =	shalt  }
0x3e: {  	_ =	shalt  }
0x3f: {  	_ =	shalt  }
0x40: {  	_ =	shalt  }
0x41: {  	_ =	shalt  }
0x42: {  	_ =	shalt  }
0x43: {  	_ =	shalt  }
0x44: {  	_ =	shalt  }
0x45: {  	_ =	shalt  }
0x46: {  	_ =	shalt  }
0x47: {  	_ =	shalt  }
0x48: {  	_ =	shalt  }
0x49: {  	_ =	shalt  }
0x4a: {  	_ =	shalt  }
0x4b: {  	_ =	shalt  }
0x4c: {  	_ =	shalt  }
0x4d: {  	_ =	shalt  }
0x4e: {  	_ =	shalt  }
0x4f: {  	_ =	shalt  }
0x50: {  	_ =	shalt  }
0x51: {  	_ =	shalt  }
0x52: {  	_ =	shalt  }
0x53: {  	_ =	shalt  }
0x54: {  	_ =	shalt  }
0x55: {  	_ =	shalt  }
0x56: {  	_ =	shalt  }
0x57: {  	_ =	shalt  }
0x58: {  	_ =	shalt  }
0x59: {  	_ =	shalt  }
0x5a: {  	_ =	shalt  }
0x5b: {  	_ =	shalt  }
0x5c: {  	_ =	shalt  }
0x5d: {  	_ =	shalt  }
0x5e: {  	_ =	shalt  }
0x5f: {  	_ =	shalt  }
0x60: {  	_ =	shalt  }
0x61: {  	_ =	shalt  }
0x62: {  	_ =	shalt  }
0x63: {  	_ =	shalt  }
0x64: {  	_ =	shalt  }
0x65: {  	_ =	shalt  }
0x66: {  	_ =	shalt  }
0x67: {  	_ =	shalt  }
0x68: {  	_ =	shalt  }
0x69: {  	_ =	shalt  }
0x6a: {  	_ =	shalt  }
0x6b: {  	_ =	shalt  }
0x6c: {  	_ =	shalt  }
0x6d: {  	_ =	shalt  }
0x6e: {  	_ =	shalt  }
0x6f: {  	_ =	shalt  }
0x70: {  	_ =	shalt  }
0x71: {  	_ =	shalt  }
0x72: {  	_ =	shalt  }
0x73: {  	_ =	shalt  }
0x74: {  	_ =	shalt  }
0x75: {  	_ =	shalt  }
0x76: {  	_ =	shalt  }
0x77: {  	_ =	shalt  }
0x78: {  	_ =	shalt  }
0x79: {  	_ =	shalt  }
0x7a: {  	_ =	shalt  }
0x7b: {  	_ =	shalt  }
0x7c: {  	_ =	shalt  }
0x7d: {  	_ =	shalt  }
0x7e: {  	_ =	shalt  }
0x7f: {  	_ =	shalt  }
0x80: {  	_ =	shalt  }
0x81: {  	_ =	shalt  }
0x82: {  	_ =	shalt  }
0x83: {  	_ =	shalt  }
0x84: {  	_ =	shalt  }
0x85: {  	_ =	shalt  }
0x86: {  	_ =	shalt  }
0x87: {  	_ =	shalt  }
.Lfunc_end0:
.L_simem_size_0:
called_computation.1_lowered:
.L_overlay_start_0:
0x88: {  	s2 =	sld [smem:$0x3FD9]  }
0x89: {  	s3 =	sld [smem:$0x3FFE];
	_ =	sdelay $0x1  }
0x8a: {  	s1 =	srdreg.scid  }
0x8b: {  	s0 =	sand.u32 $0x1, s1  }
0x8c: {  	s17 =	sshll.u32 s0, $0xA;
	s2 =	sadd.s32 s3, s2  }
0x8d: {  	s2 =	sadd.s32 s2, s17  }
0x8e: {  	[smem:$0x3FC6] =	sst s2  }
0x8f: {  	_ = 	snop  }
0x90: {  	s2 =	sld [smem:$0x3FD0];
	(tm) =	ssettm $0x1  }
0x91: {  	s18 =	sld [smem:$0x3FFB];
	_ =	sdelay $0x3  }
0x92: {  	_ =	strace s18  }
0x93: {  	s3 =	sld [smem:$0x3FFC];
	_ =	sdelay $0x3  }
0x94: {  	_ =	strace s3  }
0x95: {  	s3 =	sld [smem:$0x3FFD];
	_ =	sdelay $0x3  }
0x96: {  	_ =	strace s3  }
0x97: {  	_ =	strace $0x8FFFFFFF  }
0x98: {  	s19 =	sld [smem:$0x3FDB];
	_ =	sdelay $0x1  }
0x99: {  	s4 =	simm.s32 $_scs_section_size  }
0x9a: {  	s5 =	simm.s32 $_size__tile_overlayer_lowered;
	s6 =	simm.s32 $_tile_overlayer_lowered  }
0x9b: {  	s22 =	simm.s32 $0x1BFF;
	s21 =	sshll.u32 s6, $0x1;
	s3 =	sadd.s32 s4, s19  }
0x9c: {  	s7 =	simm.s32 $0x0;
	s20 =	sshll.u32 s5, $0x1;
	s5 =	sadd.s32 s21, s3  }
0x9d: {  	[timem:s7], [sflag:s22] =	dma.local [hbm:s5], s20  }
0x9e: {  	_ =	swait.ge [sflag:s22], s20  }
0x9f: {  	s4 =	ssub.s32 $0x0, s20;
	[sflag:s22] =	ssyncset.done $0x0  }
0xa0: {  	[sflag:s22] =	ssyncadd.s32 s4;
	_ =	sdelay $0x1  }
0xa1: {  	s23 =	simm.s32 $0x1B8B  }
0xa2: {  	_ =	swait.ge [sflag:s23], $0x1  }
0xa3: {  	[sflag:s23] =	ssyncset.done $0x0  }
0xa4: {  	s25 =	simm.s32 $0x1B8E;
	s24 =	sld [smem:$0x3FFE];
	[sflag:s23] =	ssyncadd.s32 $0xFFFFFFFF  }
0xa5: {  	s26 =	simm.s32 $execute0_lowered;
	[smem:$0x3FD2] =	sst s25  }
0xa6: {  	s5 =	sshll.u32 s26, $0x1;
	_ =	strace $0x80000046;
	[dreg:$0x1] =	wrdreg $0xFFFFFFFF  }
0xa7: {  	s28 =	simm.s32 $_size_execute0_lowered;
	s3 =	sadd.s32 s3, s5;
	[dreg:$0x0] =	wrdreg $0x0  }
0xa8: {  	s5 =	sshll.u32 s28, $0x1;
	[dreg:$0x2] =	wrdreg s3  }
0xa9: {  	[dreg:$0x3] =	wrdreg s5  }
0xaa: {  	[dreg:$0x4] =	wrdreg $0xC0  }
0xab: {  	_ =	task [dreg:s7], $0x5FFFF  }
0xac: {  	[dreg:$0x1] =	wrdreg $0xFFFFFFFF  }
0xad: {  	[dreg:$0x0] =	wrdreg $0x60  }
0xae: {  	[dreg:$0x2] =	wrdreg s24  }
0xaf: {  	[dreg:$0x3] =	wrdreg s2  }
0xb0: {  	[dreg:$0x4] =	wrdreg $0x9  }
0xb1: {  	_ =	task.clear_ibuf [dreg:s7], $0x5FFFF;
	_ =	strace $0x90000046  }
0xb2: {  	s29 =	simm.s32 $0x9;
	_ =	strace $0x80000048  }
0xb3: {  	_ =	swait.ge [sflag:s29], $0x1  }
0xb4: {  	[sflag:s29] =	ssyncadd.s32 $0xFFFFFFFF  }
0xb5: {  	_ =	strace $0x90000048  }
0xb6: {  	_ =	sfence  }
0xb7: {  	s30 =	sld [smem:$0x0];
	_ =	sdelay $0x2  }
0xb8: {  	s31 =	sshll.u32 s1, $0xD;
	s1 =	sshrl.u32 s1, $0x2  }
0xb9: {  	s3 =	sand.u32 $0x4000, s31;
	s1 =	sadd.s32 s1, s30  }
0xba: {  	s0 =	sor.u32 s3, s0;
	s1 =	sshll.u32 s1, $0x11  }
0xbb: {  	s0 =	sor.u32 s1, s0  }
0xbc: {  	s0 =	sadd.s32 $0x8F2B, s0  }
0xbd: {  	[sflag:s0] =	ssyncadd.remote.s32 $0x1  }
0xbe: {  	_ =	sfence.sel $0xFFFF  }
0xbf: {  	[dreg:$0x0] =	wrdreg $0xFFFFFFFF;
	(pc) =	sbr.abs _section_cstart, $3  }
0xc0: {  	[dreg:$0x1] =	wrdreg $0xFFFFFFFF  }
0xc1: {  	_ =	task.clear_ibuf [dreg:s7], $0x2FFFF;
	_ =	strace $0x9FFFFFFF  }
0xc2: {  	(tm) =	ssettm $0x7FFFFFFF  }
0xc3: {  	_ =	shalt  }
tec
execute0_lowered:
.L_overlay_start_1:
0x0: {  	(tag) =	ssettag $0x1  }
0x1: {  	s1 =	srdreg.scid;
	s2 =	stileid.u32  }
0x2: {  	s0 =	rddreg [dreg:$0x0];
	s1 =	sand.u32 $0x1, s1;
	s4 =	sshll.u32 s2, $0x1  }
0x3: {  	s3 =	rddreg [dreg:$0x1];
	s2 =	simm.s32 $0x0;
	s4 =	sor.u32 s1, s4  }
0x4: {  	s7 =	sadd.s32 $0xDC00, s0;
	[smem:$0x7FF] =	sst s2;
	s5 =	smul.u32 $0x680, s4  }
0x5: {  	s1 =	ssub.s32 $0x2, s1;
	_ =	strace $0x80000047;
	s6 =	smul.u32 $0x68000, s4  }
0x6: {  	[dreg:$0x3] =	wrdreg s7;
	s26 =	sshrl.u32 s1, $0x1;
	s8 =	smul.u32 $0xD000, s4  }
0x7: {  	s4 =	sadd.s32 $0x27AD000, s0;
	s5 =	sadd.s32 s5, s0;
	s28 =	sshrl.u32 s6, $0x3  }
0x8: {  	s0 =	ssub.s32 s1, s26;
	s5 =	sadd.s32 $0xC00, s5;
	s1 =	sadd.s32 s3, s28  }
0x9: {  	s6 =	sadd.s32 s3, s8;
	[dreg:$0x4] =	wrdreg s5;
	s3 =	sadd.s32 $0x1000, s1  }
0xa: {  	s7 =	sadd.s32 $0x1800, s1;
	[dreg:$0x5] =	wrdreg s3  }
0xb: {  	s8 =	sadd.s32 $0x2000, s1;
	[dreg:$0x6] =	wrdreg s7  }
0xc: {  	s9 =	sadd.s32 $0x2800, s1;
	[dreg:$0x7] =	wrdreg s8  }
0xd: {  	s10 =	sadd.s32 $0x3000, s1;
	[dreg:$0x8] =	wrdreg s9  }
0xe: {  	s11 =	sadd.s32 $0x3800, s1;
	[dreg:$0x9] =	wrdreg s10  }
0xf: {  	s12 =	sadd.s32 $0x4000, s1;
	[dreg:$0xa] =	wrdreg s11  }
0x10: {  	s13 =	sadd.s32 $0x4800, s1;
	[dreg:$0xb] =	wrdreg s12  }
0x11: {  	s14 =	sadd.s32 $0x5000, s1;
	[dreg:$0xc] =	wrdreg s13  }
0x12: {  	s15 =	sadd.s32 $0x5800, s1;
	[dreg:$0xd] =	wrdreg s14  }
0x13: {  	s16 =	sadd.s32 $0x6000, s1;
	[dreg:$0xe] =	wrdreg s15  }
0x14: {  	s17 =	sadd.s32 $0x6800, s1;
	[dreg:$0xf] =	wrdreg s16  }
0x15: {  	s18 =	sadd.s32 $0x7000, s1;
	[dreg:$0x10] =	wrdreg s17  }
0x16: {  	s19 =	sadd.s32 $0x7800, s1;
	[dreg:$0x11] =	wrdreg s18  }
0x17: {  	s20 =	sadd.s32 $0x8000, s1;
	[dreg:$0x12] =	wrdreg s19  }
0x18: {  	s21 =	sadd.s32 $0x8800, s1;
	[dreg:$0x13] =	wrdreg s20  }
0x19: {  	s29 =	smov.u32 s6;
	s22 =	sadd.s32 $0x9000, s1;
	[dreg:$0x14] =	wrdreg s21  }
0x1a: {  	s23 =	sadd.s32 $0x9800, s1;
	s24 =	sadd.s32 $0xA000, s1;
	[dreg:$0x15] =	wrdreg s22  }
0x1b: {  	s25 =	sadd.s32 $0xA800, s1;
	s26 =	sadd.s32 $0xB000, s1;
	[dreg:$0x16] =	wrdreg s23  }
0x1c: {  	s28 =	sadd.s32 $0xB800, s1;
	s30 =	sadd.s32 $0xC000, s1;
	[dreg:$0x17] =	wrdreg s24  }
0x1d: {  	s31 =	sadd.s32 $0xC800, s1;
	s1 =	smax.u32 s0, $0x1;
	[dreg:$0x18] =	wrdreg s25  }
0x1e: {  	s0 =	sadd.s32 $0x800, s6;
	s5 =	simm.s32 $0x200;
	[dreg:$0x19] =	wrdreg s26  }
0x1f: {  	s6 =	simm.s32 $0x3;
	[dreg:$0x1a] =	wrdreg s28;
	s3 =	simm.s32 $0xD  }
0x20: {  	s7 =	simm.s32 $0x6800;
	s8 =	simm.s32 $0xA800;
	s9 =	simm.s32 $0xE800  }
0x21: {  	s10 =	simm.s32 $0x12800;
	s11 =	simm.s32 $0x16800;
	s12 =	simm.s32 $0x1  }
0x22: {  	s13 =	simm.s32 $0x1A800;
	s14 =	simm.s32 $0x2;
	s15 =	simm.s32 $0x7  }
0x23: {  	s16 =	simm.s32 $0x8;
	s17 =	simm.s32 $0x4;
	s18 =	simm.s32 $0x9  }
0x24: {  	s19 =	simm.s32 $0x5;
	s20 =	simm.s32 $0xA;
	s21 =	simm.s32 $0x6  }
0x25: {  	s22 =	simm.s32 $0xB;
	s23 =	simm.s32 $0xC;
	s24 =	simm.s32 $0x0  }
.LBB2_1:
0x26: {  	s25 =	rddreg [dreg:$0x4]  }
0x27: {  	[tilespmem:s2], [sflag:$0xD] =	stream.linear.gather [hbm4b:s25+s2], $0x3400, $0x38;
	[tilespmem:$0x1E800] =	vst v63  }
0x28: {  	_ =	swait.ge [sflag:s3], $0x3400  }
0x29: {  	[sflag:s3] =	ssyncset.done $0x0  }
0x2a: {  	s26 =	simm.s32 $0x3400;
	s28 =	rddreg [dreg:$0x3];
	[sflag:s3] =	ssyncadd.s32 $0xFFFFCC00  }
0x2b: {  	[tilespmem:s26], [sflag:$0xD] =	stream.linear.gather [hbm4b:s28+s2], $0x3400, $0x38;
	[tilespmem:$0x1E800] =	vst v63  }
0x2c: {  	_ =	swait.ge [sflag:s3], $0x3400  }
0x2d: {  	[sflag:s3] =	ssyncset.done $0x0  }
0x2e: {  	s25 =	simm.s32 $0x0;
	[sflag:s3] =	ssyncadd.s32 $0xFFFFCC00  }
0x2f: {  	s26 =	simm.s32 $0x40;
	v0 =	vld [tilespmem:s25+$0x3400]  }
.LBB2_2:
0x30: {  	p0 =	sne.s32 s26, $0xCFC0;
	v1 =	vld [tilespmem:s25+$0x0];
	_ =	sdelay $0x1  }
.Ltmp0:
0x31: {  	(pc) =	sbr.rel @p0 .LBB2_2-.Ltmp0, $3  }
0x32: {  	_ =	sdelay $0x1  }
0x33: {  	s28 =	sshra.s32 s26, $0x2;
	v1 =	vadd.s32 v1, v0  }
0x34: {  	s26 =	sadd.s32 $0x40, s26;
	v0 =	vld [tilespmem:s28+$0x3400];
	[tilespmem:s25+$0x0] =	vst v1;
	s25 =	smov.u32 s28  }
0x35: {  	v1 =	vld [tilespmem:s25+$0x0];
	_ =	sdelay $0x4  }
0x36: {  	v0 =	vadd.s32 v1, v0  }
0x37: {  	[tilespmem:s25+$0x0] =	vst v0  }
0x38: {  	[tilespmem:s7], [sflag:$0x1] =	stream.indirect.gather [hbm4b:s4+s5], $0x20, s2, s5, $0xb8;
	[tilespmem:$0x1E800] =	vst v63  }
0x39: {  	_ = 	snop  }
0x3a: {  	[tilespmem:s8], [sflag:$0x2] =	stream.indirect.gather [hbm4b:s4+s5], $0x20, s5, s5, $0xb8;
	[tilespmem:$0x1E800] =	vst v63  }
0x3b: {  	s26 =	simm.s32 $0x400  }
0x3c: {  	[tilespmem:s9], [sflag:$0x3] =	stream.indirect.gather [hbm4b:s4+s5], $0x20, s26, s5, $0xb8;
	[tilespmem:$0x1E800] =	vst v63  }
0x3d: {  	s28 =	simm.s32 $0x600  }
0x3e: {  	[tilespmem:s10], [sflag:$0x4] =	stream.indirect.gather [hbm4b:s4+s5], $0x20, s28, s5, $0xb8;
	[tilespmem:$0x1E800] =	vst v63  }
0x3f: {  	s26 =	simm.s32 $0x800  }
0x40: {  	[tilespmem:s11], [sflag:$0x5] =	stream.indirect.gather [hbm4b:s4+s5], $0x20, s26, s5, $0xb8;
	[tilespmem:$0x1E800] =	vst v63  }
0x41: {  	_ =	swait.ge [sflag:s12], $0x4000  }
0x42: {  	[sflag:s12] =	ssyncset.done $0x0  }
0x43: {  	[sflag:s12] =	ssyncadd.s32 $0xFFFFC000  }
0x44: {  	[hbm4b:s29+s2] =	stream.linear.scatter [tilespmem:s7], [sflag:$0x7], $0x4000, $0x38;
	[tilespmem:$0x1E800] =	vst v63  }
0x45: {  	s28 =	simm.s32 $0xA00  }
0x46: {  	[tilespmem:s13], [sflag:$0x6] =	stream.indirect.gather [hbm4b:s4+s5], $0x20, s28, s5, $0xb8;
	[tilespmem:$0x1E800] =	vst v63  }
0x47: {  	_ =	swait.ge [sflag:s14], $0x4000  }
0x48: {  	[sflag:s14] =	ssyncset.done $0x0  }
0x49: {  	[sflag:s14] =	ssyncadd.s32 $0xFFFFC000  }
0x4a: {  	[hbm4b:s0+s2] =	stream.linear.scatter [tilespmem:s8], [sflag:$0x8], $0x4000, $0x38;
	[tilespmem:$0x1E800] =	vst v63  }
0x4b: {  	_ =	swait.ge [sflag:s15], $0x4000  }
0x4c: {  	[sflag:s15] =	ssyncset.done $0x0  }
0x4d: {  	s26 =	simm.s32 $0xC00;
	[sflag:s15] =	ssyncadd.s32 $0xFFFFC000  }
0x4e: {  	[tilespmem:s7], [sflag:$0x1] =	stream.indirect.gather [hbm4b:s4+s5], $0x20, s26, s5, $0xb8;
	[tilespmem:$0x1E800] =	vst v63  }
0x4f: {  	_ =	swait.ge [sflag:s6], $0x4000  }
0x50: {  	[sflag:s6] =	ssyncset.done $0x0  }
0x51: {  	s28 =	rddreg [dreg:$0x5];
	[sflag:s6] =	ssyncadd.s32 $0xFFFFC000  }
0x52: {  	[hbm4b:s28+s2] =	stream.linear.scatter [tilespmem:s9], [sflag:$0x9], $0x4000, $0x38;
	[tilespmem:$0x1E800] =	vst v63  }
0x53: {  	_ =	swait.ge [sflag:s16], $0x4000  }
0x54: {  	[sflag:s16] =	ssyncset.done $0x0  }
0x55: {  	s26 =	simm.s32 $0xE00;
	[sflag:s16] =	ssyncadd.s32 $0xFFFFC000  }
0x56: {  	[tilespmem:s8], [sflag:$0x2] =	stream.indirect.gather [hbm4b:s4+s5], $0x20, s26, s5, $0xb8;
	[tilespmem:$0x1E800] =	vst v63  }
0x57: {  	_ =	swait.ge [sflag:s17], $0x4000  }
0x58: {  	[sflag:s17] =	ssyncset.done $0x0  }
0x59: {  	s28 =	rddreg [dreg:$0x6];
	[sflag:s17] =	ssyncadd.s32 $0xFFFFC000  }
0x5a: {  	[hbm4b:s28+s2] =	stream.linear.scatter [tilespmem:s10], [sflag:$0xA], $0x4000, $0x38;
	[tilespmem:$0x1E800] =	vst v63  }
0x5b: {  	_ =	swait.ge [sflag:s18], $0x4000  }
0x5c: {  	[sflag:s18] =	ssyncset.done $0x0  }
0x5d: {  	s26 =	simm.s32 $0x1000;
	[sflag:s18] =	ssyncadd.s32 $0xFFFFC000  }
0x5e: {  	[tilespmem:s9], [sflag:$0x3] =	stream.indirect.gather [hbm4b:s4+s5], $0x20, s26, s5, $0xb8;
	[tilespmem:$0x1E800] =	vst v63  }
0x5f: {  	_ =	swait.ge [sflag:s19], $0x4000  }
0x60: {  	[sflag:s19] =	ssyncset.done $0x0  }
0x61: {  	s28 =	rddreg [dreg:$0x7];
	[sflag:s19] =	ssyncadd.s32 $0xFFFFC000  }
0x62: {  	[hbm4b:s28+s2] =	stream.linear.scatter [tilespmem:s11], [sflag:$0xB], $0x4000, $0x38;
	[tilespmem:$0x1E800] =	vst v63  }
0x63: {  	_ =	swait.ge [sflag:s20], $0x4000  }
0x64: {  	[sflag:s20] =	ssyncset.done $0x0  }
0x65: {  	s26 =	simm.s32 $0x1200;
	[sflag:s20] =	ssyncadd.s32 $0xFFFFC000  }
0x66: {  	[tilespmem:s10], [sflag:$0x4] =	stream.indirect.gather [hbm4b:s4+s5], $0x20, s26, s5, $0xb8;
	[tilespmem:$0x1E800] =	vst v63  }
0x67: {  	_ =	swait.ge [sflag:s21], $0x4000  }
0x68: {  	[sflag:s21] =	ssyncset.done $0x0  }
0x69: {  	s28 =	rddreg [dreg:$0x8];
	[sflag:s21] =	ssyncadd.s32 $0xFFFFC000  }
0x6a: {  	[hbm4b:s28+s2] =	stream.linear.scatter [tilespmem:s13], [sflag:$0xC], $0x4000, $0x38;
	[tilespmem:$0x1E800] =	vst v63  }
0x6b: {  	_ =	swait.ge [sflag:s22], $0x4000  }
0x6c: {  	[sflag:s22] =	ssyncset.done $0x0  }
0x6d: {  	s26 =	simm.s32 $0x1400;
	[sflag:s22] =	ssyncadd.s32 $0xFFFFC000  }
0x6e: {  	[tilespmem:s11], [sflag:$0x5] =	stream.indirect.gather [hbm4b:s4+s5], $0x20, s26, s5, $0xb8;
	[tilespmem:$0x1E800] =	vst v63  }
0x6f: {  	_ =	swait.ge [sflag:s12], $0x4000  }
0x70: {  	[sflag:s12] =	ssyncset.done $0x0  }
0x71: {  	s28 =	rddreg [dreg:$0x9];
	[sflag:s12] =	ssyncadd.s32 $0xFFFFC000  }
0x72: {  	[hbm4b:s28+s2] =	stream.linear.scatter [tilespmem:s7], [sflag:$0x7], $0x4000, $0x38;
	[tilespmem:$0x1E800] =	vst v63  }
0x73: {  	_ =	swait.ge [sflag:s23], $0x4000  }
0x74: {  	[sflag:s23] =	ssyncset.done $0x0  }
0x75: {  	s26 =	simm.s32 $0x1600;
	[sflag:s23] =	ssyncadd.s32 $0xFFFFC000  }
0x76: {  	[tilespmem:s13], [sflag:$0x6] =	stream.indirect.gather [hbm4b:s4+s5], $0x20, s26, s5, $0xb8;
	[tilespmem:$0x1E800] =	vst v63  }
0x77: {  	_ =	swait.ge [sflag:s14], $0x4000  }
0x78: {  	[sflag:s14] =	ssyncset.done $0x0  }
0x79: {  	s28 =	rddreg [dreg:$0xa];
	[sflag:s14] =	ssyncadd.s32 $0xFFFFC000  }
0x7a: {  	[hbm4b:s28+s2] =	stream.linear.scatter [tilespmem:s8], [sflag:$0x8], $0x4000, $0x38;
	[tilespmem:$0x1E800] =	vst v63  }
0x7b: {  	_ =	swait.ge [sflag:s15], $0x4000  }
0x7c: {  	[sflag:s15] =	ssyncset.done $0x0  }
0x7d: {  	s26 =	simm.s32 $0x1800;
	[sflag:s15] =	ssyncadd.s32 $0xFFFFC000  }
0x7e: {  	[tilespmem:s7], [sflag:$0x1] =	stream.indirect.gather [hbm4b:s4+s5], $0x20, s26, s5, $0xb8;
	[tilespmem:$0x1E800] =	vst v63  }
0x7f: {  	_ =	swait.ge [sflag:s6], $0x4000  }
0x80: {  	[sflag:s6] =	ssyncset.done $0x0  }
0x81: {  	s28 =	rddreg [dreg:$0xb];
	[sflag:s6] =	ssyncadd.s32 $0xFFFFC000  }
0x82: {  	[hbm4b:s28+s2] =	stream.linear.scatter [tilespmem:s9], [sflag:$0x9], $0x4000, $0x38;
	[tilespmem:$0x1E800] =	vst v63  }
0x83: {  	_ =	swait.ge [sflag:s16], $0x4000  }
0x84: {  	[sflag:s16] =	ssyncset.done $0x0  }
0x85: {  	s26 =	simm.s32 $0x1A00;
	[sflag:s16] =	ssyncadd.s32 $0xFFFFC000  }
0x86: {  	[tilespmem:s8], [sflag:$0x2] =	stream.indirect.gather [hbm4b:s4+s5], $0x20, s26, s5, $0xb8;
	[tilespmem:$0x1E800] =	vst v63  }
0x87: {  	_ =	swait.ge [sflag:s17], $0x4000  }
0x88: {  	[sflag:s17] =	ssyncset.done $0x0  }
0x89: {  	s28 =	rddreg [dreg:$0xc];
	[sflag:s17] =	ssyncadd.s32 $0xFFFFC000  }
0x8a: {  	[hbm4b:s28+s2] =	stream.linear.scatter [tilespmem:s10], [sflag:$0xA], $0x4000, $0x38;
	[tilespmem:$0x1E800] =	vst v63  }
0x8b: {  	_ =	swait.ge [sflag:s18], $0x4000  }
0x8c: {  	[sflag:s18] =	ssyncset.done $0x0  }
0x8d: {  	s26 =	simm.s32 $0x1C00;
	[sflag:s18] =	ssyncadd.s32 $0xFFFFC000  }
0x8e: {  	[tilespmem:s9], [sflag:$0x3] =	stream.indirect.gather [hbm4b:s4+s5], $0x20, s26, s5, $0xb8;
	[tilespmem:$0x1E800] =	vst v63  }
0x8f: {  	_ =	swait.ge [sflag:s19], $0x4000  }
0x90: {  	[sflag:s19] =	ssyncset.done $0x0  }
0x91: {  	s28 =	rddreg [dreg:$0xd];
	[sflag:s19] =	ssyncadd.s32 $0xFFFFC000  }
0x92: {  	[hbm4b:s28+s2] =	stream.linear.scatter [tilespmem:s11], [sflag:$0xB], $0x4000, $0x38;
	[tilespmem:$0x1E800] =	vst v63  }
0x93: {  	_ =	swait.ge [sflag:s20], $0x4000  }
0x94: {  	[sflag:s20] =	ssyncset.done $0x0  }
0x95: {  	s26 =	simm.s32 $0x1E00;
	[sflag:s20] =	ssyncadd.s32 $0xFFFFC000  }
0x96: {  	[tilespmem:s10], [sflag:$0x4] =	stream.indirect.gather [hbm4b:s4+s5], $0x20, s26, s5, $0xb8;
	[tilespmem:$0x1E800] =	vst v63  }
0x97: {  	_ =	swait.ge [sflag:s21], $0x4000  }
0x98: {  	[sflag:s21] =	ssyncset.done $0x0  }
0x99: {  	s28 =	rddreg [dreg:$0xe];
	[sflag:s21] =	ssyncadd.s32 $0xFFFFC000  }
0x9a: {  	[hbm4b:s28+s2] =	stream.linear.scatter [tilespmem:s13], [sflag:$0xC], $0x4000, $0x38;
	[tilespmem:$0x1E800] =	vst v63  }
0x9b: {  	_ =	swait.ge [sflag:s22], $0x4000  }
0x9c: {  	[sflag:s22] =	ssyncset.done $0x0  }
0x9d: {  	s26 =	simm.s32 $0x2000;
	[sflag:s22] =	ssyncadd.s32 $0xFFFFC000  }
0x9e: {  	[tilespmem:s11], [sflag:$0x5] =	stream.indirect.gather [hbm4b:s4+s5], $0x20, s26, s5, $0xb8;
	[tilespmem:$0x1E800] =	vst v63  }
0x9f: {  	_ =	swait.ge [sflag:s12], $0x4000  }
0xa0: {  	[sflag:s12] =	ssyncset.done $0x0  }
0xa1: {  	s28 =	rddreg [dreg:$0xf];
	[sflag:s12] =	ssyncadd.s32 $0xFFFFC000  }
0xa2: {  	[hbm4b:s28+s2] =	stream.linear.scatter [tilespmem:s7], [sflag:$0x7], $0x4000, $0x38;
	[tilespmem:$0x1E800] =	vst v63  }
0xa3: {  	_ =	swait.ge [sflag:s23], $0x4000  }
0xa4: {  	[sflag:s23] =	ssyncset.done $0x0  }
0xa5: {  	s26 =	simm.s32 $0x2200;
	[sflag:s23] =	ssyncadd.s32 $0xFFFFC000  }
0xa6: {  	[tilespmem:s13], [sflag:$0x6] =	stream.indirect.gather [hbm4b:s4+s5], $0x20, s26, s5, $0xb8;
	[tilespmem:$0x1E800] =	vst v63  }
0xa7: {  	_ =	swait.ge [sflag:s14], $0x4000  }
0xa8: {  	[sflag:s14] =	ssyncset.done $0x0  }
0xa9: {  	s28 =	rddreg [dreg:$0x10];
	[sflag:s14] =	ssyncadd.s32 $0xFFFFC000  }
0xaa: {  	[hbm4b:s28+s2] =	stream.linear.scatter [tilespmem:s8], [sflag:$0x8], $0x4000, $0x38;
	[tilespmem:$0x1E800] =	vst v63  }
0xab: {  	_ =	swait.ge [sflag:s15], $0x4000  }
0xac: {  	[sflag:s15] =	ssyncset.done $0x0  }
0xad: {  	s26 =	simm.s32 $0x2400;
	[sflag:s15] =	ssyncadd.s32 $0xFFFFC000  }
0xae: {  	[tilespmem:s7], [sflag:$0x1] =	stream.indirect.gather [hbm4b:s4+s5], $0x20, s26, s5, $0xb8;
	[tilespmem:$0x1E800] =	vst v63  }
0xaf: {  	_ =	swait.ge [sflag:s6], $0x4000  }
0xb0: {  	[sflag:s6] =	ssyncset.done $0x0  }
0xb1: {  	s28 =	rddreg [dreg:$0x11];
	[sflag:s6] =	ssyncadd.s32 $0xFFFFC000  }
0xb2: {  	[hbm4b:s28+s2] =	stream.linear.scatter [tilespmem:s9], [sflag:$0x9], $0x4000, $0x38;
	[tilespmem:$0x1E800] =	vst v63  }
0xb3: {  	_ =	swait.ge [sflag:s16], $0x4000  }
0xb4: {  	[sflag:s16] =	ssyncset.done $0x0  }
0xb5: {  	s26 =	simm.s32 $0x2600;
	[sflag:s16] =	ssyncadd.s32 $0xFFFFC000  }
0xb6: {  	[tilespmem:s8], [sflag:$0x2] =	stream.indirect.gather [hbm4b:s4+s5], $0x20, s26, s5, $0xb8;
	[tilespmem:$0x1E800] =	vst v63  }
0xb7: {  	_ =	swait.ge [sflag:s17], $0x4000  }
0xb8: {  	[sflag:s17] =	ssyncset.done $0x0  }
0xb9: {  	s28 =	rddreg [dreg:$0x12];
	[sflag:s17] =	ssyncadd.s32 $0xFFFFC000  }
0xba: {  	[hbm4b:s28+s2] =	stream.linear.scatter [tilespmem:s10], [sflag:$0xA], $0x4000, $0x38;
	[tilespmem:$0x1E800] =	vst v63  }
0xbb: {  	_ =	swait.ge [sflag:s18], $0x4000  }
0xbc: {  	[sflag:s18] =	ssyncset.done $0x0  }
0xbd: {  	s26 =	simm.s32 $0x2800;
	[sflag:s18] =	ssyncadd.s32 $0xFFFFC000  }
0xbe: {  	[tilespmem:s9], [sflag:$0x3] =	stream.indirect.gather [hbm4b:s4+s5], $0x20, s26, s5, $0xb8;
	[tilespmem:$0x1E800] =	vst v63  }
0xbf: {  	_ =	swait.ge [sflag:s19], $0x4000  }
0xc0: {  	[sflag:s19] =	ssyncset.done $0x0  }
0xc1: {  	s28 =	rddreg [dreg:$0x13];
	[sflag:s19] =	ssyncadd.s32 $0xFFFFC000  }
0xc2: {  	[hbm4b:s28+s2] =	stream.linear.scatter [tilespmem:s11], [sflag:$0xB], $0x4000, $0x38;
	[tilespmem:$0x1E800] =	vst v63  }
0xc3: {  	_ =	swait.ge [sflag:s20], $0x4000  }
0xc4: {  	[sflag:s20] =	ssyncset.done $0x0  }
0xc5: {  	s26 =	simm.s32 $0x2A00;
	[sflag:s20] =	ssyncadd.s32 $0xFFFFC000  }
0xc6: {  	[tilespmem:s10], [sflag:$0x4] =	stream.indirect.gather [hbm4b:s4+s5], $0x20, s26, s5, $0xb8;
	[tilespmem:$0x1E800] =	vst v63  }
0xc7: {  	_ =	swait.ge [sflag:s21], $0x4000  }
0xc8: {  	[sflag:s21] =	ssyncset.done $0x0  }
0xc9: {  	s28 =	rddreg [dreg:$0x14];
	[sflag:s21] =	ssyncadd.s32 $0xFFFFC000  }
0xca: {  	[hbm4b:s28+s2] =	stream.linear.scatter [tilespmem:s13], [sflag:$0xC], $0x4000, $0x38;
	[tilespmem:$0x1E800] =	vst v63  }
0xcb: {  	_ =	swait.ge [sflag:s22], $0x4000  }
0xcc: {  	[sflag:s22] =	ssyncset.done $0x0  }
0xcd: {  	s26 =	simm.s32 $0x2C00;
	[sflag:s22] =	ssyncadd.s32 $0xFFFFC000  }
0xce: {  	[tilespmem:s11], [sflag:$0x5] =	stream.indirect.gather [hbm4b:s4+s5], $0x20, s26, s5, $0xb8;
	[tilespmem:$0x1E800] =	vst v63  }
0xcf: {  	_ =	swait.ge [sflag:s12], $0x4000  }
0xd0: {  	[sflag:s12] =	ssyncset.done $0x0  }
0xd1: {  	s28 =	rddreg [dreg:$0x15];
	[sflag:s12] =	ssyncadd.s32 $0xFFFFC000  }
0xd2: {  	[hbm4b:s28+s2] =	stream.linear.scatter [tilespmem:s7], [sflag:$0x7], $0x4000, $0x38;
	[tilespmem:$0x1E800] =	vst v63  }
0xd3: {  	_ =	swait.ge [sflag:s23], $0x4000  }
0xd4: {  	[sflag:s23] =	ssyncset.done $0x0  }
0xd5: {  	s26 =	simm.s32 $0x2E00;
	[sflag:s23] =	ssyncadd.s32 $0xFFFFC000  }
0xd6: {  	[tilespmem:s13], [sflag:$0x6] =	stream.indirect.gather [hbm4b:s4+s5], $0x20, s26, s5, $0xb8;
	[tilespmem:$0x1E800] =	vst v63  }
0xd7: {  	_ =	swait.ge [sflag:s14], $0x4000  }
0xd8: {  	[sflag:s14] =	ssyncset.done $0x0  }
0xd9: {  	s28 =	rddreg [dreg:$0x16];
	[sflag:s14] =	ssyncadd.s32 $0xFFFFC000  }
0xda: {  	[hbm4b:s28+s2] =	stream.linear.scatter [tilespmem:s8], [sflag:$0x8], $0x4000, $0x38;
	[tilespmem:$0x1E800] =	vst v63  }
0xdb: {  	_ =	swait.ge [sflag:s15], $0x4000  }
0xdc: {  	[sflag:s15] =	ssyncset.done $0x0  }
0xdd: {  	s26 =	simm.s32 $0x3000;
	[sflag:s15] =	ssyncadd.s32 $0xFFFFC000  }
0xde: {  	[tilespmem:s7], [sflag:$0x1] =	stream.indirect.gather [hbm4b:s4+s5], $0x20, s26, s5, $0xb8;
	[tilespmem:$0x1E800] =	vst v63  }
0xdf: {  	_ =	swait.ge [sflag:s6], $0x4000  }
0xe0: {  	[sflag:s6] =	ssyncset.done $0x0  }
0xe1: {  	s28 =	rddreg [dreg:$0x17];
	[sflag:s6] =	ssyncadd.s32 $0xFFFFC000  }
0xe2: {  	[hbm4b:s28+s2] =	stream.linear.scatter [tilespmem:s9], [sflag:$0x9], $0x4000, $0x38;
	[tilespmem:$0x1E800] =	vst v63  }
0xe3: {  	_ =	swait.ge [sflag:s16], $0x4000  }
0xe4: {  	[sflag:s16] =	ssyncset.done $0x0  }
0xe5: {  	s26 =	simm.s32 $0x3200;
	[sflag:s16] =	ssyncadd.s32 $0xFFFFC000  }
0xe6: {  	[tilespmem:s8], [sflag:$0x2] =	stream.indirect.gather [hbm4b:s4+s5], $0x20, s26, s5, $0xb8;
	[tilespmem:$0x1E800] =	vst v63  }
0xe7: {  	_ =	swait.ge [sflag:s17], $0x4000  }
0xe8: {  	[sflag:s17] =	ssyncset.done $0x0  }
0xe9: {  	s28 =	rddreg [dreg:$0x18];
	[sflag:s17] =	ssyncadd.s32 $0xFFFFC000  }
0xea: {  	[hbm4b:s28+s2] =	stream.linear.scatter [tilespmem:s10], [sflag:$0xA], $0x4000, $0x38;
	[tilespmem:$0x1E800] =	vst v63  }
0xeb: {  	_ =	swait.ge [sflag:s19], $0x4000  }
0xec: {  	[sflag:s19] =	ssyncset.done $0x0  }
0xed: {  	s26 =	rddreg [dreg:$0x19];
	[sflag:s19] =	ssyncadd.s32 $0xFFFFC000  }
0xee: {  	[hbm4b:s26+s2] =	stream.linear.scatter [tilespmem:s11], [sflag:$0xB], $0x4000, $0x38;
	[tilespmem:$0x1E800] =	vst v63  }
0xef: {  	_ =	swait.ge [sflag:s21], $0x4000  }
0xf0: {  	[sflag:s21] =	ssyncset.done $0x0  }
0xf1: {  	s28 =	rddreg [dreg:$0x1a];
	[sflag:s21] =	ssyncadd.s32 $0xFFFFC000  }
0xf2: {  	[hbm4b:s28+s2] =	stream.linear.scatter [tilespmem:s13], [sflag:$0xC], $0x4000, $0x38;
	[tilespmem:$0x1E800] =	vst v63  }
0xf3: {  	_ =	swait.ge [sflag:s12], $0x4000  }
0xf4: {  	[sflag:s12] =	ssyncset.done $0x0  }
0xf5: {  	[sflag:s12] =	ssyncadd.s32 $0xFFFFC000  }
0xf6: {  	[hbm4b:s30+s2] =	stream.linear.scatter [tilespmem:s7], [sflag:$0x7], $0x4000, $0x38;
	[tilespmem:$0x1E800] =	vst v63  }
0xf7: {  	_ =	swait.ge [sflag:s14], $0x4000  }
0xf8: {  	[sflag:s14] =	ssyncset.done $0x0  }
0xf9: {  	[sflag:s14] =	ssyncadd.s32 $0xFFFFC000  }
0xfa: {  	[hbm4b:s31+s2] =	stream.linear.scatter [tilespmem:s8], [sflag:$0x8], $0x4000, $0x38;
	[tilespmem:$0x1E800] =	vst v63  }
0xfb: {  	_ =	swait.ge [sflag:s18], $0x4000  }
0xfc: {  	[sflag:s18] =	ssyncset.done $0x0  }
0xfd: {  	[sflag:s18] =	ssyncadd.s32 $0xFFFFC000  }
0xfe: {  	_ =	swait.ge [sflag:s20], $0x4000  }
0xff: {  	[sflag:s20] =	ssyncset.done $0x0  }
0x100: {  	[sflag:s20] =	ssyncadd.s32 $0xFFFFC000  }
0x101: {  	_ =	swait.ge [sflag:s22], $0x4000  }
0x102: {  	[sflag:s22] =	ssyncset.done $0x0  }
0x103: {  	[sflag:s22] =	ssyncadd.s32 $0xFFFFC000  }
0x104: {  	_ =	swait.ge [sflag:s23], $0x4000  }
0x105: {  	[sflag:s23] =	ssyncset.done $0x0  }
0x106: {  	s24 =	sadd.s32 $0x1, s24;
	[sflag:s23] =	ssyncadd.s32 $0xFFFFC000  }
0x107: {  	p0 =	sne.s32 s24, s1;
	_ =	swait.ge [sflag:s15], $0x4000  }
.Ltmp1:
0x108: {  	[sflag:s15] =	ssyncset.done $0x0;
	(pc) =	sbr.rel @p0 .LBB2_1-.Ltmp1, $4  }
0x109: {  	[sflag:s15] =	ssyncadd.s32 $0xFFFFC000  }
0x10a: {  	_ =	swait.ge [sflag:s16], $0x4000  }
0x10b: {  	[sflag:s16] =	ssyncset.done $0x0  }
0x10c: {  	[sflag:s16] =	ssyncadd.s32 $0xFFFFC000  }
0x10d: {  	_ =	sfence.sel $0x180000  }
0x10e: {  	[bflag:$0x0] =	sbarrier.arrive $0xFFFF  }
0x10f: {  	_ =	strace $0x90000047  }
0x110: {  	s0 =	stileid.u32;
	[bflag:$0x2] =	sbarrier.arrive $0xFFFF  }
0x111: {  	p0 =	sne.s32 s0, $0x0;
	s0 =	rddreg [dreg:$0x2]  }
0x112: {  	s0 =	sadd.s32 @!p0 $0x100000, s0  }
0x113: {  	[sflag:s0] =	ssyncadd.tile.s32 @!p0 $0x1;
	_ =	shalt  }
.Lfunc_end2:
_tile_overlayer_lowered:
.L_overlay_start_2:
0x114: {  	(tag) =	ssettag $0x2  }
0x115: {  	s0 =	rddreg [dreg:$0x0];
	s2 =	stileid.u32  }
0x116: {  	s1 =	rddreg [dreg:$0x1];
	p0 =	sne.s32 s2, $0x0  }
0x117: {  	s3 =	rddreg [dreg:$0x2];
	[bflag:$0x3] =	sbarrier.arrive $0xFFFF;
	s2 =	simm.s32 @!p0 $0x1C0D  }
0x118: {  	[timem:s3], [sflag:s2] =	dma.local @!p0 [hbm:s0], s1  }
0x119: {  	s0 =	simm.s32 @!p0 $0xD  }
0x11a: {  	_ =	swait.ge @!p0 [sflag:s0], s1  }
0x11b: {  	s1 =	ssub.s32 @!p0 $0x0, s1;
	[sflag:s0] =	ssyncset.done @!p0 $0x0  }
0x11c: {  	[sflag:s0] =	ssyncadd.s32 @!p0 s1  }
0x11d: {  	[bflag:$0x3] =	sbarrier.arrive $0xFFFF  }
0x11e: {  	_ =	shalt  }

// kernel: sparse-core-data-format-call.cloned.1.call-start
scs
called_computation_lowered:
.L_overlay_start_0:
0x0: {  	s2 =	sld [smem:$0x3FD9]  }
0x1: {  	s3 =	sld [smem:$0x3FFE];
	_ =	sdelay $0x1  }
0x2: {  	s1 =	srdreg.scid  }
0x3: {  	s0 =	sand.u32 $0x1, s1  }
0x4: {  	s18 =	sshll.u32 s0, $0xA;
	s2 =	sadd.s32 s3, s2  }
0x5: {  	s2 =	sadd.s32 s2, s18  }
0x6: {  	[smem:$0x3FC6] =	sst s2  }
0x7: {  	_ = 	snop  }
0x8: {  	s2 =	sld [smem:$0x3FD0];
	(tm) =	ssettm $0x1  }
0x9: {  	s19 =	sld [smem:$0x3FFB];
	_ =	sdelay $0x3  }
0xa: {  	_ =	strace s19  }
0xb: {  	s3 =	sld [smem:$0x3FFC];
	_ =	sdelay $0x3  }
0xc: {  	_ =	strace s3  }
0xd: {  	s3 =	sld [smem:$0x3FFD];
	_ =	sdelay $0x3  }
0xe: {  	_ =	strace s3  }
0xf: {  	_ =	strace $0x8FFFFFFF  }
0x10: {  	s20 =	sld [smem:$0x3FDB];
	_ =	sdelay $0x1  }
0x11: {  	s4 =	simm.s32 $_scs_section_size  }
0x12: {  	s5 =	simm.s32 $_size__tile_overlayer_lowered;
	s6 =	simm.s32 $_tile_overlayer_lowered  }
0x13: {  	s23 =	simm.s32 $0x1BFF;
	s22 =	sshll.u32 s6, $0x1;
	s3 =	sadd.s32 s4, s20  }
0x14: {  	s7 =	simm.s32 $0x0;
	s21 =	sshll.u32 s5, $0x1;
	s5 =	sadd.s32 s22, s3  }
0x15: {  	[timem:s7], [sflag:s23] =	dma.local [hbm:s5], s21  }
0x16: {  	_ =	swait.ge [sflag:s23], s21  }
0x17: {  	s4 =	ssub.s32 $0x0, s21;
	[sflag:s23] =	ssyncset.done $0x0  }
0x18: {  	[sflag:s23] =	ssyncadd.s32 s4;
	_ =	sdelay $0x1  }
0x19: {  	s24 =	simm.s32 $0x1B8B  }
0x1a: {  	_ =	swait.ge [sflag:s24], $0x1  }
0x1b: {  	[sflag:s24] =	ssyncset.done $0x0  }
0x1c: {  	s26 =	simm.s32 $0x1B8E;
	s25 =	sld [smem:$0x3FFE];
	[sflag:s24] =	ssyncadd.s32 $0xFFFFFFFF  }
0x1d: {  	s27 =	simm.s32 $execute0_lowered;
	[smem:$0x3FD2] =	sst s26  }
0x1e: {  	s5 =	sshll.u32 s27, $0x1;
	_ =	strace $0x80000049;
	[dreg:$0x1] =	wrdreg $0xFFFFFFFF  }
0x1f: {  	s28 =	simm.s32 $_size_execute0_lowered;
	s3 =	sadd.s32 s3, s5;
	[dreg:$0x0] =	wrdreg $0x0  }
0x20: {  	s5 =	sshll.u32 s28, $0x1;
	[dreg:$0x2] =	wrdreg s3  }
0x21: {  	[dreg:$0x3] =	wrdreg s5  }
0x22: {  	[dreg:$0x4] =	wrdreg $0xC0  }
0x23: {  	_ =	task [dreg:s7], $0x5FFFF  }
0x24: {  	[dreg:$0x1] =	wrdreg $0xFFFFFFFF  }
0x25: {  	[dreg:$0x0] =	wrdreg $0x60  }
0x26: {  	[dreg:$0x2] =	wrdreg s25  }
0x27: {  	[dreg:$0x3] =	wrdreg s2  }
0x28: {  	[dreg:$0x4] =	wrdreg $0x9  }
0x29: {  	_ =	task.clear_ibuf [dreg:s7], $0x5FFFF;
	_ =	strace $0x90000049  }
0x2a: {  	s29 =	simm.s32 $0x9;
	_ =	strace $0x8000004B  }
0x2b: {  	_ =	swait.ge [sflag:s29], $0x1  }
0x2c: {  	[sflag:s29] =	ssyncadd.s32 $0xFFFFFFFF  }
0x2d: {  	_ =	strace $0x9000004B  }
0x2e: {  	_ =	sfence  }
0x2f: {  	s30 =	sld [smem:$0x0];
	_ =	sdelay $0x2  }
0x30: {  	s31 =	sshll.u32 s1, $0xD;
	s1 =	sshrl.u32 s1, $0x2  }
0x31: {  	s3 =	sand.u32 $0x4000, s31;
	s1 =	sadd.s32 s1, s30  }
0x32: {  	s0 =	sor.u32 s3, s0;
	s1 =	sshll.u32 s1, $0x11  }
0x33: {  	s0 =	sor.u32 s1, s0  }
0x34: {  	s0 =	sadd.s32 $0x8F2B, s0  }
0x35: {  	[sflag:s0] =	ssyncadd.remote.s32 $0x1  }
0x36: {  	_ =	sfence.sel $0xFFFF  }
0x37: {  	[dreg:$0x0] =	wrdreg $0xFFFFFFFF;
	(pc) =	sbr.abs _section_cstart, $3  }
0x38: {  	[dreg:$0x1] =	wrdreg $0xFFFFFFFF  }
0x39: {  	_ =	task.clear_ibuf [dreg:s7], $0x2FFFF;
	_ =	strace $0x9FFFFFFF  }
0x3a: {  	(tm) =	ssettm $0x7FFFFFFF  }
0x3b: {  	_ =	shalt  }
tec
execute0_lowered:
.L_overlay_start_1:
0x0: {  	(tag) =	ssettag $0x1  }
0x1: {  	s0 =	srdreg.scid  }
0x2: {  	s1 =	sshll.u32 s0, $0x4  }
0x3: {  	s6 =	rddreg [dreg:$0x0];
	s0 =	stileid.u32;
	s1 =	sand.u32 $0x10, s1  }
0x4: {  	s3 =	rddreg [dreg:$0x1];
	s1 =	sor.u32 s0, s1  }
0x5: {  	s5 =	simm.s32 $0x1;
	s31 =	simm.s32 $0x2;
	s2 =	sshll.u32 s1, $0x7  }
0x6: {  	s15 =	simm.s32 $0x0;
	s8 =	simm.s32 $0x20000;
	s4 =	ssub.s32 $0x4000, s2  }
0x7: {  	s14 =	simm.s32 $0x0;
	s9 =	simm.s32 $0x0;
	s30 =	sand.u32 $0xF80, s4  }
0x8: {  	s10 =	simm.s32 $0x0;
	s11 =	simm.s32 $0x0;
	p0 =	sne.s32 s30, $0x0  }
.Ltmp0:
0x9: {  	s7 =	sshrl.u32 s4, $0xC;
	s5 =	simm.s32 @!p0 $0x0;
	(pc) =	sbr.rel .LBB1_1-.Ltmp0, $4  }
0xa: {  	s13 =	simm.s32 $0x0;
	s1 =	rddreg [dreg:$0x2];
	s5 =	sadd.s32 s5, s7  }
0xb: {  	_ =	strace $0x8000004A;
	s4 =	simm.s32 $0x1;
	s5 =	smul.u32 $0x7, s5  }
0xc: {  	s6 =	sadd.s32 $0xC00, s6;
	s12 =	smov.u32 s2;
	[sflag:s4] =	ssyncpa.u1 $0x0  }
0xd: {  	[sflag:s31] =	ssyncpa.u1 $0x0;
	p0 =	por $0x0, $0x0;
	s7 =	sadd.s32 $0x1, s5  }
.LBB1_4:
0xe: {  	s20 =	sshra.s32 s20, $0x2  }
0xf: {  	s28 =	sand.u32 $0x78, s10;
	s21 =	sshll.u32 s9, $0xE;
	s22 =	sshll.u32 s10, $0x3  }
0x10: {  	s24 =	sshll.u32 s9, $0x7;
	p1 =	sgt.s32 s9, $0x2C0;
	s30 =	sshra.s32 s9, $0x1F  }
0x11: {  	s26 =	sshra.s32 s10, $0x1F;
	s19 =	sadd.s32 s20, s19;
	s21 =	sand.u32 $0xFFFE0000, s21  }
0x12: {  	v5 =	vld [tilespmem:s17+$0xFFFFFFD0];
	[tilespmem:s18+$0x2040 ss:$0x81] =	vst.msk $0xffff, v4;
	s23 =	sand.u32 $0xFFFFFC00, s22;
	s29 =	sand.u32 $0x380, s24;
	s22 =	sand.u32 $0x3C00, s22  }
0x13: {  	v58 =	vld [tilespmem:s17+$0xFFFFFFE0];
	[tilespmem:s18+$0x2850 ss:$0x81] =	vst.msk $0xffff, v3;
	s21 =	sadd.s32 s23, s21;
	s20 =	sor.u32 s28, s22;
	s22 =	smov.u32 s9  }
0x14: {  	v59 =	vld [tilespmem:s17+$0xFFFFFFF0];
	[tilespmem:s18+$0x3060 ss:$0x81] =	vst.msk $0xffff, v2;
	s24 =	sand.u32 s30, s9;
	s21 =	sshrl.u32 s21, $0xE;
	s22 =	simm.s32 @!p1 $0x2C0  }
0x15: {  	v60 =	vld [tilespmem:s17+$0x0];
	[tilespmem:s18+$0x0 ss:$0x81] =	vst.msk $0xffff, v1;
	p1 =	sgt.s32 s10, $0x3F80;
	s31 =	ssub.s32 s22, s24;
	s22 =	smov.u32 s10  }
0x16: {  	v61 =	vld [tilespmem:s17+$0x10];
	[tilespmem:s19+$0x3870 ss:$0x81] =	vst.msk $0xffff, v0;
	s25 =	smulhi.u32 $0x4EC4ED, s21;
	s24 =	sand.u32 s26, s10;
	s22 =	simm.s32 @!p1 $0x3F80  }
0x17: {  	v62 =	vld [tilespmem:s17+$0x20];
	s20 =	sor.u32 s29, s20;
	[tilespmem:s19+$0x810 ss:$0x81] =	vst.msk $0xffff, v5;
	s27 =	sadd.s32 $0xFFFFFD40, s31;
	s22 =	ssub.s32 s22, s24  }
0x18: {  	v63 =	vld [tilespmem:s17+$0xFFFFFFC0];
	[tilespmem:s19+$0x1020 ss:$0x81] =	vst.msk $0xffff, v58;
	s18 =	ssub.s32 $0x340, s31;
	s28 =	smul.u32 $0x340, s25;
	s29 =	sadd.s32 $0xFFFFC080, s22  }
0x19: {  	[tilespmem:s19+$0x1830 ss:$0x81] =	vst.msk $0xffff, v59;
	p1 =	sgt.s32 s27, $0x7F;
	s22 =	ssub.s32 $0x4000, s22;
	p2 =	sgt.s32 s29, $0x7F  }
0x1a: {  	s30 =	sand.u32 $0x7, s10;
	[tilespmem:s19+$0x2040 ss:$0x81] =	vst.msk $0xffff, v60;
	s18 =	simm.s32 @p1 $0x0;
	s22 =	simm.s32 @p2 $0x0  }
0x1b: {  	s20 =	sshrl.u32 s20, $0x3;
	[tilespmem:s19+$0x2850 ss:$0x81] =	vst.msk $0xffff, v61;
	s17 =	ssub.s32 s21, s28;
	s18 =	smul.u32 s22, s18  }
0x1c: {  	[tilespmem:s19+$0x3060 ss:$0x81] =	vst.msk $0xffff, v62;
	s20 =	sadd.s32 s3, s20;
	s21 =	sshll.u32 s30, $0x12;
	s17 =	sshll.u32 s17, $0xB  }
0x1d: {  	[tilespmem:s19+$0x0 ss:$0x81] =	vst.msk $0xffff, v63;
	s31 =	sor.u32 $0x400, s21;
	s17 =	sadd.s32 s17, s20;
	s18 =	sand.u32 $0x3FFFFFFF, s18  }
0x1e: {  	[hbm4b:s17+s31] =	stream.strided.scatter [tilespmem:s16], [sflag:$0x2], s18, s8, s31, $0x20;
	[tilespmem:$0x10100] =	vst v63  }
.LBB1_5:
0x1f: {  	p1 =	slt.u32 s13, $0x2  }
0x20: {  	s17 =	smov.u32 s15;
	p2 =	sgt.s32 @!p1 s15, $0x2C0;
	s16 =	sshra.s32 @!p1 s15, $0x1F  }
0x21: {  	p3 =	sgt.s32 @!p1 s14, $0x3F80;
	s18 =	sshra.s32 @!p1 s14, $0x1F;
	p2 =	por !p2, p1  }
0x22: {  	s15 =	sand.u32 @!p1 s16, s15;
	p3 =	por !p3, p1;
	s16 =	smov.u32 s14  }
0x23: {  	s14 =	sand.u32 @!p1 s18, s14;
	s17 =	simm.s32 @p2 $0x2C0;
	s16 =	simm.s32 @p3 $0x3F80  }
0x24: {  	s15 =	ssub.s32 @!p1 s17, s15;
	s14 =	ssub.s32 @!p1 s16, s14  }
0x25: {  	s18 =	smov.u32 s12;
	s16 =	sadd.s32 @!p1 $0xFFFFFD40, s15;
	s17 =	sadd.s32 @!p1 $0xFFFFC080, s14  }
0x26: {  	s15 =	ssub.s32 @!p1 $0x340, s15;
	p2 =	sgt.s32 @!p1 s16, $0x7F;
	p3 =	sgt.s32 @!p1 s17, $0x7F  }
0x27: {  	s14 =	ssub.s32 @!p1 $0x4000, s14;
	p2 =	por !p2, p1;
	p3 =	por !p3, p1  }
0x28: {  	s16 =	sadd.s32 $0x80, s11;
	s15 =	simm.s32 @!p2 $0x0;
	s14 =	simm.s32 @!p3 $0x0  }
0x29: {  	p2 =	sgt.s32 s16, $0x33F;
	s14 =	smul.u32 @!p1 s14, s15;
	s15 =	sadd.s32 $0x1000, s12  }
0x2a: {  	s18 =	smov.u32 @p2 s15  }
0x2b: {  	s16 =	simm.s32 @p2 $0x0;
	p2 =	sgt.s32 s18, $0x3FFF  }
0x2c: {  	s18 =	smov.u32 @p2 s2;
	p2 =	sne.s32 s13, s7  }
.Ltmp1:
0x2d: {  	p0 =	por !p0, !p0;
	s17 =	simm.s32 @!p1 $0x2;
	(pc) =	sbr.rel @!p2 .LBB1_6-.Ltmp1, $4  }
0x2e: {  	s15 =	smov.u32 s9;
	s9 =	smov.u32 s11;
	s14 =	sand.u32 @!p1 $0x3FFFFFFF, s14  }
0x2f: {  	s11 =	smov.u32 s16;
	_ =	swait.ge @!p1 [sflag:s17], s14;
	s19 =	ssub.s32 @!p1 $0x0, s14  }
0x30: {  	s14 =	smov.u32 s10;
	s13 =	sadd.s32 $0x1, s13;
	[sflag:s17] =	ssyncset.done @!p1 $0x0  }
0x31: {  	s10 =	smov.u32 s12;
	s12 =	smov.u32 s18;
	[sflag:s17] =	ssyncadd.s32 @!p1 s19  }
.LBB1_1:
0x32: {  	p1 =	sge.u32 s13, s5  }
0x33: {  	s16 =	sshrl.u32 @!p1 s12, $0x3  }
0x34: {  	s17 =	sshll.u32 @!p1 s11, $0x3;
	s16 =	smul.u32 @!p1 $0x1C00, s16  }
0x35: {  	s18 =	sshll.u32 @!p1 s12, $0x7;
	s17 =	sand.u32 @!p1 $0xFFFFFC00, s17  }
0x36: {  	s16 =	sadd.s32 @!p1 s16, s17;
	s17 =	sand.u32 @!p1 $0x380, s18  }
0x37: {  	s16 =	sor.u32 @!p1 s17, s16  }
0x38: {  	s17 =	sshrl.u32 @!p1 s16, $0x7  }
0x39: {  	s17 =	smulhi.u32 @!p1 $0x24924925, s17;
	_ =	sdelay $0x1  }
0x3a: {  	s18 =	sand.u32 @!p1 $0x7F, s11;
	s19 =	smul.u32 @!p1 $0x380, s17  }
0x3b: {  	s31 =	sadd.s32 $0xFFFFFFFF, s13;
	s16 =	sor.u32 @!p1 s18, s16;
	s18 =	sxor.u32 @!p1 $0xFFFFFFFF, s13  }
0x3c: {  	s18 =	sshll.u32 @!p1 s18, $0xE;
	s17 =	sand.u32 @!p1 $0x3FFF, s17;
	s16 =	ssub.s32 @!p1 s16, s19  }
0x3d: {  	s17 =	smul.u32 @!p1 $0x70, s17;
	s19 =	sshrl.u32 @!p1 s16, $0x3;
	s16 =	sand.u32 @!p1 $0x7, s16  }
0x3e: {  	s18 =	sand.u32 @!p1 $0x4000, s18;
	s19 =	sadd.s32 @!p1 s6, s19;
	s16 =	sshll.u32 @!p1 s16, $0x12  }
0x3f: {  	s17 =	sadd.s32 @!p1 s17, s19;
	s16 =	sor.u32 @!p1 $0x400, s16;
	s19 =	simm.s32 @!p1 $0x1C00  }
0x40: {  	[tilespmem:s18], [sflag:$0x1] =	stream.strided.gather @!p1 [hbm4b:s17+s16], $0x4000, s19, s16, $0x38;
	[tilespmem:$0x10100] =	vst v63  }
0x41: {  	p1 =	sge.u32 s31, s5  }
.Ltmp2:
0x42: {  	_ = 	snop;
	(pc) =	sbr.rel @p1 .LBB1_5-.Ltmp2, $1  }
0x43: {  	_ =	sdelay $0x3  }
0x44: {  	s16 =	simm.s32 $0x1  }
0x45: {  	_ =	swait.ge [sflag:s4], $0x4000;
	s16 =	simm.s32 @!p0 $0x0  }
0x46: {  	[sflag:s4] =	ssyncset.done $0x0;
	s17 =	sshll.u32 s16, $0xE  }
0x47: {  	[sflag:s4] =	ssyncadd.s32 $0xFFFFC000;
	s17 =	sor.u32 $0x40, s17  }
0x48: {  	s16 =	smul.u32 $0x10200, s16;
	v0 =	vld [tilespmem:s17+$0x30]  }
0x49: {  	v1 =	vld [tilespmem:s17+$0xFFFFFFD0]  }
0x4a: {  	s16 =	sshrl.u32 s16, $0x2;
	v5 =	vld [tilespmem:s17+$0xFFFFFFE0]  }
0x4b: {  	v6 =	vld [tilespmem:s17+$0xFFFFFFF0];
	s19 =	sor.u32 $0x8000, s16  }
0x4c: {  	s31 =	sand.u32 $0x1, s13;
	v4 =	vld [tilespmem:s17+$0x0];
	s18 =	sadd.s32 $0x0, s19  }
0x4d: {  	v3 =	vld [tilespmem:s17+$0x10];
	s16 =	smul.u32 $0x10200, s31;
	[tilespmem:s18+$0x3870 ss:$0x81] =	vst.msk $0xffff, v0  }
0x4e: {  	v2 =	vld [tilespmem:s17+$0x20];
	[tilespmem:s18+$0x810 ss:$0x81] =	vst.msk $0xffff, v1  }
0x4f: {  	s16 =	sshrl.u32 s16, $0x2;
	v1 =	vld [tilespmem:s17+$0xFFFFFFC0];
	[tilespmem:s18+$0x1020 ss:$0x81] =	vst.msk $0xffff, v5;
	s17 =	sadd.s32 $0x80, s17  }
0x50: {  	s20 =	simm.s32 $0x4;
	s21 =	simm.s32 $0x8;
	s16 =	sor.u32 $0x8000, s16;
	[tilespmem:s18+$0x1830 ss:$0x81] =	vst.msk $0xffff, v6;
	v0 =	vld [tilespmem:s17+$0x30]  }
.LBB1_3:
0x51: {  	p1 =	sne.s32 s21, $0x1FC;
	v5 =	vld [tilespmem:s17+$0xFFFFFFD0];
	[tilespmem:s18+$0x2040 ss:$0x81] =	vst.msk $0xffff, v4  }
0x52: {  	v6 =	vld [tilespmem:s17+$0xFFFFFFE0];
	[tilespmem:s18+$0x2850 ss:$0x81] =	vst.msk $0xffff, v3  }
0x53: {  	s22 =	sshra.s32 s20, $0x2;
	s20 =	smov.u32 s21;
	v7 =	vld [tilespmem:s17+$0xFFFFFFF0];
	[tilespmem:s18+$0x3060 ss:$0x81] =	vst.msk $0xffff, v2  }
.Ltmp3:
0x54: {  	v4 =	vld [tilespmem:s17+$0x0];
	[tilespmem:s18+$0x0 ss:$0x81] =	vst.msk $0xffff, v1;
	s18 =	sadd.s32 s22, s19;
	(pc) =	sbr.rel @p1 .LBB1_3-.Ltmp3, $4  }
0x55: {  	v3 =	vld [tilespmem:s17+$0x10];
	[tilespmem:s18+$0x3870 ss:$0x81] =	vst.msk $0xffff, v0  }
0x56: {  	[tilespmem:s18+$0x810 ss:$0x81] =	vst.msk $0xffff, v5;
	v2 =	vld [tilespmem:s17+$0x20]  }
0x57: {  	v1 =	vld [tilespmem:s17+$0xFFFFFFC0];
	[tilespmem:s18+$0x1020 ss:$0x81] =	vst.msk $0xffff, v6;
	s17 =	sadd.s32 $0x80, s17  }
0x58: {  	s21 =	sadd.s32 $0x4, s21;
	v0 =	vld [tilespmem:s17+$0x30];
	[tilespmem:s18+$0x1830 ss:$0x81] =	vst.msk $0xffff, v7  }
.Ltmp4:
0x59: {  	_ = 	snop;
	(pc) =	sbr.rel .LBB1_4-.Ltmp4, $1  }
0x5a: {  	_ =	sdelay $0x3  }
.LBB1_6:
0x5b: {  	_ =	sfence.sel $0x180000  }
0x5c: {  	s2 =	simm.s32 $0x1;
	[bflag:$0x0] =	sbarrier.arrive $0xFFFF  }
0x5d: {  	s31 =	simm.s32 $0x2;
	[sflag:s2] =	ssyncpa.u1 $0x1  }
0x5e: {  	[sflag:s31] =	ssyncpa.u1 $0x1  }
0x5f: {  	p0 =	sne.s32 s0, $0x0;
	_ =	strace $0x9000004A  }
0x60: {  	s0 =	sadd.s32 @!p0 $0x100000, s1;
	[bflag:$0x2] =	sbarrier.arrive $0xFFFF  }
0x61: {  	[sflag:s0] =	ssyncadd.tile.s32 @!p0 $0x1;
	_ =	shalt  }
.Lfunc_end1:
_tile_overlayer_lowered:
.L_overlay_start_2:
0x62: {  	(tag) =	ssettag $0x2  }
0x63: {  	s0 =	rddreg [dreg:$0x0];
	s2 =	stileid.u32  }
0x64: {  	s1 =	rddreg [dreg:$0x1];
	p0 =	sne.s32 s2, $0x0  }
0x65: {  	s3 =	rddreg [dreg:$0x2];
	[bflag:$0x3] =	sbarrier.arrive $0xFFFF;
	s2 =	simm.s32 @!p0 $0x1C01  }
0x66: {  	[timem:s3], [sflag:s2] =	dma.local @!p0 [hbm:s0], s1  }
0x67: {  	s0 =	simm.s32 @!p0 $0x1  }
0x68: {  	_ =	swait.ge @!p0 [sflag:s0], s1  }
0x69: {  	s1 =	ssub.s32 @!p0 $0x0, s1;
	[sflag:s0] =	ssyncset.done @!p0 $0x0  }
0x6a: {  	[sflag:s0] =	ssyncadd.s32 @!p0 s1  }
0x6b: {  	[bflag:$0x3] =	sbarrier.arrive $0xFFFF  }
0x6c: {  	_ =	shalt  }

</sc_bundles>
